<compile_context>
chip_gen: v7x
topology: tpu7x:2x2x1
jax: 0.10.2.dev20260603
libtpu: 0.0.44.dev20260713+nightly
codegen_flags: <defaults>
</compile_context>

<pallas_src>
import jax
import jax.numpy as jnp
from jax import lax
from jax.experimental import pallas as pl
from jax.experimental.pallas import tpu as pltpu
from jax.experimental.pallas import tpu_sc as plsc

N_NODES = 10000
N_EDGES = 320000
D = 128
L = 16
NC = 2
NS = 16
NW = NC * NS
E_PER_W = N_EDGES // NW
C = 80
N_CHUNKS = E_PER_W // C
NV = D // L
K = 3


def _sc_body(x_hbm, src_hbm, dst_hbm, dist_hbm, dir_hbm,
             src_all, dst_all, dist_all,
             src_rows0, src_rows1, src_rows2,
             dst_rows0, dst_rows1, dst_rows2,
             dir_v0, dir_v1, dir_v2,
             si, di,
             gs0, gs1, gs2, gd0, gd1, gd2, oa0, oa1, oa2, od):
    src_rows = (src_rows0, src_rows1, src_rows2)
    dst_rows = (dst_rows0, dst_rows1, dst_rows2)
    dir_v = (dir_v0, dir_v1, dir_v2)
    sem_gs = (gs0, gs1, gs2)
    sem_gd = (gd0, gd1, gd2)
    sem_oa = (oa0, oa1, oa2)

    wid = lax.axis_index("s") * NC + lax.axis_index("c")
    base_w = wid * E_PER_W
    lane = lax.iota(jnp.int32, L)

    def ebase(c):
        return base_w + c * C

    H = C // 2

    def start_gather(c, b):
        pltpu.make_async_copy(
            x_hbm.at[src_all.at[pl.ds(c * C, H)]],
            src_rows[b].at[pl.ds(0, H)], sem_gs[b]).start()
        pltpu.make_async_copy(
            x_hbm.at[src_all.at[pl.ds(c * C + H, H)]],
            src_rows[b].at[pl.ds(H, H)], sem_gs[b]).start()
        pltpu.make_async_copy(
            x_hbm.at[dst_all.at[pl.ds(c * C, H)]],
            dst_rows[b].at[pl.ds(0, H)], sem_gd[b]).start()
        pltpu.make_async_copy(
            x_hbm.at[dst_all.at[pl.ds(c * C + H, H)]],
            dst_rows[b].at[pl.ds(H, H)], sem_gd[b]).start()

    def wait_gather(b):
        for h in range(2):
            pltpu.make_async_copy(
                x_hbm.at[src_all.at[pl.ds(0, H)]],
                src_rows[b].at[pl.ds(h * H, H)], sem_gs[b]).wait()
            pltpu.make_async_copy(
                x_hbm.at[dst_all.at[pl.ds(0, H)]],
                dst_rows[b].at[pl.ds(h * H, H)], sem_gd[b]).wait()

    def start_out(c, b):
        pltpu.make_async_copy(
            dir_v[b], dir_hbm.at[pl.ds(ebase(c), C)], sem_oa[b]).start()

    def wait_out(b):
        pltpu.make_async_copy(
            dir_v[b], dir_hbm.at[pl.ds(0, C)], sem_oa[b]).wait()

    shuf = lambda v, perm: jnp.take_along_axis(
        v, perm, axis=0, mode="promise_in_bounds")
    perms = [lane ^ jnp.int32(1 << t) for t in range(4)]
    dmask = lane < 1
    dzero = lane * 0

    def compute(c, b):
        sr, dr, dv = src_rows[b], dst_rows[b], dir_v[b]
        cbase = c * C

        @plsc.parallel_loop(0, C, 1, unroll=1)
        def edge_group(e):
            du = []
            p = None
            for v in range(NV):
                d = sr[e, pl.ds(v * L, L)] - dr[e, pl.ds(v * L, L)]
                du.append(d)
                p = d * d if p is None else p + d * d
            for t in range(4):
                p = p + shuf(p, perms[t])
            m = jnp.maximum(p, jnp.float32(1e-30))
            i = lax.bitcast_convert_type(m, jnp.int32)
            i = jnp.int32(0x5F3759DF) - lax.shift_right_arithmetic(i, 1)
            y = lax.bitcast_convert_type(i, jnp.float32)
            hm = jnp.float32(0.5) * m
            for _ in range(2):
                t = y * y
                t = hm * t
                y = y * (jnp.float32(1.5) - t)
            dist = m * y
            a = jnp.float32(1.0) + dist
            i = lax.bitcast_convert_type(a, jnp.int32)
            i = jnp.int32(0x7EF311C3) - i
            z = lax.bitcast_convert_type(i, jnp.float32)
            for _ in range(3):
                z = z * (jnp.float32(2.0) - a * z)
            plsc.store_scatter(dist_all, [cbase + e + dzero], dist, mask=dmask)
            for v in range(NV):
                dv[e, pl.ds(v * L, L)] = du[v] * z

    pltpu.make_async_copy(
        src_hbm.at[pl.ds(base_w, E_PER_W)], src_all, si).start()
    pltpu.make_async_copy(
        dst_hbm.at[pl.ds(base_w, E_PER_W)], dst_all, di).start()
    pltpu.make_async_copy(
        src_hbm.at[pl.ds(base_w, E_PER_W)], src_all, si).wait()
    pltpu.make_async_copy(
        dst_hbm.at[pl.ds(base_w, E_PER_W)], dst_all, di).wait()
    start_gather(0, 0)
    start_gather(1, 1)

    def triple(j, carry):
        for b in range(K):
            c = K * j + b
            b2 = (b + 2) % K
            @pl.when(c < N_CHUNKS - 2)
            def _():
                start_gather(c + 2, b2)
            wait_gather(b)
            @pl.when(c >= K)
            def _():
                wait_out(b)
            compute(c, b)
            start_out(c, b)
        return carry

    lax.fori_loop(0, (N_CHUNKS - 2) // K, triple, 0)

    for c in (N_CHUNKS - 2, N_CHUNKS - 1):
        b = c % K
        wait_gather(b)
        wait_out(b)
        compute(c, b)
        start_out(c, b)
    wait_out(2)
    wait_out(0)
    wait_out(1)
    pltpu.make_async_copy(
        dist_all, dist_hbm.at[pl.ds(base_w, E_PER_W)], od).start()
    pltpu.make_async_copy(
        dist_all, dist_hbm.at[pl.ds(base_w, E_PER_W)], od).wait()


@jax.jit
def _add_edges_sc(x, src, dst):
    mesh = plsc.VectorSubcoreMesh(core_axis_name="c", subcore_axis_name="s")
    fn = pl.kernel(
        _sc_body,
        mesh=mesh,
        compiler_params=pltpu.CompilerParams(needs_layout_passes=False),
        out_type=[
            jax.ShapeDtypeStruct((N_EDGES,), jnp.float32),
            jax.ShapeDtypeStruct((N_EDGES, D), jnp.float32),
        ],
        scratch_types=(
            [pltpu.VMEM((E_PER_W,), jnp.int32)] * 2
            + [pltpu.VMEM((E_PER_W,), jnp.float32)]
            + [pltpu.VMEM((C, D), jnp.float32)] * 9
            + [pltpu.SemaphoreType.DMA] * 12
        ),
    )
    return fn(x, src, dst)


def kernel(x, edge_index):
    src = edge_index[0].astype(jnp.int32)
    dst = edge_index[1].astype(jnp.int32)
    dist, direction = _add_edges_sc(x, src, dst)
    return dist, direction

# --- scband reference (transcript-rebuilt; emitter-appended) ---
"""Pipeline reference for scband-add-edges-10187662426876 (READ-ONLY COPY).

The authoritative reference and input builder live on the scoring server;
editing this copy changes nothing except your own understanding.
"""

import jax, jax.numpy as jnp
import numpy as np

N_NODES = 10000
N_EDGES = 320000
D_FEAT = 128

def setup_inputs(seed: int = 0) -> dict:
    key = jax.random.key(seed)
    k1, k2, k3 = jax.random.split(key, 3)
    x = jax.random.normal(k1, (N_NODES, D_FEAT), dtype=jnp.float32)
    # Build edge_index with no self-loops so edge_dist > 0 (radius_graph never
    # produces self-loops; also keeps grads well-defined in the bwd variant).
    src = jax.random.randint(k2, (N_EDGES,), 0, N_NODES, dtype=jnp.int64)
    off = jax.random.randint(k3, (N_EDGES,), 1, N_NODES, dtype=jnp.int64)
    dst = (src + off) % N_NODES
    edge_index = jnp.stack([src, dst], axis=0)
    return {"x": x, "edge_index": edge_index}

def reference(x, edge_index):
    # AddEdges.add_edges with should_generate_edge_index=False:
    # gather endpoint features, compute pairwise displacement, distance, and
    # normalized direction r / (1 + |r|).
    r = jnp.take(x, edge_index[0], axis=0) - jnp.take(x, edge_index[1], axis=0)
    edge_dist = jnp.sqrt(jnp.sum(r * r, axis=-1))
    edge_dir = r / (1.0 + edge_dist[:, None])
    return edge_dist, edge_dir

if __name__ == "__main__":
    import jax
    _d = setup_inputs()
    print(jax.jit(kernel)(*tuple(_d.values())))

</pallas_src>

<mosaic_0001>
#map = affine_map<(d0, d1) -> (0, 0)>
#map1 = affine_map<(d0, d1) -> (0)>
module attributes {stable_mosaic.version = 14 : i64} {
  func.func @_sc_body(%arg0: i32, %arg1: i32, %arg2: memref<10000x128xf32, #tpu.memory_space<hbm>>, %arg3: memref<320000xi32, #tpu.memory_space<hbm>>, %arg4: memref<320000xi32, #tpu.memory_space<hbm>>, %arg5: memref<320000xf32, #tpu.memory_space<hbm>>, %arg6: memref<320000x128xf32, #tpu.memory_space<hbm>>, %arg7: memref<10000xi32, #tpu.memory_space<vmem>>, %arg8: memref<10000xi32, #tpu.memory_space<vmem>>, %arg9: memref<10000xf32, #tpu.memory_space<vmem>>, %arg10: memref<80x128xf32, #tpu.memory_space<vmem>>, %arg11: memref<80x128xf32, #tpu.memory_space<vmem>>, %arg12: memref<80x128xf32, #tpu.memory_space<vmem>>, %arg13: memref<80x128xf32, #tpu.memory_space<vmem>>, %arg14: memref<80x128xf32, #tpu.memory_space<vmem>>, %arg15: memref<80x128xf32, #tpu.memory_space<vmem>>, %arg16: memref<80x128xf32, #tpu.memory_space<vmem>>, %arg17: memref<80x128xf32, #tpu.memory_space<vmem>>, %arg18: memref<80x128xf32, #tpu.memory_space<vmem>>, %arg19: memref<!tpu.dma_semaphore, #tpu.memory_space<semaphore_mem>>, %arg20: memref<!tpu.dma_semaphore, #tpu.memory_space<semaphore_mem>>, %arg21: memref<!tpu.dma_semaphore, #tpu.memory_space<semaphore_mem>>, %arg22: memref<!tpu.dma_semaphore, #tpu.memory_space<semaphore_mem>>, %arg23: memref<!tpu.dma_semaphore, #tpu.memory_space<semaphore_mem>>, %arg24: memref<!tpu.dma_semaphore, #tpu.memory_space<semaphore_mem>>, %arg25: memref<!tpu.dma_semaphore, #tpu.memory_space<semaphore_mem>>, %arg26: memref<!tpu.dma_semaphore, #tpu.memory_space<semaphore_mem>>, %arg27: memref<!tpu.dma_semaphore, #tpu.memory_space<semaphore_mem>>, %arg28: memref<!tpu.dma_semaphore, #tpu.memory_space<semaphore_mem>>, %arg29: memref<!tpu.dma_semaphore, #tpu.memory_space<semaphore_mem>>, %arg30: memref<!tpu.dma_semaphore, #tpu.memory_space<semaphore_mem>>) attributes {dimension_semantics = [#tpu.dimension_semantics<core_parallel>, #tpu.dimension_semantics<subcore_parallel>], iteration_bounds = array<i64: 2, 16>, scalar_prefetch = 0 : i64, scratch_operands = 24 : i64, tpu.core_type = #tpu.core_type<sc_vector_subcore>, window_params = [{transform_indices = #map}, {transform_indices = #map1}, {transform_indices = #map1}, {transform_indices = #map1}, {transform_indices = #map}]} {
    %mul3A = arith.constant 2 : i32
    %mul3A_0 = arith.muli %arg1, %mul3A : i32
    %add3A = arith.addi %mul3A_0, %arg0 : i32
    %mul3A_1 = arith.constant 10000 : i32
    %mul3A_2 = arith.muli %add3A, %mul3A_1 : i32
    %iota3A = tpu.iota {dimensions = array<i32: 0>} : vector<16xi32>
    %xor3A = arith.constant 1 : i32
    %xor3A_3 = vector.broadcast %xor3A : i32 to vector<16xi32>
    %xor3A_4 = arith.xori %iota3A, %xor3A_3 : vector<16xi32>
    %xor3A_5 = arith.constant 2 : i32
    %xor3A_6 = vector.broadcast %xor3A_5 : i32 to vector<16xi32>
    %xor3A_7 = arith.xori %iota3A, %xor3A_6 : vector<16xi32>
    %xor3A_8 = arith.constant 4 : i32
    %xor3A_9 = vector.broadcast %xor3A_8 : i32 to vector<16xi32>
    %xor3A_10 = arith.xori %iota3A, %xor3A_9 : vector<16xi32>
    %xor3A_11 = arith.constant 8 : i32
    %xor3A_12 = vector.broadcast %xor3A_11 : i32 to vector<16xi32>
    %xor3A_13 = arith.xori %iota3A, %xor3A_12 : vector<16xi32>
    %lt3A = arith.constant 1 : i32
    %lt3A_14 = vector.broadcast %lt3A : i32 to vector<16xi32>
    %lt3A_15 = arith.cmpi slt, %iota3A, %lt3A_14 : vector<16xi32>
    %mul3A_16 = arith.constant 0 : i32
    %mul3A_17 = vector.broadcast %mul3A_16 : i32 to vector<16xi32>
    %mul3A_18 = arith.muli %iota3A, %mul3A_17 : vector<16xi32>
    %dma_start3A = tpu.memref_slice %arg3[%mul3A_2] : memref<320000xi32, #tpu.memory_space<hbm>> -> memref<10000xi32, #tpu.memory_space<hbm>>
    %dma_start3A_19 = tpu.memref_slice %arg3[%mul3A_2] : memref<320000xi32, #tpu.memory_space<hbm>> -> memref<10000xi32, #tpu.memory_space<hbm>>
    tpu.enqueue_dma source(%dma_start3A_19 : memref<10000xi32, #tpu.memory_space<hbm>>) target(%arg7 : memref<10000xi32, #tpu.memory_space<vmem>>) target_semaphore(%arg19 : memref<!tpu.dma_semaphore, #tpu.memory_space<semaphore_mem>>)
    %dma_start3A_20 = tpu.memref_slice %arg4[%mul3A_2] : memref<320000xi32, #tpu.memory_space<hbm>> -> memref<10000xi32, #tpu.memory_space<hbm>>
    %dma_start3A_21 = tpu.memref_slice %arg4[%mul3A_2] : memref<320000xi32, #tpu.memory_space<hbm>> -> memref<10000xi32, #tpu.memory_space<hbm>>
    tpu.enqueue_dma source(%dma_start3A_21 : memref<10000xi32, #tpu.memory_space<hbm>>) target(%arg8 : memref<10000xi32, #tpu.memory_space<vmem>>) target_semaphore(%arg20 : memref<!tpu.dma_semaphore, #tpu.memory_space<semaphore_mem>>)
    %dma_wait3A = tpu.memref_slice %arg3[%mul3A_2] : memref<320000xi32, #tpu.memory_space<hbm>> -> memref<10000xi32, #tpu.memory_space<hbm>>
    %dma_wait3A_22 = tpu.memref_slice %arg3[%mul3A_2] : memref<320000xi32, #tpu.memory_space<hbm>> -> memref<10000xi32, #tpu.memory_space<hbm>>
    tpu.wait_dma2 semaphore(%arg19 : memref<!tpu.dma_semaphore, #tpu.memory_space<semaphore_mem>>) src(%dma_wait3A_22 : memref<10000xi32, #tpu.memory_space<hbm>>) dst(%arg7 : memref<10000xi32, #tpu.memory_space<vmem>>)
    %dma_wait3A_23 = tpu.memref_slice %arg4[%mul3A_2] : memref<320000xi32, #tpu.memory_space<hbm>> -> memref<10000xi32, #tpu.memory_space<hbm>>
    %dma_wait3A_24 = tpu.memref_slice %arg4[%mul3A_2] : memref<320000xi32, #tpu.memory_space<hbm>> -> memref<10000xi32, #tpu.memory_space<hbm>>
    tpu.wait_dma2 semaphore(%arg20 : memref<!tpu.dma_semaphore, #tpu.memory_space<semaphore_mem>>) src(%dma_wait3A_24 : memref<10000xi32, #tpu.memory_space<hbm>>) dst(%arg8 : memref<10000xi32, #tpu.memory_space<vmem>>)
    %dma_start3A_25 = arith.constant 0 : i32
    %dma_start3A_26 = arith.constant 0 : i32
    %dma_start3A_27 = tpu.memref_slice %arg10[%dma_start3A_25, %dma_start3A_26] : memref<80x128xf32, #tpu.memory_space<vmem>> -> memref<40x128xf32, #tpu.memory_space<vmem>>
    %dma_start3A_28 = arith.constant 0 : i32
    %dma_start3A_29 = tpu.memref_slice %arg7[%dma_start3A_28] : memref<10000xi32, #tpu.memory_space<vmem>> -> memref<40xi32, #tpu.memory_space<vmem>>
    %dma_start3A_30 = arith.constant 0 : i32
    %dma_start3A_31 = arith.constant 0 : i32
    %dma_start3A_32 = tpu.memref_slice %arg2[%dma_start3A_30, %dma_start3A_31] : memref<10000x128xf32, #tpu.memory_space<hbm>> -> memref<10000x128xf32, #tpu.memory_space<hbm>>
    tpu.enqueue_indirect_dma source(%dma_start3A_32 : memref<10000x128xf32, #tpu.memory_space<hbm>>) target(%dma_start3A_27 : memref<40x128xf32, #tpu.memory_space<vmem>>) offsets(%dma_start3A_29 : memref<40xi32, #tpu.memory_space<vmem>>) semaphore(%arg21 : memref<!tpu.dma_semaphore, #tpu.memory_space<semaphore_mem>>)
    %dma_start3A_33 = arith.constant 40 : i32
    %dma_start3A_34 = arith.constant 0 : i32
    %dma_start3A_35 = tpu.memref_slice %arg10[%dma_start3A_33, %dma_start3A_34] : memref<80x128xf32, #tpu.memory_space<vmem>> -> memref<40x128xf32, #tpu.memory_space<vmem>>
    %dma_start3A_36 = arith.constant 40 : i32
    %dma_start3A_37 = tpu.memref_slice %arg7[%dma_start3A_36] : memref<10000xi32, #tpu.memory_space<vmem>> -> memref<40xi32, #tpu.memory_space<vmem>>
    %dma_start3A_38 = arith.constant 0 : i32
    %dma_start3A_39 = arith.constant 0 : i32
    %dma_start3A_40 = tpu.memref_slice %arg2[%dma_start3A_38, %dma_start3A_39] : memref<10000x128xf32, #tpu.memory_space<hbm>> -> memref<10000x128xf32, #tpu.memory_space<hbm>>
    tpu.enqueue_indirect_dma source(%dma_start3A_40 : memref<10000x128xf32, #tpu.memory_space<hbm>>) target(%dma_start3A_35 : memref<40x128xf32, #tpu.memory_space<vmem>>) offsets(%dma_start3A_37 : memref<40xi32, #tpu.memory_space<vmem>>) semaphore(%arg21 : memref<!tpu.dma_semaphore, #tpu.memory_space<semaphore_mem>>)
    %dma_start3A_41 = arith.constant 0 : i32
    %dma_start3A_42 = arith.constant 0 : i32
    %dma_start3A_43 = tpu.memref_slice %arg13[%dma_start3A_41, %dma_start3A_42] : memref<80x128xf32, #tpu.memory_space<vmem>> -> memref<40x128xf32, #tpu.memory_space<vmem>>
    %dma_start3A_44 = arith.constant 0 : i32
    %dma_start3A_45 = tpu.memref_slice %arg8[%dma_start3A_44] : memref<10000xi32, #tpu.memory_space<vmem>> -> memref<40xi32, #tpu.memory_space<vmem>>
    %dma_start3A_46 = arith.constant 0 : i32
    %dma_start3A_47 = arith.constant 0 : i32
    %dma_start3A_48 = tpu.memref_slice %arg2[%dma_start3A_46, %dma_start3A_47] : memref<10000x128xf32, #tpu.memory_space<hbm>> -> memref<10000x128xf32, #tpu.memory_space<hbm>>
    tpu.enqueue_indirect_dma source(%dma_start3A_48 : memref<10000x128xf32, #tpu.memory_space<hbm>>) target(%dma_start3A_43 : memref<40x128xf32, #tpu.memory_space<vmem>>) offsets(%dma_start3A_45 : memref<40xi32, #tpu.memory_space<vmem>>) semaphore(%arg24 : memref<!tpu.dma_semaphore, #tpu.memory_space<semaphore_mem>>)
    %dma_start3A_49 = arith.constant 40 : i32
    %dma_start3A_50 = arith.constant 0 : i32
    %dma_start3A_51 = tpu.memref_slice %arg13[%dma_start3A_49, %dma_start3A_50] : memref<80x128xf32, #tpu.memory_space<vmem>> -> memref<40x128xf32, #tpu.memory_space<vmem>>
    %dma_start3A_52 = arith.constant 40 : i32
    %dma_start3A_53 = tpu.memref_slice %arg8[%dma_start3A_52] : memref<10000xi32, #tpu.memory_space<vmem>> -> memref<40xi32, #tpu.memory_space<vmem>>
    %dma_start3A_54 = arith.constant 0 : i32
    %dma_start3A_55 = arith.constant 0 : i32
    %dma_start3A_56 = tpu.memref_slice %arg2[%dma_start3A_54, %dma_start3A_55] : memref<10000x128xf32, #tpu.memory_space<hbm>> -> memref<10000x128xf32, #tpu.memory_space<hbm>>
    tpu.enqueue_indirect_dma source(%dma_start3A_56 : memref<10000x128xf32, #tpu.memory_space<hbm>>) target(%dma_start3A_51 : memref<40x128xf32, #tpu.memory_space<vmem>>) offsets(%dma_start3A_53 : memref<40xi32, #tpu.memory_space<vmem>>) semaphore(%arg24 : memref<!tpu.dma_semaphore, #tpu.memory_space<semaphore_mem>>)
    %dma_start3A_57 = arith.constant 0 : i32
    %dma_start3A_58 = arith.constant 0 : i32
    %dma_start3A_59 = tpu.memref_slice %arg11[%dma_start3A_57, %dma_start3A_58] : memref<80x128xf32, #tpu.memory_space<vmem>> -> memref<40x128xf32, #tpu.memory_space<vmem>>
    %dma_start3A_60 = arith.constant 80 : i32
    %dma_start3A_61 = tpu.memref_slice %arg7[%dma_start3A_60] : memref<10000xi32, #tpu.memory_space<vmem>> -> memref<40xi32, #tpu.memory_space<vmem>>
    %dma_start3A_62 = arith.constant 0 : i32
    %dma_start3A_63 = arith.constant 0 : i32
    %dma_start3A_64 = tpu.memref_slice %arg2[%dma_start3A_62, %dma_start3A_63] : memref<10000x128xf32, #tpu.memory_space<hbm>> -> memref<10000x128xf32, #tpu.memory_space<hbm>>
    tpu.enqueue_indirect_dma source(%dma_start3A_64 : memref<10000x128xf32, #tpu.memory_space<hbm>>) target(%dma_start3A_59 : memref<40x128xf32, #tpu.memory_space<vmem>>) offsets(%dma_start3A_61 : memref<40xi32, #tpu.memory_space<vmem>>) semaphore(%arg22 : memref<!tpu.dma_semaphore, #tpu.memory_space<semaphore_mem>>)
    %dma_start3A_65 = arith.constant 40 : i32
    %dma_start3A_66 = arith.constant 0 : i32
    %dma_start3A_67 = tpu.memref_slice %arg11[%dma_start3A_65, %dma_start3A_66] : memref<80x128xf32, #tpu.memory_space<vmem>> -> memref<40x128xf32, #tpu.memory_space<vmem>>
    %dma_start3A_68 = arith.constant 120 : i32
    %dma_start3A_69 = tpu.memref_slice %arg7[%dma_start3A_68] : memref<10000xi32, #tpu.memory_space<vmem>> -> memref<40xi32, #tpu.memory_space<vmem>>
    %dma_start3A_70 = arith.constant 0 : i32
    %dma_start3A_71 = arith.constant 0 : i32
    %dma_start3A_72 = tpu.memref_slice %arg2[%dma_start3A_70, %dma_start3A_71] : memref<10000x128xf32, #tpu.memory_space<hbm>> -> memref<10000x128xf32, #tpu.memory_space<hbm>>
    tpu.enqueue_indirect_dma source(%dma_start3A_72 : memref<10000x128xf32, #tpu.memory_space<hbm>>) target(%dma_start3A_67 : memref<40x128xf32, #tpu.memory_space<vmem>>) offsets(%dma_start3A_69 : memref<40xi32, #tpu.memory_space<vmem>>) semaphore(%arg22 : memref<!tpu.dma_semaphore, #tpu.memory_space<semaphore_mem>>)
    %dma_start3A_73 = arith.constant 0 : i32
    %dma_start3A_74 = arith.constant 0 : i32
    %dma_start3A_75 = tpu.memref_slice %arg14[%dma_start3A_73, %dma_start3A_74] : memref<80x128xf32, #tpu.memory_space<vmem>> -> memref<40x128xf32, #tpu.memory_space<vmem>>
    %dma_start3A_76 = arith.constant 80 : i32
    %dma_start3A_77 = tpu.memref_slice %arg8[%dma_start3A_76] : memref<10000xi32, #tpu.memory_space<vmem>> -> memref<40xi32, #tpu.memory_space<vmem>>
    %dma_start3A_78 = arith.constant 0 : i32
    %dma_start3A_79 = arith.constant 0 : i32
    %dma_start3A_80 = tpu.memref_slice %arg2[%dma_start3A_78, %dma_start3A_79] : memref<10000x128xf32, #tpu.memory_space<hbm>> -> memref<10000x128xf32, #tpu.memory_space<hbm>>
    tpu.enqueue_indirect_dma source(%dma_start3A_80 : memref<10000x128xf32, #tpu.memory_space<hbm>>) target(%dma_start3A_75 : memref<40x128xf32, #tpu.memory_space<vmem>>) offsets(%dma_start3A_77 : memref<40xi32, #tpu.memory_space<vmem>>) semaphore(%arg25 : memref<!tpu.dma_semaphore, #tpu.memory_space<semaphore_mem>>)
    %dma_start3A_81 = arith.constant 40 : i32
    %dma_start3A_82 = arith.constant 0 : i32
    %dma_start3A_83 = tpu.memref_slice %arg14[%dma_start3A_81, %dma_start3A_82] : memref<80x128xf32, #tpu.memory_space<vmem>> -> memref<40x128xf32, #tpu.memory_space<vmem>>
    %dma_start3A_84 = arith.constant 120 : i32
    %dma_start3A_85 = tpu.memref_slice %arg8[%dma_start3A_84] : memref<10000xi32, #tpu.memory_space<vmem>> -> memref<40xi32, #tpu.memory_space<vmem>>
    %dma_start3A_86 = arith.constant 0 : i32
    %dma_start3A_87 = arith.constant 0 : i32
    %dma_start3A_88 = tpu.memref_slice %arg2[%dma_start3A_86, %dma_start3A_87] : memref<10000x128xf32, #tpu.memory_space<hbm>> -> memref<10000x128xf32, #tpu.memory_space<hbm>>
    tpu.enqueue_indirect_dma source(%dma_start3A_88 : memref<10000x128xf32, #tpu.memory_space<hbm>>) target(%dma_start3A_83 : memref<40x128xf32, #tpu.memory_space<vmem>>) offsets(%dma_start3A_85 : memref<40xi32, #tpu.memory_space<vmem>>) semaphore(%arg25 : memref<!tpu.dma_semaphore, #tpu.memory_space<semaphore_mem>>)
    %scan3A = arith.constant 0 : i32
    %scan3A_89 = arith.constant 0 : i32
    %scan3A_90 = arith.constant 41 : i32
    %scan3A_91 = arith.addi %scan3A_89, %scan3A_90 : i32
    %scan3A_92 = arith.constant 1 : i32
    scf.for %scan3A_209 = %scan3A_89 to %scan3A_91 step %scan3A_92  : i32 {
      %mul3A_210 = arith.constant 3 : i32
      %mul3A_211 = arith.muli %mul3A_210, %scan3A_209 : i32
      %add3A_212 = arith.constant 0 : i32
      %add3A_213 = arith.addi %mul3A_211, %add3A_212 : i32
      %lt3A_214 = arith.constant 123 : i32
      %lt3A_215 = arith.cmpi slt, %add3A_213, %lt3A_214 : i32
      %convert_element_type3A = arith.extui %lt3A_215 : i1 to i32
      %cond3A = arith.constant 0 : i32
      %cond3A_216 = arith.cmpi ne, %convert_element_type3A, %cond3A : i32
      scf.if %cond3A_216 {
        %add3A_381 = arith.constant 2 : i32
        %add3A_382 = arith.addi %add3A_213, %add3A_381 : i32
        %mul3A_383 = arith.constant 80 : i32
        %mul3A_384 = arith.muli %add3A_382, %mul3A_383 : i32
        %dma_start3A_385 = arith.constant 0 : i32
        %dma_start3A_386 = arith.constant 0 : i32
        %dma_start3A_387 = tpu.memref_slice %arg12[%dma_start3A_385, %dma_start3A_386] : memref<80x128xf32, #tpu.memory_space<vmem>> -> memref<40x128xf32, #tpu.memory_space<vmem>>
        %dma_start3A_388 = tpu.memref_slice %arg7[%mul3A_384] : memref<10000xi32, #tpu.memory_space<vmem>> -> memref<40xi32, #tpu.memory_space<vmem>>
        %dma_start3A_389 = arith.constant 0 : i32
        %dma_start3A_390 = arith.constant 0 : i32
        %dma_start3A_391 = tpu.memref_slice %arg2[%dma_start3A_389, %dma_start3A_390] : memref<10000x128xf32, #tpu.memory_space<hbm>> -> memref<10000x128xf32, #tpu.memory_space<hbm>>
        tpu.enqueue_indirect_dma source(%dma_start3A_391 : memref<10000x128xf32, #tpu.memory_space<hbm>>) target(%dma_start3A_387 : memref<40x128xf32, #tpu.memory_space<vmem>>) offsets(%dma_start3A_388 : memref<40xi32, #tpu.memory_space<vmem>>) semaphore(%arg23 : memref<!tpu.dma_semaphore, #tpu.memory_space<semaphore_mem>>)
        %mul3A_392 = arith.constant 80 : i32
        %mul3A_393 = arith.muli %add3A_382, %mul3A_392 : i32
        %add3A_394 = arith.constant 40 : i32
        %add3A_395 = arith.addi %mul3A_393, %add3A_394 : i32
        %dma_start3A_396 = arith.constant 40 : i32
        %dma_start3A_397 = arith.constant 0 : i32
        %dma_start3A_398 = tpu.memref_slice %arg12[%dma_start3A_396, %dma_start3A_397] : memref<80x128xf32, #tpu.memory_space<vmem>> -> memref<40x128xf32, #tpu.memory_space<vmem>>
        %dma_start3A_399 = tpu.memref_slice %arg7[%add3A_395] : memref<10000xi32, #tpu.memory_space<vmem>> -> memref<40xi32, #tpu.memory_space<vmem>>
        %dma_start3A_400 = arith.constant 0 : i32
        %dma_start3A_401 = arith.constant 0 : i32
        %dma_start3A_402 = tpu.memref_slice %arg2[%dma_start3A_400, %dma_start3A_401] : memref<10000x128xf32, #tpu.memory_space<hbm>> -> memref<10000x128xf32, #tpu.memory_space<hbm>>
        tpu.enqueue_indirect_dma source(%dma_start3A_402 : memref<10000x128xf32, #tpu.memory_space<hbm>>) target(%dma_start3A_398 : memref<40x128xf32, #tpu.memory_space<vmem>>) offsets(%dma_start3A_399 : memref<40xi32, #tpu.memory_space<vmem>>) semaphore(%arg23 : memref<!tpu.dma_semaphore, #tpu.memory_space<semaphore_mem>>)
        %mul3A_403 = arith.constant 80 : i32
        %mul3A_404 = arith.muli %add3A_382, %mul3A_403 : i32
        %dma_start3A_405 = arith.constant 0 : i32
        %dma_start3A_406 = arith.constant 0 : i32
        %dma_start3A_407 = tpu.memref_slice %arg15[%dma_start3A_405, %dma_start3A_406] : memref<80x128xf32, #tpu.memory_space<vmem>> -> memref<40x128xf32, #tpu.memory_space<vmem>>
        %dma_start3A_408 = tpu.memref_slice %arg8[%mul3A_404] : memref<10000xi32, #tpu.memory_space<vmem>> -> memref<40xi32, #tpu.memory_space<vmem>>
        %dma_start3A_409 = arith.constant 0 : i32
        %dma_start3A_410 = arith.constant 0 : i32
        %dma_start3A_411 = tpu.memref_slice %arg2[%dma_start3A_409, %dma_start3A_410] : memref<10000x128xf32, #tpu.memory_space<hbm>> -> memref<10000x128xf32, #tpu.memory_space<hbm>>
        tpu.enqueue_indirect_dma source(%dma_start3A_411 : memref<10000x128xf32, #tpu.memory_space<hbm>>) target(%dma_start3A_407 : memref<40x128xf32, #tpu.memory_space<vmem>>) offsets(%dma_start3A_408 : memref<40xi32, #tpu.memory_space<vmem>>) semaphore(%arg26 : memref<!tpu.dma_semaphore, #tpu.memory_space<semaphore_mem>>)
        %mul3A_412 = arith.constant 80 : i32
        %mul3A_413 = arith.muli %add3A_382, %mul3A_412 : i32
        %add3A_414 = arith.constant 40 : i32
        %add3A_415 = arith.addi %mul3A_413, %add3A_414 : i32
        %dma_start3A_416 = arith.constant 40 : i32
        %dma_start3A_417 = arith.constant 0 : i32
        %dma_start3A_418 = tpu.memref_slice %arg15[%dma_start3A_416, %dma_start3A_417] : memref<80x128xf32, #tpu.memory_space<vmem>> -> memref<40x128xf32, #tpu.memory_space<vmem>>
        %dma_start3A_419 = tpu.memref_slice %arg8[%add3A_415] : memref<10000xi32, #tpu.memory_space<vmem>> -> memref<40xi32, #tpu.memory_space<vmem>>
        %dma_start3A_420 = arith.constant 0 : i32
        %dma_start3A_421 = arith.constant 0 : i32
        %dma_start3A_422 = tpu.memref_slice %arg2[%dma_start3A_420, %dma_start3A_421] : memref<10000x128xf32, #tpu.memory_space<hbm>> -> memref<10000x128xf32, #tpu.memory_space<hbm>>
        tpu.enqueue_indirect_dma source(%dma_start3A_422 : memref<10000x128xf32, #tpu.memory_space<hbm>>) target(%dma_start3A_418 : memref<40x128xf32, #tpu.memory_space<vmem>>) offsets(%dma_start3A_419 : memref<40xi32, #tpu.memory_space<vmem>>) semaphore(%arg26 : memref<!tpu.dma_semaphore, #tpu.memory_space<semaphore_mem>>)
      } else {
      }
      %dma_wait3A_217 = arith.constant 0 : i32
      %dma_wait3A_218 = arith.constant 0 : i32
      %dma_wait3A_219 = tpu.memref_slice %arg10[%dma_wait3A_217, %dma_wait3A_218] : memref<80x128xf32, #tpu.memory_space<vmem>> -> memref<40x128xf32, #tpu.memory_space<vmem>>
      %dma_wait3A_220 = arith.constant 0 : i32
      %dma_wait3A_221 = tpu.memref_slice %arg7[%dma_wait3A_220] : memref<10000xi32, #tpu.memory_space<vmem>> -> memref<40xi32, #tpu.memory_space<vmem>>
      %dma_wait3A_222 = arith.constant 0 : i32
      %dma_wait3A_223 = arith.constant 0 : i32
      %dma_wait3A_224 = tpu.memref_slice %arg2[%dma_wait3A_222, %dma_wait3A_223] : memref<10000x128xf32, #tpu.memory_space<hbm>> -> memref<10000x128xf32, #tpu.memory_space<hbm>>
      tpu.wait_indirect_dma semaphore(%arg21 : memref<!tpu.dma_semaphore, #tpu.memory_space<semaphore_mem>>) src(%dma_wait3A_224 : memref<10000x128xf32, #tpu.memory_space<hbm>>) dst(%dma_wait3A_219 : memref<40x128xf32, #tpu.memory_space<vmem>>)
      %dma_wait3A_225 = arith.constant 0 : i32
      %dma_wait3A_226 = arith.constant 0 : i32
      %dma_wait3A_227 = tpu.memref_slice %arg13[%dma_wait3A_225, %dma_wait3A_226] : memref<80x128xf32, #tpu.memory_space<vmem>> -> memref<40x128xf32, #tpu.memory_space<vmem>>
      %dma_wait3A_228 = arith.constant 0 : i32
      %dma_wait3A_229 = tpu.memref_slice %arg8[%dma_wait3A_228] : memref<10000xi32, #tpu.memory_space<vmem>> -> memref<40xi32, #tpu.memory_space<vmem>>
      %dma_wait3A_230 = arith.constant 0 : i32
      %dma_wait3A_231 = arith.constant 0 : i32
      %dma_wait3A_232 = tpu.memref_slice %arg2[%dma_wait3A_230, %dma_wait3A_231] : memref<10000x128xf32, #tpu.memory_space<hbm>> -> memref<10000x128xf32, #tpu.memory_space<hbm>>
      tpu.wait_indirect_dma semaphore(%arg24 : memref<!tpu.dma_semaphore, #tpu.memory_space<semaphore_mem>>) src(%dma_wait3A_232 : memref<10000x128xf32, #tpu.memory_space<hbm>>) dst(%dma_wait3A_227 : memref<40x128xf32, #tpu.memory_space<vmem>>)
      %dma_wait3A_233 = arith.constant 40 : i32
      %dma_wait3A_234 = arith.constant 0 : i32
      %dma_wait3A_235 = tpu.memref_slice %arg10[%dma_wait3A_233, %dma_wait3A_234] : memref<80x128xf32, #tpu.memory_space<vmem>> -> memref<40x128xf32, #tpu.memory_space<vmem>>
      %dma_wait3A_236 = arith.constant 0 : i32
      %dma_wait3A_237 = tpu.memref_slice %arg7[%dma_wait3A_236] : memref<10000xi32, #tpu.memory_space<vmem>> -> memref<40xi32, #tpu.memory_space<vmem>>
      %dma_wait3A_238 = arith.constant 0 : i32
      %dma_wait3A_239 = arith.constant 0 : i32
      %dma_wait3A_240 = tpu.memref_slice %arg2[%dma_wait3A_238, %dma_wait3A_239] : memref<10000x128xf32, #tpu.memory_space<hbm>> -> memref<10000x128xf32, #tpu.memory_space<hbm>>
      tpu.wait_indirect_dma semaphore(%arg21 : memref<!tpu.dma_semaphore, #tpu.memory_space<semaphore_mem>>) src(%dma_wait3A_240 : memref<10000x128xf32, #tpu.memory_space<hbm>>) dst(%dma_wait3A_235 : memref<40x128xf32, #tpu.memory_space<vmem>>)
      %dma_wait3A_241 = arith.constant 40 : i32
      %dma_wait3A_242 = arith.constant 0 : i32
      %dma_wait3A_243 = tpu.memref_slice %arg13[%dma_wait3A_241, %dma_wait3A_242] : memref<80x128xf32, #tpu.memory_space<vmem>> -> memref<40x128xf32, #tpu.memory_space<vmem>>
      %dma_wait3A_244 = arith.constant 0 : i32
      %dma_wait3A_245 = tpu.memref_slice %arg8[%dma_wait3A_244] : memref<10000xi32, #tpu.memory_space<vmem>> -> memref<40xi32, #tpu.memory_space<vmem>>
      %dma_wait3A_246 = arith.constant 0 : i32
      %dma_wait3A_247 = arith.constant 0 : i32
      %dma_wait3A_248 = tpu.memref_slice %arg2[%dma_wait3A_246, %dma_wait3A_247] : memref<10000x128xf32, #tpu.memory_space<hbm>> -> memref<10000x128xf32, #tpu.memory_space<hbm>>
      tpu.wait_indirect_dma semaphore(%arg24 : memref<!tpu.dma_semaphore, #tpu.memory_space<semaphore_mem>>) src(%dma_wait3A_248 : memref<10000x128xf32, #tpu.memory_space<hbm>>) dst(%dma_wait3A_243 : memref<40x128xf32, #tpu.memory_space<vmem>>)
      %ge3A = arith.constant 3 : i32
      %ge3A_249 = arith.cmpi sge, %add3A_213, %ge3A : i32
      %convert_element_type3A_250 = arith.extui %ge3A_249 : i1 to i32
      %cond3A_251 = arith.constant 0 : i32
      %cond3A_252 = arith.cmpi ne, %convert_element_type3A_250, %cond3A_251 : i32
      scf.if %cond3A_252 {
        %dma_wait3A_381 = arith.constant 0 : i32
        %dma_wait3A_382 = arith.constant 0 : i32
        %dma_wait3A_383 = tpu.memref_slice %arg6[%dma_wait3A_381, %dma_wait3A_382] : memref<320000x128xf32, #tpu.memory_space<hbm>> -> memref<80x128xf32, #tpu.memory_space<hbm>>
        %dma_wait3A_384 = arith.constant 0 : i32
        %dma_wait3A_385 = arith.constant 0 : i32
        %dma_wait3A_386 = tpu.memref_slice %arg6[%dma_wait3A_384, %dma_wait3A_385] : memref<320000x128xf32, #tpu.memory_space<hbm>> -> memref<80x128xf32, #tpu.memory_space<hbm>>
        tpu.wait_dma2 semaphore(%arg27 : memref<!tpu.dma_semaphore, #tpu.memory_space<semaphore_mem>>) src(%arg16 : memref<80x128xf32, #tpu.memory_space<vmem>>) dst(%dma_wait3A_386 : memref<80x128xf32, #tpu.memory_space<hbm>>)
      } else {
      }
      %mul3A_253 = arith.constant 80 : i32
      %mul3A_254 = arith.muli %add3A_213, %mul3A_253 : i32
      %parallel_loop3A_255 = arith.constant 0 : i32
      %parallel_loop3A_256 = arith.constant 80 : i32
      %parallel_loop3A_257 = arith.constant 1 : i32
      scf.for %parallel_loop3A_381 = %parallel_loop3A_255 to %parallel_loop3A_256 step %parallel_loop3A_257  : i32 {
        %parallel_loop3A_382 = arith.index_cast %parallel_loop3A_381 : i32 to index
        %parallel_loop3A_383 = arith.constant 0 : index
        %parallel_loop3A_384 = tpu.vector_load %arg10[%parallel_loop3A_382, %parallel_loop3A_383] {strides = array<i32>} : memref<80x128xf32, #tpu.memory_space<vmem>>, vector<16xf32>,
        %parallel_loop3A_385 = arith.index_cast %parallel_loop3A_381 : i32 to index
        %parallel_loop3A_386 = arith.constant 0 : index
        %parallel_loop3A_387 = tpu.vector_load %arg13[%parallel_loop3A_385, %parallel_loop3A_386] {strides = array<i32>} : memref<80x128xf32, #tpu.memory_space<vmem>>, vector<16xf32>,
        %parallel_loop3A_388 = arith.subf %parallel_loop3A_384, %parallel_loop3A_387 : vector<16xf32>
        %parallel_loop3A_389 = arith.mulf %parallel_loop3A_388, %parallel_loop3A_388 : vector<16xf32>
        %parallel_loop3A_390 = arith.index_cast %parallel_loop3A_381 : i32 to index
        %parallel_loop3A_391 = arith.constant 16 : index
        %parallel_loop3A_392 = tpu.vector_load %arg10[%parallel_loop3A_390, %parallel_loop3A_391] {strides = array<i32>} : memref<80x128xf32, #tpu.memory_space<vmem>>, vector<16xf32>,
        %parallel_loop3A_393 = arith.index_cast %parallel_loop3A_381 : i32 to index
        %parallel_loop3A_394 = arith.constant 16 : index
        %parallel_loop3A_395 = tpu.vector_load %arg13[%parallel_loop3A_393, %parallel_loop3A_394] {strides = array<i32>} : memref<80x128xf32, #tpu.memory_space<vmem>>, vector<16xf32>,
        %parallel_loop3A_396 = arith.subf %parallel_loop3A_392, %parallel_loop3A_395 : vector<16xf32>
        %parallel_loop3A_397 = arith.mulf %parallel_loop3A_396, %parallel_loop3A_396 : vector<16xf32>
        %parallel_loop3A_398 = arith.addf %parallel_loop3A_389, %parallel_loop3A_397 : vector<16xf32>
        %parallel_loop3A_399 = arith.index_cast %parallel_loop3A_381 : i32 to index
        %parallel_loop3A_400 = arith.constant 32 : index
        %parallel_loop3A_401 = tpu.vector_load %arg10[%parallel_loop3A_399, %parallel_loop3A_400] {strides = array<i32>} : memref<80x128xf32, #tpu.memory_space<vmem>>, vector<16xf32>,
        %parallel_loop3A_402 = arith.index_cast %parallel_loop3A_381 : i32 to index
        %parallel_loop3A_403 = arith.constant 32 : index
        %parallel_loop3A_404 = tpu.vector_load %arg13[%parallel_loop3A_402, %parallel_loop3A_403] {strides = array<i32>} : memref<80x128xf32, #tpu.memory_space<vmem>>, vector<16xf32>,
        %parallel_loop3A_405 = arith.subf %parallel_loop3A_401, %parallel_loop3A_404 : vector<16xf32>
        %parallel_loop3A_406 = arith.mulf %parallel_loop3A_405, %parallel_loop3A_405 : vector<16xf32>
        %parallel_loop3A_407 = arith.addf %parallel_loop3A_398, %parallel_loop3A_406 : vector<16xf32>
        %parallel_loop3A_408 = arith.index_cast %parallel_loop3A_381 : i32 to index
        %parallel_loop3A_409 = arith.constant 48 : index
        %parallel_loop3A_410 = tpu.vector_load %arg10[%parallel_loop3A_408, %parallel_loop3A_409] {strides = array<i32>} : memref<80x128xf32, #tpu.memory_space<vmem>>, vector<16xf32>,
        %parallel_loop3A_411 = arith.index_cast %parallel_loop3A_381 : i32 to index
        %parallel_loop3A_412 = arith.constant 48 : index
        %parallel_loop3A_413 = tpu.vector_load %arg13[%parallel_loop3A_411, %parallel_loop3A_412] {strides = array<i32>} : memref<80x128xf32, #tpu.memory_space<vmem>>, vector<16xf32>,
        %parallel_loop3A_414 = arith.subf %parallel_loop3A_410, %parallel_loop3A_413 : vector<16xf32>
        %parallel_loop3A_415 = arith.mulf %parallel_loop3A_414, %parallel_loop3A_414 : vector<16xf32>
        %parallel_loop3A_416 = arith.addf %parallel_loop3A_407, %parallel_loop3A_415 : vector<16xf32>
        %parallel_loop3A_417 = arith.index_cast %parallel_loop3A_381 : i32 to index
        %parallel_loop3A_418 = arith.constant 64 : index
        %parallel_loop3A_419 = tpu.vector_load %arg10[%parallel_loop3A_417, %parallel_loop3A_418] {strides = array<i32>} : memref<80x128xf32, #tpu.memory_space<vmem>>, vector<16xf32>,
        %parallel_loop3A_420 = arith.index_cast %parallel_loop3A_381 : i32 to index
        %parallel_loop3A_421 = arith.constant 64 : index
        %parallel_loop3A_422 = tpu.vector_load %arg13[%parallel_loop3A_420, %parallel_loop3A_421] {strides = array<i32>} : memref<80x128xf32, #tpu.memory_space<vmem>>, vector<16xf32>,
        %parallel_loop3A_423 = arith.subf %parallel_loop3A_419, %parallel_loop3A_422 : vector<16xf32>
        %parallel_loop3A_424 = arith.mulf %parallel_loop3A_423, %parallel_loop3A_423 : vector<16xf32>
        %parallel_loop3A_425 = arith.addf %parallel_loop3A_416, %parallel_loop3A_424 : vector<16xf32>
        %parallel_loop3A_426 = arith.index_cast %parallel_loop3A_381 : i32 to index
        %parallel_loop3A_427 = arith.constant 80 : index
        %parallel_loop3A_428 = tpu.vector_load %arg10[%parallel_loop3A_426, %parallel_loop3A_427] {strides = array<i32>} : memref<80x128xf32, #tpu.memory_space<vmem>>, vector<16xf32>,
        %parallel_loop3A_429 = arith.index_cast %parallel_loop3A_381 : i32 to index
        %parallel_loop3A_430 = arith.constant 80 : index
        %parallel_loop3A_431 = tpu.vector_load %arg13[%parallel_loop3A_429, %parallel_loop3A_430] {strides = array<i32>} : memref<80x128xf32, #tpu.memory_space<vmem>>, vector<16xf32>,
        %parallel_loop3A_432 = arith.subf %parallel_loop3A_428, %parallel_loop3A_431 : vector<16xf32>
        %parallel_loop3A_433 = arith.mulf %parallel_loop3A_432, %parallel_loop3A_432 : vector<16xf32>
        %parallel_loop3A_434 = arith.addf %parallel_loop3A_425, %parallel_loop3A_433 : vector<16xf32>
        %parallel_loop3A_435 = arith.index_cast %parallel_loop3A_381 : i32 to index
        %parallel_loop3A_436 = arith.constant 96 : index
        %parallel_loop3A_437 = tpu.vector_load %arg10[%parallel_loop3A_435, %parallel_loop3A_436] {strides = array<i32>} : memref<80x128xf32, #tpu.memory_space<vmem>>, vector<16xf32>,
        %parallel_loop3A_438 = arith.index_cast %parallel_loop3A_381 : i32 to index
        %parallel_loop3A_439 = arith.constant 96 : index
        %parallel_loop3A_440 = tpu.vector_load %arg13[%parallel_loop3A_438, %parallel_loop3A_439] {strides = array<i32>} : memref<80x128xf32, #tpu.memory_space<vmem>>, vector<16xf32>,
        %parallel_loop3A_441 = arith.subf %parallel_loop3A_437, %parallel_loop3A_440 : vector<16xf32>
        %parallel_loop3A_442 = arith.mulf %parallel_loop3A_441, %parallel_loop3A_441 : vector<16xf32>
        %parallel_loop3A_443 = arith.addf %parallel_loop3A_434, %parallel_loop3A_442 : vector<16xf32>
        %parallel_loop3A_444 = arith.index_cast %parallel_loop3A_381 : i32 to index
        %parallel_loop3A_445 = arith.constant 112 : index
        %parallel_loop3A_446 = tpu.vector_load %arg10[%parallel_loop3A_444, %parallel_loop3A_445] {strides = array<i32>} : memref<80x128xf32, #tpu.memory_space<vmem>>, vector<16xf32>,
        %parallel_loop3A_447 = arith.index_cast %parallel_loop3A_381 : i32 to index
        %parallel_loop3A_448 = arith.constant 112 : index
        %parallel_loop3A_449 = tpu.vector_load %arg13[%parallel_loop3A_447, %parallel_loop3A_448] {strides = array<i32>} : memref<80x128xf32, #tpu.memory_space<vmem>>, vector<16xf32>,
        %parallel_loop3A_450 = arith.subf %parallel_loop3A_446, %parallel_loop3A_449 : vector<16xf32>
        %parallel_loop3A_451 = arith.mulf %parallel_loop3A_450, %parallel_loop3A_450 : vector<16xf32>
        %parallel_loop3A_452 = arith.addf %parallel_loop3A_443, %parallel_loop3A_451 : vector<16xf32>
        %parallel_loop3A_453 = vector.shape_cast %xor3A_4 : vector<16xi32> to vector<16x1xi32>
        %parallel_loop3A_454 = vector.shape_cast %parallel_loop3A_453 : vector<16x1xi32> to vector<16xi32>
        %parallel_loop3A_455 = tpu.dynamic_gather %parallel_loop3A_452[%parallel_loop3A_454] in [0] : vector<16xf32>, vector<16xi32> -> vector<16xf32>
        %parallel_loop3A_456 = arith.addf %parallel_loop3A_452, %parallel_loop3A_455 : vector<16xf32>
        %parallel_loop3A_457 = vector.shape_cast %xor3A_7 : vector<16xi32> to vector<16x1xi32>
        %parallel_loop3A_458 = vector.shape_cast %parallel_loop3A_457 : vector<16x1xi32> to vector<16xi32>
        %parallel_loop3A_459 = tpu.dynamic_gather %parallel_loop3A_456[%parallel_loop3A_458] in [0] : vector<16xf32>, vector<16xi32> -> vector<16xf32>
        %parallel_loop3A_460 = arith.addf %parallel_loop3A_456, %parallel_loop3A_459 : vector<16xf32>
        %parallel_loop3A_461 = vector.shape_cast %xor3A_10 : vector<16xi32> to vector<16x1xi32>
        %parallel_loop3A_462 = vector.shape_cast %parallel_loop3A_461 : vector<16x1xi32> to vector<16xi32>
        %parallel_loop3A_463 = tpu.dynamic_gather %parallel_loop3A_460[%parallel_loop3A_462] in [0] : vector<16xf32>, vector<16xi32> -> vector<16xf32>
        %parallel_loop3A_464 = arith.addf %parallel_loop3A_460, %parallel_loop3A_463 : vector<16xf32>
        %parallel_loop3A_465 = vector.shape_cast %xor3A_13 : vector<16xi32> to vector<16x1xi32>
        %parallel_loop3A_466 = vector.shape_cast %parallel_loop3A_465 : vector<16x1xi32> to vector<16xi32>
        %parallel_loop3A_467 = tpu.dynamic_gather %parallel_loop3A_464[%parallel_loop3A_466] in [0] : vector<16xf32>, vector<16xi32> -> vector<16xf32>
        %parallel_loop3A_468 = arith.addf %parallel_loop3A_464, %parallel_loop3A_467 : vector<16xf32>
        %parallel_loop3A_469 = arith.constant 1.000000e-30 : f32
        %parallel_loop3A_470 = vector.broadcast %parallel_loop3A_469 : f32 to vector<16xf32>
        %parallel_loop3A_471 = arith.maximumf %parallel_loop3A_468, %parallel_loop3A_470 : vector<16xf32>
        %parallel_loop3A_472 = tpu.bitcast %parallel_loop3A_471 : vector<16xf32> -> vector<16xi32>
        %parallel_loop3A_473 = arith.constant 1 : i32
        %parallel_loop3A_474 = vector.broadcast %parallel_loop3A_473 : i32 to vector<16xi32>
        %parallel_loop3A_475 = arith.shrsi %parallel_loop3A_472, %parallel_loop3A_474 : vector<16xi32>
        %parallel_loop3A_476 = arith.constant 1597463007 : i32
        %parallel_loop3A_477 = vector.broadcast %parallel_loop3A_476 : i32 to vector<16xi32>
        %parallel_loop3A_478 = arith.subi %parallel_loop3A_477, %parallel_loop3A_475 : vector<16xi32>
        %parallel_loop3A_479 = tpu.bitcast %parallel_loop3A_478 : vector<16xi32> -> vector<16xf32>
        %parallel_loop3A_480 = arith.constant 5.000000e-01 : f32
        %parallel_loop3A_481 = vector.broadcast %parallel_loop3A_480 : f32 to vector<16xf32>
        %parallel_loop3A_482 = arith.mulf %parallel_loop3A_481, %parallel_loop3A_471 : vector<16xf32>
        %parallel_loop3A_483 = arith.mulf %parallel_loop3A_479, %parallel_loop3A_479 : vector<16xf32>
        %parallel_loop3A_484 = arith.mulf %parallel_loop3A_482, %parallel_loop3A_483 : vector<16xf32>
        %parallel_loop3A_485 = arith.constant 1.500000e+00 : f32
        %parallel_loop3A_486 = vector.broadcast %parallel_loop3A_485 : f32 to vector<16xf32>
        %parallel_loop3A_487 = arith.subf %parallel_loop3A_486, %parallel_loop3A_484 : vector<16xf32>
        %parallel_loop3A_488 = arith.mulf %parallel_loop3A_479, %parallel_loop3A_487 : vector<16xf32>
        %parallel_loop3A_489 = arith.mulf %parallel_loop3A_488, %parallel_loop3A_488 : vector<16xf32>
        %parallel_loop3A_490 = arith.mulf %parallel_loop3A_482, %parallel_loop3A_489 : vector<16xf32>
        %parallel_loop3A_491 = arith.constant 1.500000e+00 : f32
        %parallel_loop3A_492 = vector.broadcast %parallel_loop3A_491 : f32 to vector<16xf32>
        %parallel_loop3A_493 = arith.subf %parallel_loop3A_492, %parallel_loop3A_490 : vector<16xf32>
        %parallel_loop3A_494 = arith.mulf %parallel_loop3A_488, %parallel_loop3A_493 : vector<16xf32>
        %parallel_loop3A_495 = arith.mulf %parallel_loop3A_471, %parallel_loop3A_494 : vector<16xf32>
        %parallel_loop3A_496 = arith.constant 1.000000e+00 : f32
        %parallel_loop3A_497 = vector.broadcast %parallel_loop3A_496 : f32 to vector<16xf32>
        %parallel_loop3A_498 = arith.addf %parallel_loop3A_497, %parallel_loop3A_495 : vector<16xf32>
        %parallel_loop3A_499 = tpu.bitcast %parallel_loop3A_498 : vector<16xf32> -> vector<16xi32>
        %parallel_loop3A_500 = arith.constant 2129859011 : i32
        %parallel_loop3A_501 = vector.broadcast %parallel_loop3A_500 : i32 to vector<16xi32>
        %parallel_loop3A_502 = arith.subi %parallel_loop3A_501, %parallel_loop3A_499 : vector<16xi32>
        %parallel_loop3A_503 = tpu.bitcast %parallel_loop3A_502 : vector<16xi32> -> vector<16xf32>
        %parallel_loop3A_504 = arith.mulf %parallel_loop3A_498, %parallel_loop3A_503 : vector<16xf32>
        %parallel_loop3A_505 = arith.constant 2.000000e+00 : f32
        %parallel_loop3A_506 = vector.broadcast %parallel_loop3A_505 : f32 to vector<16xf32>
        %parallel_loop3A_507 = arith.subf %parallel_loop3A_506, %parallel_loop3A_504 : vector<16xf32>
        %parallel_loop3A_508 = arith.mulf %parallel_loop3A_503, %parallel_loop3A_507 : vector<16xf32>
        %parallel_loop3A_509 = arith.mulf %parallel_loop3A_498, %parallel_loop3A_508 : vector<16xf32>
        %parallel_loop3A_510 = arith.constant 2.000000e+00 : f32
        %parallel_loop3A_511 = vector.broadcast %parallel_loop3A_510 : f32 to vector<16xf32>
        %parallel_loop3A_512 = arith.subf %parallel_loop3A_511, %parallel_loop3A_509 : vector<16xf32>
        %parallel_loop3A_513 = arith.mulf %parallel_loop3A_508, %parallel_loop3A_512 : vector<16xf32>
        %parallel_loop3A_514 = arith.mulf %parallel_loop3A_498, %parallel_loop3A_513 : vector<16xf32>
        %parallel_loop3A_515 = arith.constant 2.000000e+00 : f32
        %parallel_loop3A_516 = vector.broadcast %parallel_loop3A_515 : f32 to vector<16xf32>
        %parallel_loop3A_517 = arith.subf %parallel_loop3A_516, %parallel_loop3A_514 : vector<16xf32>
        %parallel_loop3A_518 = arith.mulf %parallel_loop3A_513, %parallel_loop3A_517 : vector<16xf32>
        %parallel_loop3A_519 = arith.addi %mul3A_254, %parallel_loop3A_381 : i32
        %parallel_loop3A_520 = vector.broadcast %parallel_loop3A_519 : i32 to vector<16xi32>
        %parallel_loop3A_521 = arith.addi %parallel_loop3A_520, %mul3A_18 : vector<16xi32>
        tpu.vector_store_idx %arg9[%parallel_loop3A_521], %parallel_loop3A_495 masked %lt3A_15 : memref<10000xf32, #tpu.memory_space<vmem>>[vector<16xi32>], vector<16xf32>, vector<16xi1>
        %parallel_loop3A_522 = arith.mulf %parallel_loop3A_388, %parallel_loop3A_518 : vector<16xf32>
        %parallel_loop3A_523 = arith.index_cast %parallel_loop3A_381 : i32 to index
        %parallel_loop3A_524 = arith.constant 0 : index
        %parallel_loop3A_525 = tpu.vector_load %arg16[%parallel_loop3A_523, %parallel_loop3A_524] {strides = array<i32>} : memref<80x128xf32, #tpu.memory_space<vmem>>, vector<16xf32>,
        tpu.vector_store %arg16[%parallel_loop3A_523, %parallel_loop3A_524], %parallel_loop3A_522 {strides = array<i32>} : memref<80x128xf32, #tpu.memory_space<vmem>>, vector<16xf32>,
        %parallel_loop3A_526 = arith.mulf %parallel_loop3A_396, %parallel_loop3A_518 : vector<16xf32>
        %parallel_loop3A_527 = arith.index_cast %parallel_loop3A_381 : i32 to index
        %parallel_loop3A_528 = arith.constant 16 : index
        %parallel_loop3A_529 = tpu.vector_load %arg16[%parallel_loop3A_527, %parallel_loop3A_528] {strides = array<i32>} : memref<80x128xf32, #tpu.memory_space<vmem>>, vector<16xf32>,
        tpu.vector_store %arg16[%parallel_loop3A_527, %parallel_loop3A_528], %parallel_loop3A_526 {strides = array<i32>} : memref<80x128xf32, #tpu.memory_space<vmem>>, vector<16xf32>,
        %parallel_loop3A_530 = arith.mulf %parallel_loop3A_405, %parallel_loop3A_518 : vector<16xf32>
        %parallel_loop3A_531 = arith.index_cast %parallel_loop3A_381 : i32 to index
        %parallel_loop3A_532 = arith.constant 32 : index
        %parallel_loop3A_533 = tpu.vector_load %arg16[%parallel_loop3A_531, %parallel_loop3A_532] {strides = array<i32>} : memref<80x128xf32, #tpu.memory_space<vmem>>, vector<16xf32>,
        tpu.vector_store %arg16[%parallel_loop3A_531, %parallel_loop3A_532], %parallel_loop3A_530 {strides = array<i32>} : memref<80x128xf32, #tpu.memory_space<vmem>>, vector<16xf32>,
        %parallel_loop3A_534 = arith.mulf %parallel_loop3A_414, %parallel_loop3A_518 : vector<16xf32>
        %parallel_loop3A_535 = arith.index_cast %parallel_loop3A_381 : i32 to index
        %parallel_loop3A_536 = arith.constant 48 : index
        %parallel_loop3A_537 = tpu.vector_load %arg16[%parallel_loop3A_535, %parallel_loop3A_536] {strides = array<i32>} : memref<80x128xf32, #tpu.memory_space<vmem>>, vector<16xf32>,
        tpu.vector_store %arg16[%parallel_loop3A_535, %parallel_loop3A_536], %parallel_loop3A_534 {strides = array<i32>} : memref<80x128xf32, #tpu.memory_space<vmem>>, vector<16xf32>,
        %parallel_loop3A_538 = arith.mulf %parallel_loop3A_423, %parallel_loop3A_518 : vector<16xf32>
        %parallel_loop3A_539 = arith.index_cast %parallel_loop3A_381 : i32 to index
        %parallel_loop3A_540 = arith.constant 64 : index
        %parallel_loop3A_541 = tpu.vector_load %arg16[%parallel_loop3A_539, %parallel_loop3A_540] {strides = array<i32>} : memref<80x128xf32, #tpu.memory_space<vmem>>, vector<16xf32>,
        tpu.vector_store %arg16[%parallel_loop3A_539, %parallel_loop3A_540], %parallel_loop3A_538 {strides = array<i32>} : memref<80x128xf32, #tpu.memory_space<vmem>>, vector<16xf32>,
        %parallel_loop3A_542 = arith.mulf %parallel_loop3A_432, %parallel_loop3A_518 : vector<16xf32>
        %parallel_loop3A_543 = arith.index_cast %parallel_loop3A_381 : i32 to index
        %parallel_loop3A_544 = arith.constant 80 : index
        %parallel_loop3A_545 = tpu.vector_load %arg16[%parallel_loop3A_543, %parallel_loop3A_544] {strides = array<i32>} : memref<80x128xf32, #tpu.memory_space<vmem>>, vector<16xf32>,
        tpu.vector_store %arg16[%parallel_loop3A_543, %parallel_loop3A_544], %parallel_loop3A_542 {strides = array<i32>} : memref<80x128xf32, #tpu.memory_space<vmem>>, vector<16xf32>,
        %parallel_loop3A_546 = arith.mulf %parallel_loop3A_441, %parallel_loop3A_518 : vector<16xf32>
        %parallel_loop3A_547 = arith.index_cast %parallel_loop3A_381 : i32 to index
        %parallel_loop3A_548 = arith.constant 96 : index
        %parallel_loop3A_549 = tpu.vector_load %arg16[%parallel_loop3A_547, %parallel_loop3A_548] {strides = array<i32>} : memref<80x128xf32, #tpu.memory_space<vmem>>, vector<16xf32>,
        tpu.vector_store %arg16[%parallel_loop3A_547, %parallel_loop3A_548], %parallel_loop3A_546 {strides = array<i32>} : memref<80x128xf32, #tpu.memory_space<vmem>>, vector<16xf32>,
        %parallel_loop3A_550 = arith.mulf %parallel_loop3A_450, %parallel_loop3A_518 : vector<16xf32>
        %parallel_loop3A_551 = arith.index_cast %parallel_loop3A_381 : i32 to index
        %parallel_loop3A_552 = arith.constant 112 : index
        %parallel_loop3A_553 = tpu.vector_load %arg16[%parallel_loop3A_551, %parallel_loop3A_552] {strides = array<i32>} : memref<80x128xf32, #tpu.memory_space<vmem>>, vector<16xf32>,
        tpu.vector_store %arg16[%parallel_loop3A_551, %parallel_loop3A_552], %parallel_loop3A_550 {strides = array<i32>} : memref<80x128xf32, #tpu.memory_space<vmem>>, vector<16xf32>,
      } {sc.loop_unroll_factor = 1 : i64, sc.parallel_access}
      %mul3A_258 = arith.constant 80 : i32
      %mul3A_259 = arith.muli %add3A_213, %mul3A_258 : i32
      %add3A_260 = arith.addi %mul3A_2, %mul3A_259 : i32
      %dma_start3A_261 = arith.constant 0 : i32
      %dma_start3A_262 = tpu.memref_slice %arg6[%add3A_260, %dma_start3A_261] : memref<320000x128xf32, #tpu.memory_space<hbm>> -> memref<80x128xf32, #tpu.memory_space<hbm>>
      %dma_start3A_263 = arith.constant 0 : i32
      %dma_start3A_264 = tpu.memref_slice %arg6[%add3A_260, %dma_start3A_263] : memref<320000x128xf32, #tpu.memory_space<hbm>> -> memref<80x128xf32, #tpu.memory_space<hbm>>
      tpu.enqueue_dma source(%arg16 : memref<80x128xf32, #tpu.memory_space<vmem>>) target(%dma_start3A_264 : memref<80x128xf32, #tpu.memory_space<hbm>>) target_semaphore(%arg27 : memref<!tpu.dma_semaphore, #tpu.memory_space<semaphore_mem>>)
      %mul3A_265 = arith.constant 3 : i32
      %mul3A_266 = arith.muli %mul3A_265, %scan3A_209 : i32
      %add3A_267 = arith.constant 1 : i32
      %add3A_268 = arith.addi %mul3A_266, %add3A_267 : i32
      %lt3A_269 = arith.constant 123 : i32
      %lt3A_270 = arith.cmpi slt, %add3A_268, %lt3A_269 : i32
      %convert_element_type3A_271 = arith.extui %lt3A_270 : i1 to i32
      %cond3A_272 = arith.constant 0 : i32
      %cond3A_273 = arith.cmpi ne, %convert_element_type3A_271, %cond3A_272 : i32
      scf.if %cond3A_273 {
        %add3A_381 = arith.constant 2 : i32
        %add3A_382 = arith.addi %add3A_268, %add3A_381 : i32
        %mul3A_383 = arith.constant 80 : i32
        %mul3A_384 = arith.muli %add3A_382, %mul3A_383 : i32
        %dma_start3A_385 = arith.constant 0 : i32
        %dma_start3A_386 = arith.constant 0 : i32
        %dma_start3A_387 = tpu.memref_slice %arg10[%dma_start3A_385, %dma_start3A_386] : memref<80x128xf32, #tpu.memory_space<vmem>> -> memref<40x128xf32, #tpu.memory_space<vmem>>
        %dma_start3A_388 = tpu.memref_slice %arg7[%mul3A_384] : memref<10000xi32, #tpu.memory_space<vmem>> -> memref<40xi32, #tpu.memory_space<vmem>>
        %dma_start3A_389 = arith.constant 0 : i32
        %dma_start3A_390 = arith.constant 0 : i32
        %dma_start3A_391 = tpu.memref_slice %arg2[%dma_start3A_389, %dma_start3A_390] : memref<10000x128xf32, #tpu.memory_space<hbm>> -> memref<10000x128xf32, #tpu.memory_space<hbm>>
        tpu.enqueue_indirect_dma source(%dma_start3A_391 : memref<10000x128xf32, #tpu.memory_space<hbm>>) target(%dma_start3A_387 : memref<40x128xf32, #tpu.memory_space<vmem>>) offsets(%dma_start3A_388 : memref<40xi32, #tpu.memory_space<vmem>>) semaphore(%arg21 : memref<!tpu.dma_semaphore, #tpu.memory_space<semaphore_mem>>)
        %mul3A_392 = arith.constant 80 : i32
        %mul3A_393 = arith.muli %add3A_382, %mul3A_392 : i32
        %add3A_394 = arith.constant 40 : i32
        %add3A_395 = arith.addi %mul3A_393, %add3A_394 : i32
        %dma_start3A_396 = arith.constant 40 : i32
        %dma_start3A_397 = arith.constant 0 : i32
        %dma_start3A_398 = tpu.memref_slice %arg10[%dma_start3A_396, %dma_start3A_397] : memref<80x128xf32, #tpu.memory_space<vmem>> -> memref<40x128xf32, #tpu.memory_space<vmem>>
        %dma_start3A_399 = tpu.memref_slice %arg7[%add3A_395] : memref<10000xi32, #tpu.memory_space<vmem>> -> memref<40xi32, #tpu.memory_space<vmem>>
        %dma_start3A_400 = arith.constant 0 : i32
        %dma_start3A_401 = arith.constant 0 : i32
        %dma_start3A_402 = tpu.memref_slice %arg2[%dma_start3A_400, %dma_start3A_401] : memref<10000x128xf32, #tpu.memory_space<hbm>> -> memref<10000x128xf32, #tpu.memory_space<hbm>>
        tpu.enqueue_indirect_dma source(%dma_start3A_402 : memref<10000x128xf32, #tpu.memory_space<hbm>>) target(%dma_start3A_398 : memref<40x128xf32, #tpu.memory_space<vmem>>) offsets(%dma_start3A_399 : memref<40xi32, #tpu.memory_space<vmem>>) semaphore(%arg21 : memref<!tpu.dma_semaphore, #tpu.memory_space<semaphore_mem>>)
        %mul3A_403 = arith.constant 80 : i32
        %mul3A_404 = arith.muli %add3A_382, %mul3A_403 : i32
        %dma_start3A_405 = arith.constant 0 : i32
        %dma_start3A_406 = arith.constant 0 : i32
        %dma_start3A_407 = tpu.memref_slice %arg13[%dma_start3A_405, %dma_start3A_406] : memref<80x128xf32, #tpu.memory_space<vmem>> -> memref<40x128xf32, #tpu.memory_space<vmem>>
        %dma_start3A_408 = tpu.memref_slice %arg8[%mul3A_404] : memref<10000xi32, #tpu.memory_space<vmem>> -> memref<40xi32, #tpu.memory_space<vmem>>
        %dma_start3A_409 = arith.constant 0 : i32
        %dma_start3A_410 = arith.constant 0 : i32
        %dma_start3A_411 = tpu.memref_slice %arg2[%dma_start3A_409, %dma_start3A_410] : memref<10000x128xf32, #tpu.memory_space<hbm>> -> memref<10000x128xf32, #tpu.memory_space<hbm>>
        tpu.enqueue_indirect_dma source(%dma_start3A_411 : memref<10000x128xf32, #tpu.memory_space<hbm>>) target(%dma_start3A_407 : memref<40x128xf32, #tpu.memory_space<vmem>>) offsets(%dma_start3A_408 : memref<40xi32, #tpu.memory_space<vmem>>) semaphore(%arg24 : memref<!tpu.dma_semaphore, #tpu.memory_space<semaphore_mem>>)
        %mul3A_412 = arith.constant 80 : i32
        %mul3A_413 = arith.muli %add3A_382, %mul3A_412 : i32
        %add3A_414 = arith.constant 40 : i32
        %add3A_415 = arith.addi %mul3A_413, %add3A_414 : i32
        %dma_start3A_416 = arith.constant 40 : i32
        %dma_start3A_417 = arith.constant 0 : i32
        %dma_start3A_418 = tpu.memref_slice %arg13[%dma_start3A_416, %dma_start3A_417] : memref<80x128xf32, #tpu.memory_space<vmem>> -> memref<40x128xf32, #tpu.memory_space<vmem>>
        %dma_start3A_419 = tpu.memref_slice %arg8[%add3A_415] : memref<10000xi32, #tpu.memory_space<vmem>> -> memref<40xi32, #tpu.memory_space<vmem>>
        %dma_start3A_420 = arith.constant 0 : i32
        %dma_start3A_421 = arith.constant 0 : i32
        %dma_start3A_422 = tpu.memref_slice %arg2[%dma_start3A_420, %dma_start3A_421] : memref<10000x128xf32, #tpu.memory_space<hbm>> -> memref<10000x128xf32, #tpu.memory_space<hbm>>
        tpu.enqueue_indirect_dma source(%dma_start3A_422 : memref<10000x128xf32, #tpu.memory_space<hbm>>) target(%dma_start3A_418 : memref<40x128xf32, #tpu.memory_space<vmem>>) offsets(%dma_start3A_419 : memref<40xi32, #tpu.memory_space<vmem>>) semaphore(%arg24 : memref<!tpu.dma_semaphore, #tpu.memory_space<semaphore_mem>>)
      } else {
      }
      %dma_wait3A_274 = arith.constant 0 : i32
      %dma_wait3A_275 = arith.constant 0 : i32
      %dma_wait3A_276 = tpu.memref_slice %arg11[%dma_wait3A_274, %dma_wait3A_275] : memref<80x128xf32, #tpu.memory_space<vmem>> -> memref<40x128xf32, #tpu.memory_space<vmem>>
      %dma_wait3A_277 = arith.constant 0 : i32
      %dma_wait3A_278 = tpu.memref_slice %arg7[%dma_wait3A_277] : memref<10000xi32, #tpu.memory_space<vmem>> -> memref<40xi32, #tpu.memory_space<vmem>>
      %dma_wait3A_279 = arith.constant 0 : i32
      %dma_wait3A_280 = arith.constant 0 : i32
      %dma_wait3A_281 = tpu.memref_slice %arg2[%dma_wait3A_279, %dma_wait3A_280] : memref<10000x128xf32, #tpu.memory_space<hbm>> -> memref<10000x128xf32, #tpu.memory_space<hbm>>
      tpu.wait_indirect_dma semaphore(%arg22 : memref<!tpu.dma_semaphore, #tpu.memory_space<semaphore_mem>>) src(%dma_wait3A_281 : memref<10000x128xf32, #tpu.memory_space<hbm>>) dst(%dma_wait3A_276 : memref<40x128xf32, #tpu.memory_space<vmem>>)
      %dma_wait3A_282 = arith.constant 0 : i32
      %dma_wait3A_283 = arith.constant 0 : i32
      %dma_wait3A_284 = tpu.memref_slice %arg14[%dma_wait3A_282, %dma_wait3A_283] : memref<80x128xf32, #tpu.memory_space<vmem>> -> memref<40x128xf32, #tpu.memory_space<vmem>>
      %dma_wait3A_285 = arith.constant 0 : i32
      %dma_wait3A_286 = tpu.memref_slice %arg8[%dma_wait3A_285] : memref<10000xi32, #tpu.memory_space<vmem>> -> memref<40xi32, #tpu.memory_space<vmem>>
      %dma_wait3A_287 = arith.constant 0 : i32
      %dma_wait3A_288 = arith.constant 0 : i32
      %dma_wait3A_289 = tpu.memref_slice %arg2[%dma_wait3A_287, %dma_wait3A_288] : memref<10000x128xf32, #tpu.memory_space<hbm>> -> memref<10000x128xf32, #tpu.memory_space<hbm>>
      tpu.wait_indirect_dma semaphore(%arg25 : memref<!tpu.dma_semaphore, #tpu.memory_space<semaphore_mem>>) src(%dma_wait3A_289 : memref<10000x128xf32, #tpu.memory_space<hbm>>) dst(%dma_wait3A_284 : memref<40x128xf32, #tpu.memory_space<vmem>>)
      %dma_wait3A_290 = arith.constant 40 : i32
      %dma_wait3A_291 = arith.constant 0 : i32
      %dma_wait3A_292 = tpu.memref_slice %arg11[%dma_wait3A_290, %dma_wait3A_291] : memref<80x128xf32, #tpu.memory_space<vmem>> -> memref<40x128xf32, #tpu.memory_space<vmem>>
      %dma_wait3A_293 = arith.constant 0 : i32
      %dma_wait3A_294 = tpu.memref_slice %arg7[%dma_wait3A_293] : memref<10000xi32, #tpu.memory_space<vmem>> -> memref<40xi32, #tpu.memory_space<vmem>>
      %dma_wait3A_295 = arith.constant 0 : i32
      %dma_wait3A_296 = arith.constant 0 : i32
      %dma_wait3A_297 = tpu.memref_slice %arg2[%dma_wait3A_295, %dma_wait3A_296] : memref<10000x128xf32, #tpu.memory_space<hbm>> -> memref<10000x128xf32, #tpu.memory_space<hbm>>
      tpu.wait_indirect_dma semaphore(%arg22 : memref<!tpu.dma_semaphore, #tpu.memory_space<semaphore_mem>>) src(%dma_wait3A_297 : memref<10000x128xf32, #tpu.memory_space<hbm>>) dst(%dma_wait3A_292 : memref<40x128xf32, #tpu.memory_space<vmem>>)
      %dma_wait3A_298 = arith.constant 40 : i32
      %dma_wait3A_299 = arith.constant 0 : i32
      %dma_wait3A_300 = tpu.memref_slice %arg14[%dma_wait3A_298, %dma_wait3A_299] : memref<80x128xf32, #tpu.memory_space<vmem>> -> memref<40x128xf32, #tpu.memory_space<vmem>>
      %dma_wait3A_301 = arith.constant 0 : i32
      %dma_wait3A_302 = tpu.memref_slice %arg8[%dma_wait3A_301] : memref<10000xi32, #tpu.memory_space<vmem>> -> memref<40xi32, #tpu.memory_space<vmem>>
      %dma_wait3A_303 = arith.constant 0 : i32
      %dma_wait3A_304 = arith.constant 0 : i32
      %dma_wait3A_305 = tpu.memref_slice %arg2[%dma_wait3A_303, %dma_wait3A_304] : memref<10000x128xf32, #tpu.memory_space<hbm>> -> memref<10000x128xf32, #tpu.memory_space<hbm>>
      tpu.wait_indirect_dma semaphore(%arg25 : memref<!tpu.dma_semaphore, #tpu.memory_space<semaphore_mem>>) src(%dma_wait3A_305 : memref<10000x128xf32, #tpu.memory_space<hbm>>) dst(%dma_wait3A_300 : memref<40x128xf32, #tpu.memory_space<vmem>>)
      %ge3A_306 = arith.constant 3 : i32
      %ge3A_307 = arith.cmpi sge, %add3A_268, %ge3A_306 : i32
      %convert_element_type3A_308 = arith.extui %ge3A_307 : i1 to i32
      %cond3A_309 = arith.constant 0 : i32
      %cond3A_310 = arith.cmpi ne, %convert_element_type3A_308, %cond3A_309 : i32
      scf.if %cond3A_310 {
        %dma_wait3A_381 = arith.constant 0 : i32
        %dma_wait3A_382 = arith.constant 0 : i32
        %dma_wait3A_383 = tpu.memref_slice %arg6[%dma_wait3A_381, %dma_wait3A_382] : memref<320000x128xf32, #tpu.memory_space<hbm>> -> memref<80x128xf32, #tpu.memory_space<hbm>>
        %dma_wait3A_384 = arith.constant 0 : i32
        %dma_wait3A_385 = arith.constant 0 : i32
        %dma_wait3A_386 = tpu.memref_slice %arg6[%dma_wait3A_384, %dma_wait3A_385] : memref<320000x128xf32, #tpu.memory_space<hbm>> -> memref<80x128xf32, #tpu.memory_space<hbm>>
        tpu.wait_dma2 semaphore(%arg28 : memref<!tpu.dma_semaphore, #tpu.memory_space<semaphore_mem>>) src(%arg17 : memref<80x128xf32, #tpu.memory_space<vmem>>) dst(%dma_wait3A_386 : memref<80x128xf32, #tpu.memory_space<hbm>>)
      } else {
      }
      %mul3A_311 = arith.constant 80 : i32
      %mul3A_312 = arith.muli %add3A_268, %mul3A_311 : i32
      %parallel_loop3A_313 = arith.constant 0 : i32
      %parallel_loop3A_314 = arith.constant 80 : i32
      %parallel_loop3A_315 = arith.constant 1 : i32
      scf.for %parallel_loop3A_381 = %parallel_loop3A_313 to %parallel_loop3A_314 step %parallel_loop3A_315  : i32 {
        %parallel_loop3A_382 = arith.index_cast %parallel_loop3A_381 : i32 to index
        %parallel_loop3A_383 = arith.constant 0 : index
        %parallel_loop3A_384 = tpu.vector_load %arg11[%parallel_loop3A_382, %parallel_loop3A_383] {strides = array<i32>} : memref<80x128xf32, #tpu.memory_space<vmem>>, vector<16xf32>,
        %parallel_loop3A_385 = arith.index_cast %parallel_loop3A_381 : i32 to index
        %parallel_loop3A_386 = arith.constant 0 : index
        %parallel_loop3A_387 = tpu.vector_load %arg14[%parallel_loop3A_385, %parallel_loop3A_386] {strides = array<i32>} : memref<80x128xf32, #tpu.memory_space<vmem>>, vector<16xf32>,
        %parallel_loop3A_388 = arith.subf %parallel_loop3A_384, %parallel_loop3A_387 : vector<16xf32>
        %parallel_loop3A_389 = arith.mulf %parallel_loop3A_388, %parallel_loop3A_388 : vector<16xf32>
        %parallel_loop3A_390 = arith.index_cast %parallel_loop3A_381 : i32 to index
        %parallel_loop3A_391 = arith.constant 16 : index
        %parallel_loop3A_392 = tpu.vector_load %arg11[%parallel_loop3A_390, %parallel_loop3A_391] {strides = array<i32>} : memref<80x128xf32, #tpu.memory_space<vmem>>, vector<16xf32>,
        %parallel_loop3A_393 = arith.index_cast %parallel_loop3A_381 : i32 to index
        %parallel_loop3A_394 = arith.constant 16 : index
        %parallel_loop3A_395 = tpu.vector_load %arg14[%parallel_loop3A_393, %parallel_loop3A_394] {strides = array<i32>} : memref<80x128xf32, #tpu.memory_space<vmem>>, vector<16xf32>,
        %parallel_loop3A_396 = arith.subf %parallel_loop3A_392, %parallel_loop3A_395 : vector<16xf32>
        %parallel_loop3A_397 = arith.mulf %parallel_loop3A_396, %parallel_loop3A_396 : vector<16xf32>
        %parallel_loop3A_398 = arith.addf %parallel_loop3A_389, %parallel_loop3A_397 : vector<16xf32>
        %parallel_loop3A_399 = arith.index_cast %parallel_loop3A_381 : i32 to index
        %parallel_loop3A_400 = arith.constant 32 : index
        %parallel_loop3A_401 = tpu.vector_load %arg11[%parallel_loop3A_399, %parallel_loop3A_400] {strides = array<i32>} : memref<80x128xf32, #tpu.memory_space<vmem>>, vector<16xf32>,
        %parallel_loop3A_402 = arith.index_cast %parallel_loop3A_381 : i32 to index
        %parallel_loop3A_403 = arith.constant 32 : index
        %parallel_loop3A_404 = tpu.vector_load %arg14[%parallel_loop3A_402, %parallel_loop3A_403] {strides = array<i32>} : memref<80x128xf32, #tpu.memory_space<vmem>>, vector<16xf32>,
        %parallel_loop3A_405 = arith.subf %parallel_loop3A_401, %parallel_loop3A_404 : vector<16xf32>
        %parallel_loop3A_406 = arith.mulf %parallel_loop3A_405, %parallel_loop3A_405 : vector<16xf32>
        %parallel_loop3A_407 = arith.addf %parallel_loop3A_398, %parallel_loop3A_406 : vector<16xf32>
        %parallel_loop3A_408 = arith.index_cast %parallel_loop3A_381 : i32 to index
        %parallel_loop3A_409 = arith.constant 48 : index
        %parallel_loop3A_410 = tpu.vector_load %arg11[%parallel_loop3A_408, %parallel_loop3A_409] {strides = array<i32>} : memref<80x128xf32, #tpu.memory_space<vmem>>, vector<16xf32>,
        %parallel_loop3A_411 = arith.index_cast %parallel_loop3A_381 : i32 to index
        %parallel_loop3A_412 = arith.constant 48 : index
        %parallel_loop3A_413 = tpu.vector_load %arg14[%parallel_loop3A_411, %parallel_loop3A_412] {strides = array<i32>} : memref<80x128xf32, #tpu.memory_space<vmem>>, vector<16xf32>,
        %parallel_loop3A_414 = arith.subf %parallel_loop3A_410, %parallel_loop3A_413 : vector<16xf32>
        %parallel_loop3A_415 = arith.mulf %parallel_loop3A_414, %parallel_loop3A_414 : vector<16xf32>
        %parallel_loop3A_416 = arith.addf %parallel_loop3A_407, %parallel_loop3A_415 : vector<16xf32>
        %parallel_loop3A_417 = arith.index_cast %parallel_loop3A_381 : i32 to index
        %parallel_loop3A_418 = arith.constant 64 : index
        %parallel_loop3A_419 = tpu.vector_load %arg11[%parallel_loop3A_417, %parallel_loop3A_418] {strides = array<i32>} : memref<80x128xf32, #tpu.memory_space<vmem>>, vector<16xf32>,
        %parallel_loop3A_420 = arith.index_cast %parallel_loop3A_381 : i32 to index
        %parallel_loop3A_421 = arith.constant 64 : index
        %parallel_loop3A_422 = tpu.vector_load %arg14[%parallel_loop3A_420, %parallel_loop3A_421] {strides = array<i32>} : memref<80x128xf32, #tpu.memory_space<vmem>>, vector<16xf32>,
        %parallel_loop3A_423 = arith.subf %parallel_loop3A_419, %parallel_loop3A_422 : vector<16xf32>
        %parallel_loop3A_424 = arith.mulf %parallel_loop3A_423, %parallel_loop3A_423 : vector<16xf32>
        %parallel_loop3A_425 = arith.addf %parallel_loop3A_416, %parallel_loop3A_424 : vector<16xf32>
        %parallel_loop3A_426 = arith.index_cast %parallel_loop3A_381 : i32 to index
        %parallel_loop3A_427 = arith.constant 80 : index
        %parallel_loop3A_428 = tpu.vector_load %arg11[%parallel_loop3A_426, %parallel_loop3A_427] {strides = array<i32>} : memref<80x128xf32, #tpu.memory_space<vmem>>, vector<16xf32>,
        %parallel_loop3A_429 = arith.index_cast %parallel_loop3A_381 : i32 to index
        %parallel_loop3A_430 = arith.constant 80 : index
        %parallel_loop3A_431 = tpu.vector_load %arg14[%parallel_loop3A_429, %parallel_loop3A_430] {strides = array<i32>} : memref<80x128xf32, #tpu.memory_space<vmem>>, vector<16xf32>,
        %parallel_loop3A_432 = arith.subf %parallel_loop3A_428, %parallel_loop3A_431 : vector<16xf32>
        %parallel_loop3A_433 = arith.mulf %parallel_loop3A_432, %parallel_loop3A_432 : vector<16xf32>
        %parallel_loop3A_434 = arith.addf %parallel_loop3A_425, %parallel_loop3A_433 : vector<16xf32>
        %parallel_loop3A_435 = arith.index_cast %parallel_loop3A_381 : i32 to index
        %parallel_loop3A_436 = arith.constant 96 : index
        %parallel_loop3A_437 = tpu.vector_load %arg11[%parallel_loop3A_435, %parallel_loop3A_436] {strides = array<i32>} : memref<80x128xf32, #tpu.memory_space<vmem>>, vector<16xf32>,
        %parallel_loop3A_438 = arith.index_cast %parallel_loop3A_381 : i32 to index
        %parallel_loop3A_439 = arith.constant 96 : index
        %parallel_loop3A_440 = tpu.vector_load %arg14[%parallel_loop3A_438, %parallel_loop3A_439] {strides = array<i32>} : memref<80x128xf32, #tpu.memory_space<vmem>>, vector<16xf32>,
        %parallel_loop3A_441 = arith.subf %parallel_loop3A_437, %parallel_loop3A_440 : vector<16xf32>
        %parallel_loop3A_442 = arith.mulf %parallel_loop3A_441, %parallel_loop3A_441 : vector<16xf32>
        %parallel_loop3A_443 = arith.addf %parallel_loop3A_434, %parallel_loop3A_442 : vector<16xf32>
        %parallel_loop3A_444 = arith.index_cast %parallel_loop3A_381 : i32 to index
        %parallel_loop3A_445 = arith.constant 112 : index
        %parallel_loop3A_446 = tpu.vector_load %arg11[%parallel_loop3A_444, %parallel_loop3A_445] {strides = array<i32>} : memref<80x128xf32, #tpu.memory_space<vmem>>, vector<16xf32>,
        %parallel_loop3A_447 = arith.index_cast %parallel_loop3A_381 : i32 to index
        %parallel_loop3A_448 = arith.constant 112 : index
        %parallel_loop3A_449 = tpu.vector_load %arg14[%parallel_loop3A_447, %parallel_loop3A_448] {strides = array<i32>} : memref<80x128xf32, #tpu.memory_space<vmem>>, vector<16xf32>,
        %parallel_loop3A_450 = arith.subf %parallel_loop3A_446, %parallel_loop3A_449 : vector<16xf32>
        %parallel_loop3A_451 = arith.mulf %parallel_loop3A_450, %parallel_loop3A_450 : vector<16xf32>
        %parallel_loop3A_452 = arith.addf %parallel_loop3A_443, %parallel_loop3A_451 : vector<16xf32>
        %parallel_loop3A_453 = vector.shape_cast %xor3A_4 : vector<16xi32> to vector<16x1xi32>
        %parallel_loop3A_454 = vector.shape_cast %parallel_loop3A_453 : vector<16x1xi32> to vector<16xi32>
        %parallel_loop3A_455 = tpu.dynamic_gather %parallel_loop3A_452[%parallel_loop3A_454] in [0] : vector<16xf32>, vector<16xi32> -> vector<16xf32>
        %parallel_loop3A_456 = arith.addf %parallel_loop3A_452, %parallel_loop3A_455 : vector<16xf32>
        %parallel_loop3A_457 = vector.shape_cast %xor3A_7 : vector<16xi32> to vector<16x1xi32>
        %parallel_loop3A_458 = vector.shape_cast %parallel_loop3A_457 : vector<16x1xi32> to vector<16xi32>
        %parallel_loop3A_459 = tpu.dynamic_gather %parallel_loop3A_456[%parallel_loop3A_458] in [0] : vector<16xf32>, vector<16xi32> -> vector<16xf32>
        %parallel_loop3A_460 = arith.addf %parallel_loop3A_456, %parallel_loop3A_459 : vector<16xf32>
        %parallel_loop3A_461 = vector.shape_cast %xor3A_10 : vector<16xi32> to vector<16x1xi32>
        %parallel_loop3A_462 = vector.shape_cast %parallel_loop3A_461 : vector<16x1xi32> to vector<16xi32>
        %parallel_loop3A_463 = tpu.dynamic_gather %parallel_loop3A_460[%parallel_loop3A_462] in [0] : vector<16xf32>, vector<16xi32> -> vector<16xf32>
        %parallel_loop3A_464 = arith.addf %parallel_loop3A_460, %parallel_loop3A_463 : vector<16xf32>
        %parallel_loop3A_465 = vector.shape_cast %xor3A_13 : vector<16xi32> to vector<16x1xi32>
        %parallel_loop3A_466 = vector.shape_cast %parallel_loop3A_465 : vector<16x1xi32> to vector<16xi32>
        %parallel_loop3A_467 = tpu.dynamic_gather %parallel_loop3A_464[%parallel_loop3A_466] in [0] : vector<16xf32>, vector<16xi32> -> vector<16xf32>
        %parallel_loop3A_468 = arith.addf %parallel_loop3A_464, %parallel_loop3A_467 : vector<16xf32>
        %parallel_loop3A_469 = arith.constant 1.000000e-30 : f32
        %parallel_loop3A_470 = vector.broadcast %parallel_loop3A_469 : f32 to vector<16xf32>
        %parallel_loop3A_471 = arith.maximumf %parallel_loop3A_468, %parallel_loop3A_470 : vector<16xf32>
        %parallel_loop3A_472 = tpu.bitcast %parallel_loop3A_471 : vector<16xf32> -> vector<16xi32>
        %parallel_loop3A_473 = arith.constant 1 : i32
        %parallel_loop3A_474 = vector.broadcast %parallel_loop3A_473 : i32 to vector<16xi32>
        %parallel_loop3A_475 = arith.shrsi %parallel_loop3A_472, %parallel_loop3A_474 : vector<16xi32>
        %parallel_loop3A_476 = arith.constant 1597463007 : i32
        %parallel_loop3A_477 = vector.broadcast %parallel_loop3A_476 : i32 to vector<16xi32>
        %parallel_loop3A_478 = arith.subi %parallel_loop3A_477, %parallel_loop3A_475 : vector<16xi32>
        %parallel_loop3A_479 = tpu.bitcast %parallel_loop3A_478 : vector<16xi32> -> vector<16xf32>
        %parallel_loop3A_480 = arith.constant 5.000000e-01 : f32
        %parallel_loop3A_481 = vector.broadcast %parallel_loop3A_480 : f32 to vector<16xf32>
        %parallel_loop3A_482 = arith.mulf %parallel_loop3A_481, %parallel_loop3A_471 : vector<16xf32>
        %parallel_loop3A_483 = arith.mulf %parallel_loop3A_479, %parallel_loop3A_479 : vector<16xf32>
        %parallel_loop3A_484 = arith.mulf %parallel_loop3A_482, %parallel_loop3A_483 : vector<16xf32>
        %parallel_loop3A_485 = arith.constant 1.500000e+00 : f32
        %parallel_loop3A_486 = vector.broadcast %parallel_loop3A_485 : f32 to vector<16xf32>
        %parallel_loop3A_487 = arith.subf %parallel_loop3A_486, %parallel_loop3A_484 : vector<16xf32>
        %parallel_loop3A_488 = arith.mulf %parallel_loop3A_479, %parallel_loop3A_487 : vector<16xf32>
        %parallel_loop3A_489 = arith.mulf %parallel_loop3A_488, %parallel_loop3A_488 : vector<16xf32>
        %parallel_loop3A_490 = arith.mulf %parallel_loop3A_482, %parallel_loop3A_489 : vector<16xf32>
        %parallel_loop3A_491 = arith.constant 1.500000e+00 : f32
        %parallel_loop3A_492 = vector.broadcast %parallel_loop3A_491 : f32 to vector<16xf32>
        %parallel_loop3A_493 = arith.subf %parallel_loop3A_492, %parallel_loop3A_490 : vector<16xf32>
        %parallel_loop3A_494 = arith.mulf %parallel_loop3A_488, %parallel_loop3A_493 : vector<16xf32>
        %parallel_loop3A_495 = arith.mulf %parallel_loop3A_471, %parallel_loop3A_494 : vector<16xf32>
        %parallel_loop3A_496 = arith.constant 1.000000e+00 : f32
        %parallel_loop3A_497 = vector.broadcast %parallel_loop3A_496 : f32 to vector<16xf32>
        %parallel_loop3A_498 = arith.addf %parallel_loop3A_497, %parallel_loop3A_495 : vector<16xf32>
        %parallel_loop3A_499 = tpu.bitcast %parallel_loop3A_498 : vector<16xf32> -> vector<16xi32>
        %parallel_loop3A_500 = arith.constant 2129859011 : i32
        %parallel_loop3A_501 = vector.broadcast %parallel_loop3A_500 : i32 to vector<16xi32>
        %parallel_loop3A_502 = arith.subi %parallel_loop3A_501, %parallel_loop3A_499 : vector<16xi32>
        %parallel_loop3A_503 = tpu.bitcast %parallel_loop3A_502 : vector<16xi32> -> vector<16xf32>
        %parallel_loop3A_504 = arith.mulf %parallel_loop3A_498, %parallel_loop3A_503 : vector<16xf32>
        %parallel_loop3A_505 = arith.constant 2.000000e+00 : f32
        %parallel_loop3A_506 = vector.broadcast %parallel_loop3A_505 : f32 to vector<16xf32>
        %parallel_loop3A_507 = arith.subf %parallel_loop3A_506, %parallel_loop3A_504 : vector<16xf32>
        %parallel_loop3A_508 = arith.mulf %parallel_loop3A_503, %parallel_loop3A_507 : vector<16xf32>
        %parallel_loop3A_509 = arith.mulf %parallel_loop3A_498, %parallel_loop3A_508 : vector<16xf32>
        %parallel_loop3A_510 = arith.constant 2.000000e+00 : f32
        %parallel_loop3A_511 = vector.broadcast %parallel_loop3A_510 : f32 to vector<16xf32>
        %parallel_loop3A_512 = arith.subf %parallel_loop3A_511, %parallel_loop3A_509 : vector<16xf32>
        %parallel_loop3A_513 = arith.mulf %parallel_loop3A_508, %parallel_loop3A_512 : vector<16xf32>
        %parallel_loop3A_514 = arith.mulf %parallel_loop3A_498, %parallel_loop3A_513 : vector<16xf32>
        %parallel_loop3A_515 = arith.constant 2.000000e+00 : f32
        %parallel_loop3A_516 = vector.broadcast %parallel_loop3A_515 : f32 to vector<16xf32>
        %parallel_loop3A_517 = arith.subf %parallel_loop3A_516, %parallel_loop3A_514 : vector<16xf32>
        %parallel_loop3A_518 = arith.mulf %parallel_loop3A_513, %parallel_loop3A_517 : vector<16xf32>
        %parallel_loop3A_519 = arith.addi %mul3A_312, %parallel_loop3A_381 : i32
        %parallel_loop3A_520 = vector.broadcast %parallel_loop3A_519 : i32 to vector<16xi32>
        %parallel_loop3A_521 = arith.addi %parallel_loop3A_520, %mul3A_18 : vector<16xi32>
        tpu.vector_store_idx %arg9[%parallel_loop3A_521], %parallel_loop3A_495 masked %lt3A_15 : memref<10000xf32, #tpu.memory_space<vmem>>[vector<16xi32>], vector<16xf32>, vector<16xi1>
        %parallel_loop3A_522 = arith.mulf %parallel_loop3A_388, %parallel_loop3A_518 : vector<16xf32>
        %parallel_loop3A_523 = arith.index_cast %parallel_loop3A_381 : i32 to index
        %parallel_loop3A_524 = arith.constant 0 : index
        %parallel_loop3A_525 = tpu.vector_load %arg17[%parallel_loop3A_523, %parallel_loop3A_524] {strides = array<i32>} : memref<80x128xf32, #tpu.memory_space<vmem>>, vector<16xf32>,
        tpu.vector_store %arg17[%parallel_loop3A_523, %parallel_loop3A_524], %parallel_loop3A_522 {strides = array<i32>} : memref<80x128xf32, #tpu.memory_space<vmem>>, vector<16xf32>,
        %parallel_loop3A_526 = arith.mulf %parallel_loop3A_396, %parallel_loop3A_518 : vector<16xf32>
        %parallel_loop3A_527 = arith.index_cast %parallel_loop3A_381 : i32 to index
        %parallel_loop3A_528 = arith.constant 16 : index
        %parallel_loop3A_529 = tpu.vector_load %arg17[%parallel_loop3A_527, %parallel_loop3A_528] {strides = array<i32>} : memref<80x128xf32, #tpu.memory_space<vmem>>, vector<16xf32>,
        tpu.vector_store %arg17[%parallel_loop3A_527, %parallel_loop3A_528], %parallel_loop3A_526 {strides = array<i32>} : memref<80x128xf32, #tpu.memory_space<vmem>>, vector<16xf32>,
        %parallel_loop3A_530 = arith.mulf %parallel_loop3A_405, %parallel_loop3A_518 : vector<16xf32>
        %parallel_loop3A_531 = arith.index_cast %parallel_loop3A_381 : i32 to index
        %parallel_loop3A_532 = arith.constant 32 : index
        %parallel_loop3A_533 = tpu.vector_load %arg17[%parallel_loop3A_531, %parallel_loop3A_532] {strides = array<i32>} : memref<80x128xf32, #tpu.memory_space<vmem>>, vector<16xf32>,
        tpu.vector_store %arg17[%parallel_loop3A_531, %parallel_loop3A_532], %parallel_loop3A_530 {strides = array<i32>} : memref<80x128xf32, #tpu.memory_space<vmem>>, vector<16xf32>,
        %parallel_loop3A_534 = arith.mulf %parallel_loop3A_414, %parallel_loop3A_518 : vector<16xf32>
        %parallel_loop3A_535 = arith.index_cast %parallel_loop3A_381 : i32 to index
        %parallel_loop3A_536 = arith.constant 48 : index
        %parallel_loop3A_537 = tpu.vector_load %arg17[%parallel_loop3A_535, %parallel_loop3A_536] {strides = array<i32>} : memref<80x128xf32, #tpu.memory_space<vmem>>, vector<16xf32>,
        tpu.vector_store %arg17[%parallel_loop3A_535, %parallel_loop3A_536], %parallel_loop3A_534 {strides = array<i32>} : memref<80x128xf32, #tpu.memory_space<vmem>>, vector<16xf32>,
        %parallel_loop3A_538 = arith.mulf %parallel_loop3A_423, %parallel_loop3A_518 : vector<16xf32>
        %parallel_loop3A_539 = arith.index_cast %parallel_loop3A_381 : i32 to index
        %parallel_loop3A_540 = arith.constant 64 : index
        %parallel_loop3A_541 = tpu.vector_load %arg17[%parallel_loop3A_539, %parallel_loop3A_540] {strides = array<i32>} : memref<80x128xf32, #tpu.memory_space<vmem>>, vector<16xf32>,
        tpu.vector_store %arg17[%parallel_loop3A_539, %parallel_loop3A_540], %parallel_loop3A_538 {strides = array<i32>} : memref<80x128xf32, #tpu.memory_space<vmem>>, vector<16xf32>,
        %parallel_loop3A_542 = arith.mulf %parallel_loop3A_432, %parallel_loop3A_518 : vector<16xf32>
        %parallel_loop3A_543 = arith.index_cast %parallel_loop3A_381 : i32 to index
        %parallel_loop3A_544 = arith.constant 80 : index
        %parallel_loop3A_545 = tpu.vector_load %arg17[%parallel_loop3A_543, %parallel_loop3A_544] {strides = array<i32>} : memref<80x128xf32, #tpu.memory_space<vmem>>, vector<16xf32>,
        tpu.vector_store %arg17[%parallel_loop3A_543, %parallel_loop3A_544], %parallel_loop3A_542 {strides = array<i32>} : memref<80x128xf32, #tpu.memory_space<vmem>>, vector<16xf32>,
        %parallel_loop3A_546 = arith.mulf %parallel_loop3A_441, %parallel_loop3A_518 : vector<16xf32>
        %parallel_loop3A_547 = arith.index_cast %parallel_loop3A_381 : i32 to index
        %parallel_loop3A_548 = arith.constant 96 : index
        %parallel_loop3A_549 = tpu.vector_load %arg17[%parallel_loop3A_547, %parallel_loop3A_548] {strides = array<i32>} : memref<80x128xf32, #tpu.memory_space<vmem>>, vector<16xf32>,
        tpu.vector_store %arg17[%parallel_loop3A_547, %parallel_loop3A_548], %parallel_loop3A_546 {strides = array<i32>} : memref<80x128xf32, #tpu.memory_space<vmem>>, vector<16xf32>,
        %parallel_loop3A_550 = arith.mulf %parallel_loop3A_450, %parallel_loop3A_518 : vector<16xf32>
        %parallel_loop3A_551 = arith.index_cast %parallel_loop3A_381 : i32 to index
        %parallel_loop3A_552 = arith.constant 112 : index
        %parallel_loop3A_553 = tpu.vector_load %arg17[%parallel_loop3A_551, %parallel_loop3A_552] {strides = array<i32>} : memref<80x128xf32, #tpu.memory_space<vmem>>, vector<16xf32>,
        tpu.vector_store %arg17[%parallel_loop3A_551, %parallel_loop3A_552], %parallel_loop3A_550 {strides = array<i32>} : memref<80x128xf32, #tpu.memory_space<vmem>>, vector<16xf32>,
      } {sc.loop_unroll_factor = 1 : i64, sc.parallel_access}
      %mul3A_316 = arith.constant 80 : i32
      %mul3A_317 = arith.muli %add3A_268, %mul3A_316 : i32
      %add3A_318 = arith.addi %mul3A_2, %mul3A_317 : i32
      %dma_start3A_319 = arith.constant 0 : i32
      %dma_start3A_320 = tpu.memref_slice %arg6[%add3A_318, %dma_start3A_319] : memref<320000x128xf32, #tpu.memory_space<hbm>> -> memref<80x128xf32, #tpu.memory_space<hbm>>
      %dma_start3A_321 = arith.constant 0 : i32
      %dma_start3A_322 = tpu.memref_slice %arg6[%add3A_318, %dma_start3A_321] : memref<320000x128xf32, #tpu.memory_space<hbm>> -> memref<80x128xf32, #tpu.memory_space<hbm>>
      tpu.enqueue_dma source(%arg17 : memref<80x128xf32, #tpu.memory_space<vmem>>) target(%dma_start3A_322 : memref<80x128xf32, #tpu.memory_space<hbm>>) target_semaphore(%arg28 : memref<!tpu.dma_semaphore, #tpu.memory_space<semaphore_mem>>)
      %mul3A_323 = arith.constant 3 : i32
      %mul3A_324 = arith.muli %mul3A_323, %scan3A_209 : i32
      %add3A_325 = arith.constant 2 : i32
      %add3A_326 = arith.addi %mul3A_324, %add3A_325 : i32
      %lt3A_327 = arith.constant 123 : i32
      %lt3A_328 = arith.cmpi slt, %add3A_326, %lt3A_327 : i32
      %convert_element_type3A_329 = arith.extui %lt3A_328 : i1 to i32
      %cond3A_330 = arith.constant 0 : i32
      %cond3A_331 = arith.cmpi ne, %convert_element_type3A_329, %cond3A_330 : i32
      scf.if %cond3A_331 {
        %add3A_381 = arith.constant 2 : i32
        %add3A_382 = arith.addi %add3A_326, %add3A_381 : i32
        %mul3A_383 = arith.constant 80 : i32
        %mul3A_384 = arith.muli %add3A_382, %mul3A_383 : i32
        %dma_start3A_385 = arith.constant 0 : i32
        %dma_start3A_386 = arith.constant 0 : i32
        %dma_start3A_387 = tpu.memref_slice %arg11[%dma_start3A_385, %dma_start3A_386] : memref<80x128xf32, #tpu.memory_space<vmem>> -> memref<40x128xf32, #tpu.memory_space<vmem>>
        %dma_start3A_388 = tpu.memref_slice %arg7[%mul3A_384] : memref<10000xi32, #tpu.memory_space<vmem>> -> memref<40xi32, #tpu.memory_space<vmem>>
        %dma_start3A_389 = arith.constant 0 : i32
        %dma_start3A_390 = arith.constant 0 : i32
        %dma_start3A_391 = tpu.memref_slice %arg2[%dma_start3A_389, %dma_start3A_390] : memref<10000x128xf32, #tpu.memory_space<hbm>> -> memref<10000x128xf32, #tpu.memory_space<hbm>>
        tpu.enqueue_indirect_dma source(%dma_start3A_391 : memref<10000x128xf32, #tpu.memory_space<hbm>>) target(%dma_start3A_387 : memref<40x128xf32, #tpu.memory_space<vmem>>) offsets(%dma_start3A_388 : memref<40xi32, #tpu.memory_space<vmem>>) semaphore(%arg22 : memref<!tpu.dma_semaphore, #tpu.memory_space<semaphore_mem>>)
        %mul3A_392 = arith.constant 80 : i32
        %mul3A_393 = arith.muli %add3A_382, %mul3A_392 : i32
        %add3A_394 = arith.constant 40 : i32
        %add3A_395 = arith.addi %mul3A_393, %add3A_394 : i32
        %dma_start3A_396 = arith.constant 40 : i32
        %dma_start3A_397 = arith.constant 0 : i32
        %dma_start3A_398 = tpu.memref_slice %arg11[%dma_start3A_396, %dma_start3A_397] : memref<80x128xf32, #tpu.memory_space<vmem>> -> memref<40x128xf32, #tpu.memory_space<vmem>>
        %dma_start3A_399 = tpu.memref_slice %arg7[%add3A_395] : memref<10000xi32, #tpu.memory_space<vmem>> -> memref<40xi32, #tpu.memory_space<vmem>>
        %dma_start3A_400 = arith.constant 0 : i32
        %dma_start3A_401 = arith.constant 0 : i32
        %dma_start3A_402 = tpu.memref_slice %arg2[%dma_start3A_400, %dma_start3A_401] : memref<10000x128xf32, #tpu.memory_space<hbm>> -> memref<10000x128xf32, #tpu.memory_space<hbm>>
        tpu.enqueue_indirect_dma source(%dma_start3A_402 : memref<10000x128xf32, #tpu.memory_space<hbm>>) target(%dma_start3A_398 : memref<40x128xf32, #tpu.memory_space<vmem>>) offsets(%dma_start3A_399 : memref<40xi32, #tpu.memory_space<vmem>>) semaphore(%arg22 : memref<!tpu.dma_semaphore, #tpu.memory_space<semaphore_mem>>)
        %mul3A_403 = arith.constant 80 : i32
        %mul3A_404 = arith.muli %add3A_382, %mul3A_403 : i32
        %dma_start3A_405 = arith.constant 0 : i32
        %dma_start3A_406 = arith.constant 0 : i32
        %dma_start3A_407 = tpu.memref_slice %arg14[%dma_start3A_405, %dma_start3A_406] : memref<80x128xf32, #tpu.memory_space<vmem>> -> memref<40x128xf32, #tpu.memory_space<vmem>>
        %dma_start3A_408 = tpu.memref_slice %arg8[%mul3A_404] : memref<10000xi32, #tpu.memory_space<vmem>> -> memref<40xi32, #tpu.memory_space<vmem>>
        %dma_start3A_409 = arith.constant 0 : i32
        %dma_start3A_410 = arith.constant 0 : i32
        %dma_start3A_411 = tpu.memref_slice %arg2[%dma_start3A_409, %dma_start3A_410] : memref<10000x128xf32, #tpu.memory_space<hbm>> -> memref<10000x128xf32, #tpu.memory_space<hbm>>
        tpu.enqueue_indirect_dma source(%dma_start3A_411 : memref<10000x128xf32, #tpu.memory_space<hbm>>) target(%dma_start3A_407 : memref<40x128xf32, #tpu.memory_space<vmem>>) offsets(%dma_start3A_408 : memref<40xi32, #tpu.memory_space<vmem>>) semaphore(%arg25 : memref<!tpu.dma_semaphore, #tpu.memory_space<semaphore_mem>>)
        %mul3A_412 = arith.constant 80 : i32
        %mul3A_413 = arith.muli %add3A_382, %mul3A_412 : i32
        %add3A_414 = arith.constant 40 : i32
        %add3A_415 = arith.addi %mul3A_413, %add3A_414 : i32
        %dma_start3A_416 = arith.constant 40 : i32
        %dma_start3A_417 = arith.constant 0 : i32
        %dma_start3A_418 = tpu.memref_slice %arg14[%dma_start3A_416, %dma_start3A_417] : memref<80x128xf32, #tpu.memory_space<vmem>> -> memref<40x128xf32, #tpu.memory_space<vmem>>
        %dma_start3A_419 = tpu.memref_slice %arg8[%add3A_415] : memref<10000xi32, #tpu.memory_space<vmem>> -> memref<40xi32, #tpu.memory_space<vmem>>
        %dma_start3A_420 = arith.constant 0 : i32
        %dma_start3A_421 = arith.constant 0 : i32
        %dma_start3A_422 = tpu.memref_slice %arg2[%dma_start3A_420, %dma_start3A_421] : memref<10000x128xf32, #tpu.memory_space<hbm>> -> memref<10000x128xf32, #tpu.memory_space<hbm>>
        tpu.enqueue_indirect_dma source(%dma_start3A_422 : memref<10000x128xf32, #tpu.memory_space<hbm>>) target(%dma_start3A_418 : memref<40x128xf32, #tpu.memory_space<vmem>>) offsets(%dma_start3A_419 : memref<40xi32, #tpu.memory_space<vmem>>) semaphore(%arg25 : memref<!tpu.dma_semaphore, #tpu.memory_space<semaphore_mem>>)
      } else {
      }
      %dma_wait3A_332 = arith.constant 0 : i32
      %dma_wait3A_333 = arith.constant 0 : i32
      %dma_wait3A_334 = tpu.memref_slice %arg12[%dma_wait3A_332, %dma_wait3A_333] : memref<80x128xf32, #tpu.memory_space<vmem>> -> memref<40x128xf32, #tpu.memory_space<vmem>>
      %dma_wait3A_335 = arith.constant 0 : i32
      %dma_wait3A_336 = tpu.memref_slice %arg7[%dma_wait3A_335] : memref<10000xi32, #tpu.memory_space<vmem>> -> memref<40xi32, #tpu.memory_space<vmem>>
      %dma_wait3A_337 = arith.constant 0 : i32
      %dma_wait3A_338 = arith.constant 0 : i32
      %dma_wait3A_339 = tpu.memref_slice %arg2[%dma_wait3A_337, %dma_wait3A_338] : memref<10000x128xf32, #tpu.memory_space<hbm>> -> memref<10000x128xf32, #tpu.memory_space<hbm>>
      tpu.wait_indirect_dma semaphore(%arg23 : memref<!tpu.dma_semaphore, #tpu.memory_space<semaphore_mem>>) src(%dma_wait3A_339 : memref<10000x128xf32, #tpu.memory_space<hbm>>) dst(%dma_wait3A_334 : memref<40x128xf32, #tpu.memory_space<vmem>>)
      %dma_wait3A_340 = arith.constant 0 : i32
      %dma_wait3A_341 = arith.constant 0 : i32
      %dma_wait3A_342 = tpu.memref_slice %arg15[%dma_wait3A_340, %dma_wait3A_341] : memref<80x128xf32, #tpu.memory_space<vmem>> -> memref<40x128xf32, #tpu.memory_space<vmem>>
      %dma_wait3A_343 = arith.constant 0 : i32
      %dma_wait3A_344 = tpu.memref_slice %arg8[%dma_wait3A_343] : memref<10000xi32, #tpu.memory_space<vmem>> -> memref<40xi32, #tpu.memory_space<vmem>>
      %dma_wait3A_345 = arith.constant 0 : i32
      %dma_wait3A_346 = arith.constant 0 : i32
      %dma_wait3A_347 = tpu.memref_slice %arg2[%dma_wait3A_345, %dma_wait3A_346] : memref<10000x128xf32, #tpu.memory_space<hbm>> -> memref<10000x128xf32, #tpu.memory_space<hbm>>
      tpu.wait_indirect_dma semaphore(%arg26 : memref<!tpu.dma_semaphore, #tpu.memory_space<semaphore_mem>>) src(%dma_wait3A_347 : memref<10000x128xf32, #tpu.memory_space<hbm>>) dst(%dma_wait3A_342 : memref<40x128xf32, #tpu.memory_space<vmem>>)
      %dma_wait3A_348 = arith.constant 40 : i32
      %dma_wait3A_349 = arith.constant 0 : i32
      %dma_wait3A_350 = tpu.memref_slice %arg12[%dma_wait3A_348, %dma_wait3A_349] : memref<80x128xf32, #tpu.memory_space<vmem>> -> memref<40x128xf32, #tpu.memory_space<vmem>>
      %dma_wait3A_351 = arith.constant 0 : i32
      %dma_wait3A_352 = tpu.memref_slice %arg7[%dma_wait3A_351] : memref<10000xi32, #tpu.memory_space<vmem>> -> memref<40xi32, #tpu.memory_space<vmem>>
      %dma_wait3A_353 = arith.constant 0 : i32
      %dma_wait3A_354 = arith.constant 0 : i32
      %dma_wait3A_355 = tpu.memref_slice %arg2[%dma_wait3A_353, %dma_wait3A_354] : memref<10000x128xf32, #tpu.memory_space<hbm>> -> memref<10000x128xf32, #tpu.memory_space<hbm>>
      tpu.wait_indirect_dma semaphore(%arg23 : memref<!tpu.dma_semaphore, #tpu.memory_space<semaphore_mem>>) src(%dma_wait3A_355 : memref<10000x128xf32, #tpu.memory_space<hbm>>) dst(%dma_wait3A_350 : memref<40x128xf32, #tpu.memory_space<vmem>>)
      %dma_wait3A_356 = arith.constant 40 : i32
      %dma_wait3A_357 = arith.constant 0 : i32
      %dma_wait3A_358 = tpu.memref_slice %arg15[%dma_wait3A_356, %dma_wait3A_357] : memref<80x128xf32, #tpu.memory_space<vmem>> -> memref<40x128xf32, #tpu.memory_space<vmem>>
      %dma_wait3A_359 = arith.constant 0 : i32
      %dma_wait3A_360 = tpu.memref_slice %arg8[%dma_wait3A_359] : memref<10000xi32, #tpu.memory_space<vmem>> -> memref<40xi32, #tpu.memory_space<vmem>>
      %dma_wait3A_361 = arith.constant 0 : i32
      %dma_wait3A_362 = arith.constant 0 : i32
      %dma_wait3A_363 = tpu.memref_slice %arg2[%dma_wait3A_361, %dma_wait3A_362] : memref<10000x128xf32, #tpu.memory_space<hbm>> -> memref<10000x128xf32, #tpu.memory_space<hbm>>
      tpu.wait_indirect_dma semaphore(%arg26 : memref<!tpu.dma_semaphore, #tpu.memory_space<semaphore_mem>>) src(%dma_wait3A_363 : memref<10000x128xf32, #tpu.memory_space<hbm>>) dst(%dma_wait3A_358 : memref<40x128xf32, #tpu.memory_space<vmem>>)
      %ge3A_364 = arith.constant 3 : i32
      %ge3A_365 = arith.cmpi sge, %add3A_326, %ge3A_364 : i32
      %convert_element_type3A_366 = arith.extui %ge3A_365 : i1 to i32
      %cond3A_367 = arith.constant 0 : i32
      %cond3A_368 = arith.cmpi ne, %convert_element_type3A_366, %cond3A_367 : i32
      scf.if %cond3A_368 {
        %dma_wait3A_381 = arith.constant 0 : i32
        %dma_wait3A_382 = arith.constant 0 : i32
        %dma_wait3A_383 = tpu.memref_slice %arg6[%dma_wait3A_381, %dma_wait3A_382] : memref<320000x128xf32, #tpu.memory_space<hbm>> -> memref<80x128xf32, #tpu.memory_space<hbm>>
        %dma_wait3A_384 = arith.constant 0 : i32
        %dma_wait3A_385 = arith.constant 0 : i32
        %dma_wait3A_386 = tpu.memref_slice %arg6[%dma_wait3A_384, %dma_wait3A_385] : memref<320000x128xf32, #tpu.memory_space<hbm>> -> memref<80x128xf32, #tpu.memory_space<hbm>>
        tpu.wait_dma2 semaphore(%arg29 : memref<!tpu.dma_semaphore, #tpu.memory_space<semaphore_mem>>) src(%arg18 : memref<80x128xf32, #tpu.memory_space<vmem>>) dst(%dma_wait3A_386 : memref<80x128xf32, #tpu.memory_space<hbm>>)
      } else {
      }
      %mul3A_369 = arith.constant 80 : i32
      %mul3A_370 = arith.muli %add3A_326, %mul3A_369 : i32
      %parallel_loop3A_371 = arith.constant 0 : i32
      %parallel_loop3A_372 = arith.constant 80 : i32
      %parallel_loop3A_373 = arith.constant 1 : i32
      scf.for %parallel_loop3A_381 = %parallel_loop3A_371 to %parallel_loop3A_372 step %parallel_loop3A_373  : i32 {
        %parallel_loop3A_382 = arith.index_cast %parallel_loop3A_381 : i32 to index
        %parallel_loop3A_383 = arith.constant 0 : index
        %parallel_loop3A_384 = tpu.vector_load %arg12[%parallel_loop3A_382, %parallel_loop3A_383] {strides = array<i32>} : memref<80x128xf32, #tpu.memory_space<vmem>>, vector<16xf32>,
        %parallel_loop3A_385 = arith.index_cast %parallel_loop3A_381 : i32 to index
        %parallel_loop3A_386 = arith.constant 0 : index
        %parallel_loop3A_387 = tpu.vector_load %arg15[%parallel_loop3A_385, %parallel_loop3A_386] {strides = array<i32>} : memref<80x128xf32, #tpu.memory_space<vmem>>, vector<16xf32>,
        %parallel_loop3A_388 = arith.subf %parallel_loop3A_384, %parallel_loop3A_387 : vector<16xf32>
        %parallel_loop3A_389 = arith.mulf %parallel_loop3A_388, %parallel_loop3A_388 : vector<16xf32>
        %parallel_loop3A_390 = arith.index_cast %parallel_loop3A_381 : i32 to index
        %parallel_loop3A_391 = arith.constant 16 : index
        %parallel_loop3A_392 = tpu.vector_load %arg12[%parallel_loop3A_390, %parallel_loop3A_391] {strides = array<i32>} : memref<80x128xf32, #tpu.memory_space<vmem>>, vector<16xf32>,
        %parallel_loop3A_393 = arith.index_cast %parallel_loop3A_381 : i32 to index
        %parallel_loop3A_394 = arith.constant 16 : index
        %parallel_loop3A_395 = tpu.vector_load %arg15[%parallel_loop3A_393, %parallel_loop3A_394] {strides = array<i32>} : memref<80x128xf32, #tpu.memory_space<vmem>>, vector<16xf32>,
        %parallel_loop3A_396 = arith.subf %parallel_loop3A_392, %parallel_loop3A_395 : vector<16xf32>
        %parallel_loop3A_397 = arith.mulf %parallel_loop3A_396, %parallel_loop3A_396 : vector<16xf32>
        %parallel_loop3A_398 = arith.addf %parallel_loop3A_389, %parallel_loop3A_397 : vector<16xf32>
        %parallel_loop3A_399 = arith.index_cast %parallel_loop3A_381 : i32 to index
        %parallel_loop3A_400 = arith.constant 32 : index
        %parallel_loop3A_401 = tpu.vector_load %arg12[%parallel_loop3A_399, %parallel_loop3A_400] {strides = array<i32>} : memref<80x128xf32, #tpu.memory_space<vmem>>, vector<16xf32>,
        %parallel_loop3A_402 = arith.index_cast %parallel_loop3A_381 : i32 to index
        %parallel_loop3A_403 = arith.constant 32 : index
        %parallel_loop3A_404 = tpu.vector_load %arg15[%parallel_loop3A_402, %parallel_loop3A_403] {strides = array<i32>} : memref<80x128xf32, #tpu.memory_space<vmem>>, vector<16xf32>,
        %parallel_loop3A_405 = arith.subf %parallel_loop3A_401, %parallel_loop3A_404 : vector<16xf32>
        %parallel_loop3A_406 = arith.mulf %parallel_loop3A_405, %parallel_loop3A_405 : vector<16xf32>
        %parallel_loop3A_407 = arith.addf %parallel_loop3A_398, %parallel_loop3A_406 : vector<16xf32>
        %parallel_loop3A_408 = arith.index_cast %parallel_loop3A_381 : i32 to index
        %parallel_loop3A_409 = arith.constant 48 : index
        %parallel_loop3A_410 = tpu.vector_load %arg12[%parallel_loop3A_408, %parallel_loop3A_409] {strides = array<i32>} : memref<80x128xf32, #tpu.memory_space<vmem>>, vector<16xf32>,
        %parallel_loop3A_411 = arith.index_cast %parallel_loop3A_381 : i32 to index
        %parallel_loop3A_412 = arith.constant 48 : index
        %parallel_loop3A_413 = tpu.vector_load %arg15[%parallel_loop3A_411, %parallel_loop3A_412] {strides = array<i32>} : memref<80x128xf32, #tpu.memory_space<vmem>>, vector<16xf32>,
        %parallel_loop3A_414 = arith.subf %parallel_loop3A_410, %parallel_loop3A_413 : vector<16xf32>
        %parallel_loop3A_415 = arith.mulf %parallel_loop3A_414, %parallel_loop3A_414 : vector<16xf32>
        %parallel_loop3A_416 = arith.addf %parallel_loop3A_407, %parallel_loop3A_415 : vector<16xf32>
        %parallel_loop3A_417 = arith.index_cast %parallel_loop3A_381 : i32 to index
        %parallel_loop3A_418 = arith.constant 64 : index
        %parallel_loop3A_419 = tpu.vector_load %arg12[%parallel_loop3A_417, %parallel_loop3A_418] {strides = array<i32>} : memref<80x128xf32, #tpu.memory_space<vmem>>, vector<16xf32>,
        %parallel_loop3A_420 = arith.index_cast %parallel_loop3A_381 : i32 to index
        %parallel_loop3A_421 = arith.constant 64 : index
        %parallel_loop3A_422 = tpu.vector_load %arg15[%parallel_loop3A_420, %parallel_loop3A_421] {strides = array<i32>} : memref<80x128xf32, #tpu.memory_space<vmem>>, vector<16xf32>,
        %parallel_loop3A_423 = arith.subf %parallel_loop3A_419, %parallel_loop3A_422 : vector<16xf32>
        %parallel_loop3A_424 = arith.mulf %parallel_loop3A_423, %parallel_loop3A_423 : vector<16xf32>
        %parallel_loop3A_425 = arith.addf %parallel_loop3A_416, %parallel_loop3A_424 : vector<16xf32>
        %parallel_loop3A_426 = arith.index_cast %parallel_loop3A_381 : i32 to index
        %parallel_loop3A_427 = arith.constant 80 : index
        %parallel_loop3A_428 = tpu.vector_load %arg12[%parallel_loop3A_426, %parallel_loop3A_427] {strides = array<i32>} : memref<80x128xf32, #tpu.memory_space<vmem>>, vector<16xf32>,
        %parallel_loop3A_429 = arith.index_cast %parallel_loop3A_381 : i32 to index
        %parallel_loop3A_430 = arith.constant 80 : index
        %parallel_loop3A_431 = tpu.vector_load %arg15[%parallel_loop3A_429, %parallel_loop3A_430] {strides = array<i32>} : memref<80x128xf32, #tpu.memory_space<vmem>>, vector<16xf32>,
        %parallel_loop3A_432 = arith.subf %parallel_loop3A_428, %parallel_loop3A_431 : vector<16xf32>
        %parallel_loop3A_433 = arith.mulf %parallel_loop3A_432, %parallel_loop3A_432 : vector<16xf32>
        %parallel_loop3A_434 = arith.addf %parallel_loop3A_425, %parallel_loop3A_433 : vector<16xf32>
        %parallel_loop3A_435 = arith.index_cast %parallel_loop3A_381 : i32 to index
        %parallel_loop3A_436 = arith.constant 96 : index
        %parallel_loop3A_437 = tpu.vector_load %arg12[%parallel_loop3A_435, %parallel_loop3A_436] {strides = array<i32>} : memref<80x128xf32, #tpu.memory_space<vmem>>, vector<16xf32>,
        %parallel_loop3A_438 = arith.index_cast %parallel_loop3A_381 : i32 to index
        %parallel_loop3A_439 = arith.constant 96 : index
        %parallel_loop3A_440 = tpu.vector_load %arg15[%parallel_loop3A_438, %parallel_loop3A_439] {strides = array<i32>} : memref<80x128xf32, #tpu.memory_space<vmem>>, vector<16xf32>,
        %parallel_loop3A_441 = arith.subf %parallel_loop3A_437, %parallel_loop3A_440 : vector<16xf32>
        %parallel_loop3A_442 = arith.mulf %parallel_loop3A_441, %parallel_loop3A_441 : vector<16xf32>
        %parallel_loop3A_443 = arith.addf %parallel_loop3A_434, %parallel_loop3A_442 : vector<16xf32>
        %parallel_loop3A_444 = arith.index_cast %parallel_loop3A_381 : i32 to index
        %parallel_loop3A_445 = arith.constant 112 : index
        %parallel_loop3A_446 = tpu.vector_load %arg12[%parallel_loop3A_444, %parallel_loop3A_445] {strides = array<i32>} : memref<80x128xf32, #tpu.memory_space<vmem>>, vector<16xf32>,
        %parallel_loop3A_447 = arith.index_cast %parallel_loop3A_381 : i32 to index
        %parallel_loop3A_448 = arith.constant 112 : index
        %parallel_loop3A_449 = tpu.vector_load %arg15[%parallel_loop3A_447, %parallel_loop3A_448] {strides = array<i32>} : memref<80x128xf32, #tpu.memory_space<vmem>>, vector<16xf32>,
        %parallel_loop3A_450 = arith.subf %parallel_loop3A_446, %parallel_loop3A_449 : vector<16xf32>
        %parallel_loop3A_451 = arith.mulf %parallel_loop3A_450, %parallel_loop3A_450 : vector<16xf32>
        %parallel_loop3A_452 = arith.addf %parallel_loop3A_443, %parallel_loop3A_451 : vector<16xf32>
        %parallel_loop3A_453 = vector.shape_cast %xor3A_4 : vector<16xi32> to vector<16x1xi32>
        %parallel_loop3A_454 = vector.shape_cast %parallel_loop3A_453 : vector<16x1xi32> to vector<16xi32>
        %parallel_loop3A_455 = tpu.dynamic_gather %parallel_loop3A_452[%parallel_loop3A_454] in [0] : vector<16xf32>, vector<16xi32> -> vector<16xf32>
        %parallel_loop3A_456 = arith.addf %parallel_loop3A_452, %parallel_loop3A_455 : vector<16xf32>
        %parallel_loop3A_457 = vector.shape_cast %xor3A_7 : vector<16xi32> to vector<16x1xi32>
        %parallel_loop3A_458 = vector.shape_cast %parallel_loop3A_457 : vector<16x1xi32> to vector<16xi32>
        %parallel_loop3A_459 = tpu.dynamic_gather %parallel_loop3A_456[%parallel_loop3A_458] in [0] : vector<16xf32>, vector<16xi32> -> vector<16xf32>
        %parallel_loop3A_460 = arith.addf %parallel_loop3A_456, %parallel_loop3A_459 : vector<16xf32>
        %parallel_loop3A_461 = vector.shape_cast %xor3A_10 : vector<16xi32> to vector<16x1xi32>
        %parallel_loop3A_462 = vector.shape_cast %parallel_loop3A_461 : vector<16x1xi32> to vector<16xi32>
        %parallel_loop3A_463 = tpu.dynamic_gather %parallel_loop3A_460[%parallel_loop3A_462] in [0] : vector<16xf32>, vector<16xi32> -> vector<16xf32>
        %parallel_loop3A_464 = arith.addf %parallel_loop3A_460, %parallel_loop3A_463 : vector<16xf32>
        %parallel_loop3A_465 = vector.shape_cast %xor3A_13 : vector<16xi32> to vector<16x1xi32>
        %parallel_loop3A_466 = vector.shape_cast %parallel_loop3A_465 : vector<16x1xi32> to vector<16xi32>
        %parallel_loop3A_467 = tpu.dynamic_gather %parallel_loop3A_464[%parallel_loop3A_466] in [0] : vector<16xf32>, vector<16xi32> -> vector<16xf32>
        %parallel_loop3A_468 = arith.addf %parallel_loop3A_464, %parallel_loop3A_467 : vector<16xf32>
        %parallel_loop3A_469 = arith.constant 1.000000e-30 : f32
        %parallel_loop3A_470 = vector.broadcast %parallel_loop3A_469 : f32 to vector<16xf32>
        %parallel_loop3A_471 = arith.maximumf %parallel_loop3A_468, %parallel_loop3A_470 : vector<16xf32>
        %parallel_loop3A_472 = tpu.bitcast %parallel_loop3A_471 : vector<16xf32> -> vector<16xi32>
        %parallel_loop3A_473 = arith.constant 1 : i32
        %parallel_loop3A_474 = vector.broadcast %parallel_loop3A_473 : i32 to vector<16xi32>
        %parallel_loop3A_475 = arith.shrsi %parallel_loop3A_472, %parallel_loop3A_474 : vector<16xi32>
        %parallel_loop3A_476 = arith.constant 1597463007 : i32
        %parallel_loop3A_477 = vector.broadcast %parallel_loop3A_476 : i32 to vector<16xi32>
        %parallel_loop3A_478 = arith.subi %parallel_loop3A_477, %parallel_loop3A_475 : vector<16xi32>
        %parallel_loop3A_479 = tpu.bitcast %parallel_loop3A_478 : vector<16xi32> -> vector<16xf32>
        %parallel_loop3A_480 = arith.constant 5.000000e-01 : f32
        %parallel_loop3A_481 = vector.broadcast %parallel_loop3A_480 : f32 to vector<16xf32>
        %parallel_loop3A_482 = arith.mulf %parallel_loop3A_481, %parallel_loop3A_471 : vector<16xf32>
        %parallel_loop3A_483 = arith.mulf %parallel_loop3A_479, %parallel_loop3A_479 : vector<16xf32>
        %parallel_loop3A_484 = arith.mulf %parallel_loop3A_482, %parallel_loop3A_483 : vector<16xf32>
        %parallel_loop3A_485 = arith.constant 1.500000e+00 : f32
        %parallel_loop3A_486 = vector.broadcast %parallel_loop3A_485 : f32 to vector<16xf32>
        %parallel_loop3A_487 = arith.subf %parallel_loop3A_486, %parallel_loop3A_484 : vector<16xf32>
        %parallel_loop3A_488 = arith.mulf %parallel_loop3A_479, %parallel_loop3A_487 : vector<16xf32>
        %parallel_loop3A_489 = arith.mulf %parallel_loop3A_488, %parallel_loop3A_488 : vector<16xf32>
        %parallel_loop3A_490 = arith.mulf %parallel_loop3A_482, %parallel_loop3A_489 : vector<16xf32>
        %parallel_loop3A_491 = arith.constant 1.500000e+00 : f32
        %parallel_loop3A_492 = vector.broadcast %parallel_loop3A_491 : f32 to vector<16xf32>
        %parallel_loop3A_493 = arith.subf %parallel_loop3A_492, %parallel_loop3A_490 : vector<16xf32>
        %parallel_loop3A_494 = arith.mulf %parallel_loop3A_488, %parallel_loop3A_493 : vector<16xf32>
        %parallel_loop3A_495 = arith.mulf %parallel_loop3A_471, %parallel_loop3A_494 : vector<16xf32>
        %parallel_loop3A_496 = arith.constant 1.000000e+00 : f32
        %parallel_loop3A_497 = vector.broadcast %parallel_loop3A_496 : f32 to vector<16xf32>
        %parallel_loop3A_498 = arith.addf %parallel_loop3A_497, %parallel_loop3A_495 : vector<16xf32>
        %parallel_loop3A_499 = tpu.bitcast %parallel_loop3A_498 : vector<16xf32> -> vector<16xi32>
        %parallel_loop3A_500 = arith.constant 2129859011 : i32
        %parallel_loop3A_501 = vector.broadcast %parallel_loop3A_500 : i32 to vector<16xi32>
        %parallel_loop3A_502 = arith.subi %parallel_loop3A_501, %parallel_loop3A_499 : vector<16xi32>
        %parallel_loop3A_503 = tpu.bitcast %parallel_loop3A_502 : vector<16xi32> -> vector<16xf32>
        %parallel_loop3A_504 = arith.mulf %parallel_loop3A_498, %parallel_loop3A_503 : vector<16xf32>
        %parallel_loop3A_505 = arith.constant 2.000000e+00 : f32
        %parallel_loop3A_506 = vector.broadcast %parallel_loop3A_505 : f32 to vector<16xf32>
        %parallel_loop3A_507 = arith.subf %parallel_loop3A_506, %parallel_loop3A_504 : vector<16xf32>
        %parallel_loop3A_508 = arith.mulf %parallel_loop3A_503, %parallel_loop3A_507 : vector<16xf32>
        %parallel_loop3A_509 = arith.mulf %parallel_loop3A_498, %parallel_loop3A_508 : vector<16xf32>
        %parallel_loop3A_510 = arith.constant 2.000000e+00 : f32
        %parallel_loop3A_511 = vector.broadcast %parallel_loop3A_510 : f32 to vector<16xf32>
        %parallel_loop3A_512 = arith.subf %parallel_loop3A_511, %parallel_loop3A_509 : vector<16xf32>
        %parallel_loop3A_513 = arith.mulf %parallel_loop3A_508, %parallel_loop3A_512 : vector<16xf32>
        %parallel_loop3A_514 = arith.mulf %parallel_loop3A_498, %parallel_loop3A_513 : vector<16xf32>
        %parallel_loop3A_515 = arith.constant 2.000000e+00 : f32
        %parallel_loop3A_516 = vector.broadcast %parallel_loop3A_515 : f32 to vector<16xf32>
        %parallel_loop3A_517 = arith.subf %parallel_loop3A_516, %parallel_loop3A_514 : vector<16xf32>
        %parallel_loop3A_518 = arith.mulf %parallel_loop3A_513, %parallel_loop3A_517 : vector<16xf32>
        %parallel_loop3A_519 = arith.addi %mul3A_370, %parallel_loop3A_381 : i32
        %parallel_loop3A_520 = vector.broadcast %parallel_loop3A_519 : i32 to vector<16xi32>
        %parallel_loop3A_521 = arith.addi %parallel_loop3A_520, %mul3A_18 : vector<16xi32>
        tpu.vector_store_idx %arg9[%parallel_loop3A_521], %parallel_loop3A_495 masked %lt3A_15 : memref<10000xf32, #tpu.memory_space<vmem>>[vector<16xi32>], vector<16xf32>, vector<16xi1>
        %parallel_loop3A_522 = arith.mulf %parallel_loop3A_388, %parallel_loop3A_518 : vector<16xf32>
        %parallel_loop3A_523 = arith.index_cast %parallel_loop3A_381 : i32 to index
        %parallel_loop3A_524 = arith.constant 0 : index
        %parallel_loop3A_525 = tpu.vector_load %arg18[%parallel_loop3A_523, %parallel_loop3A_524] {strides = array<i32>} : memref<80x128xf32, #tpu.memory_space<vmem>>, vector<16xf32>,
        tpu.vector_store %arg18[%parallel_loop3A_523, %parallel_loop3A_524], %parallel_loop3A_522 {strides = array<i32>} : memref<80x128xf32, #tpu.memory_space<vmem>>, vector<16xf32>,
        %parallel_loop3A_526 = arith.mulf %parallel_loop3A_396, %parallel_loop3A_518 : vector<16xf32>
        %parallel_loop3A_527 = arith.index_cast %parallel_loop3A_381 : i32 to index
        %parallel_loop3A_528 = arith.constant 16 : index
        %parallel_loop3A_529 = tpu.vector_load %arg18[%parallel_loop3A_527, %parallel_loop3A_528] {strides = array<i32>} : memref<80x128xf32, #tpu.memory_space<vmem>>, vector<16xf32>,
        tpu.vector_store %arg18[%parallel_loop3A_527, %parallel_loop3A_528], %parallel_loop3A_526 {strides = array<i32>} : memref<80x128xf32, #tpu.memory_space<vmem>>, vector<16xf32>,
        %parallel_loop3A_530 = arith.mulf %parallel_loop3A_405, %parallel_loop3A_518 : vector<16xf32>
        %parallel_loop3A_531 = arith.index_cast %parallel_loop3A_381 : i32 to index
        %parallel_loop3A_532 = arith.constant 32 : index
        %parallel_loop3A_533 = tpu.vector_load %arg18[%parallel_loop3A_531, %parallel_loop3A_532] {strides = array<i32>} : memref<80x128xf32, #tpu.memory_space<vmem>>, vector<16xf32>,
        tpu.vector_store %arg18[%parallel_loop3A_531, %parallel_loop3A_532], %parallel_loop3A_530 {strides = array<i32>} : memref<80x128xf32, #tpu.memory_space<vmem>>, vector<16xf32>,
        %parallel_loop3A_534 = arith.mulf %parallel_loop3A_414, %parallel_loop3A_518 : vector<16xf32>
        %parallel_loop3A_535 = arith.index_cast %parallel_loop3A_381 : i32 to index
        %parallel_loop3A_536 = arith.constant 48 : index
        %parallel_loop3A_537 = tpu.vector_load %arg18[%parallel_loop3A_535, %parallel_loop3A_536] {strides = array<i32>} : memref<80x128xf32, #tpu.memory_space<vmem>>, vector<16xf32>,
        tpu.vector_store %arg18[%parallel_loop3A_535, %parallel_loop3A_536], %parallel_loop3A_534 {strides = array<i32>} : memref<80x128xf32, #tpu.memory_space<vmem>>, vector<16xf32>,
        %parallel_loop3A_538 = arith.mulf %parallel_loop3A_423, %parallel_loop3A_518 : vector<16xf32>
        %parallel_loop3A_539 = arith.index_cast %parallel_loop3A_381 : i32 to index
        %parallel_loop3A_540 = arith.constant 64 : index
        %parallel_loop3A_541 = tpu.vector_load %arg18[%parallel_loop3A_539, %parallel_loop3A_540] {strides = array<i32>} : memref<80x128xf32, #tpu.memory_space<vmem>>, vector<16xf32>,
        tpu.vector_store %arg18[%parallel_loop3A_539, %parallel_loop3A_540], %parallel_loop3A_538 {strides = array<i32>} : memref<80x128xf32, #tpu.memory_space<vmem>>, vector<16xf32>,
        %parallel_loop3A_542 = arith.mulf %parallel_loop3A_432, %parallel_loop3A_518 : vector<16xf32>
        %parallel_loop3A_543 = arith.index_cast %parallel_loop3A_381 : i32 to index
        %parallel_loop3A_544 = arith.constant 80 : index
        %parallel_loop3A_545 = tpu.vector_load %arg18[%parallel_loop3A_543, %parallel_loop3A_544] {strides = array<i32>} : memref<80x128xf32, #tpu.memory_space<vmem>>, vector<16xf32>,
        tpu.vector_store %arg18[%parallel_loop3A_543, %parallel_loop3A_544], %parallel_loop3A_542 {strides = array<i32>} : memref<80x128xf32, #tpu.memory_space<vmem>>, vector<16xf32>,
        %parallel_loop3A_546 = arith.mulf %parallel_loop3A_441, %parallel_loop3A_518 : vector<16xf32>
        %parallel_loop3A_547 = arith.index_cast %parallel_loop3A_381 : i32 to index
        %parallel_loop3A_548 = arith.constant 96 : index
        %parallel_loop3A_549 = tpu.vector_load %arg18[%parallel_loop3A_547, %parallel_loop3A_548] {strides = array<i32>} : memref<80x128xf32, #tpu.memory_space<vmem>>, vector<16xf32>,
        tpu.vector_store %arg18[%parallel_loop3A_547, %parallel_loop3A_548], %parallel_loop3A_546 {strides = array<i32>} : memref<80x128xf32, #tpu.memory_space<vmem>>, vector<16xf32>,
        %parallel_loop3A_550 = arith.mulf %parallel_loop3A_450, %parallel_loop3A_518 : vector<16xf32>
        %parallel_loop3A_551 = arith.index_cast %parallel_loop3A_381 : i32 to index
        %parallel_loop3A_552 = arith.constant 112 : index
        %parallel_loop3A_553 = tpu.vector_load %arg18[%parallel_loop3A_551, %parallel_loop3A_552] {strides = array<i32>} : memref<80x128xf32, #tpu.memory_space<vmem>>, vector<16xf32>,
        tpu.vector_store %arg18[%parallel_loop3A_551, %parallel_loop3A_552], %parallel_loop3A_550 {strides = array<i32>} : memref<80x128xf32, #tpu.memory_space<vmem>>, vector<16xf32>,
      } {sc.loop_unroll_factor = 1 : i64, sc.parallel_access}
      %mul3A_374 = arith.constant 80 : i32
      %mul3A_375 = arith.muli %add3A_326, %mul3A_374 : i32
      %add3A_376 = arith.addi %mul3A_2, %mul3A_375 : i32
      %dma_start3A_377 = arith.constant 0 : i32
      %dma_start3A_378 = tpu.memref_slice %arg6[%add3A_376, %dma_start3A_377] : memref<320000x128xf32, #tpu.memory_space<hbm>> -> memref<80x128xf32, #tpu.memory_space<hbm>>
      %dma_start3A_379 = arith.constant 0 : i32
      %dma_start3A_380 = tpu.memref_slice %arg6[%add3A_376, %dma_start3A_379] : memref<320000x128xf32, #tpu.memory_space<hbm>> -> memref<80x128xf32, #tpu.memory_space<hbm>>
      tpu.enqueue_dma source(%arg18 : memref<80x128xf32, #tpu.memory_space<vmem>>) target(%dma_start3A_380 : memref<80x128xf32, #tpu.memory_space<hbm>>) target_semaphore(%arg29 : memref<!tpu.dma_semaphore, #tpu.memory_space<semaphore_mem>>)
    }
    %scan3A_93 = arith.constant 41 : i32
    %dma_wait3A_94 = arith.constant 0 : i32
    %dma_wait3A_95 = arith.constant 0 : i32
    %dma_wait3A_96 = tpu.memref_slice %arg10[%dma_wait3A_94, %dma_wait3A_95] : memref<80x128xf32, #tpu.memory_space<vmem>> -> memref<40x128xf32, #tpu.memory_space<vmem>>
    %dma_wait3A_97 = arith.constant 0 : i32
    %dma_wait3A_98 = tpu.memref_slice %arg7[%dma_wait3A_97] : memref<10000xi32, #tpu.memory_space<vmem>> -> memref<40xi32, #tpu.memory_space<vmem>>
    %dma_wait3A_99 = arith.constant 0 : i32
    %dma_wait3A_100 = arith.constant 0 : i32
    %dma_wait3A_101 = tpu.memref_slice %arg2[%dma_wait3A_99, %dma_wait3A_100] : memref<10000x128xf32, #tpu.memory_space<hbm>> -> memref<10000x128xf32, #tpu.memory_space<hbm>>
    tpu.wait_indirect_dma semaphore(%arg21 : memref<!tpu.dma_semaphore, #tpu.memory_space<semaphore_mem>>) src(%dma_wait3A_101 : memref<10000x128xf32, #tpu.memory_space<hbm>>) dst(%dma_wait3A_96 : memref<40x128xf32, #tpu.memory_space<vmem>>)
    %dma_wait3A_102 = arith.constant 0 : i32
    %dma_wait3A_103 = arith.constant 0 : i32
    %dma_wait3A_104 = tpu.memref_slice %arg13[%dma_wait3A_102, %dma_wait3A_103] : memref<80x128xf32, #tpu.memory_space<vmem>> -> memref<40x128xf32, #tpu.memory_space<vmem>>
    %dma_wait3A_105 = arith.constant 0 : i32
    %dma_wait3A_106 = tpu.memref_slice %arg8[%dma_wait3A_105] : memref<10000xi32, #tpu.memory_space<vmem>> -> memref<40xi32, #tpu.memory_space<vmem>>
    %dma_wait3A_107 = arith.constant 0 : i32
    %dma_wait3A_108 = arith.constant 0 : i32
    %dma_wait3A_109 = tpu.memref_slice %arg2[%dma_wait3A_107, %dma_wait3A_108] : memref<10000x128xf32, #tpu.memory_space<hbm>> -> memref<10000x128xf32, #tpu.memory_space<hbm>>
    tpu.wait_indirect_dma semaphore(%arg24 : memref<!tpu.dma_semaphore, #tpu.memory_space<semaphore_mem>>) src(%dma_wait3A_109 : memref<10000x128xf32, #tpu.memory_space<hbm>>) dst(%dma_wait3A_104 : memref<40x128xf32, #tpu.memory_space<vmem>>)
    %dma_wait3A_110 = arith.constant 40 : i32
    %dma_wait3A_111 = arith.constant 0 : i32
    %dma_wait3A_112 = tpu.memref_slice %arg10[%dma_wait3A_110, %dma_wait3A_111] : memref<80x128xf32, #tpu.memory_space<vmem>> -> memref<40x128xf32, #tpu.memory_space<vmem>>
    %dma_wait3A_113 = arith.constant 0 : i32
    %dma_wait3A_114 = tpu.memref_slice %arg7[%dma_wait3A_113] : memref<10000xi32, #tpu.memory_space<vmem>> -> memref<40xi32, #tpu.memory_space<vmem>>
    %dma_wait3A_115 = arith.constant 0 : i32
    %dma_wait3A_116 = arith.constant 0 : i32
    %dma_wait3A_117 = tpu.memref_slice %arg2[%dma_wait3A_115, %dma_wait3A_116] : memref<10000x128xf32, #tpu.memory_space<hbm>> -> memref<10000x128xf32, #tpu.memory_space<hbm>>
    tpu.wait_indirect_dma semaphore(%arg21 : memref<!tpu.dma_semaphore, #tpu.memory_space<semaphore_mem>>) src(%dma_wait3A_117 : memref<10000x128xf32, #tpu.memory_space<hbm>>) dst(%dma_wait3A_112 : memref<40x128xf32, #tpu.memory_space<vmem>>)
    %dma_wait3A_118 = arith.constant 40 : i32
    %dma_wait3A_119 = arith.constant 0 : i32
    %dma_wait3A_120 = tpu.memref_slice %arg13[%dma_wait3A_118, %dma_wait3A_119] : memref<80x128xf32, #tpu.memory_space<vmem>> -> memref<40x128xf32, #tpu.memory_space<vmem>>
    %dma_wait3A_121 = arith.constant 0 : i32
    %dma_wait3A_122 = tpu.memref_slice %arg8[%dma_wait3A_121] : memref<10000xi32, #tpu.memory_space<vmem>> -> memref<40xi32, #tpu.memory_space<vmem>>
    %dma_wait3A_123 = arith.constant 0 : i32
    %dma_wait3A_124 = arith.constant 0 : i32
    %dma_wait3A_125 = tpu.memref_slice %arg2[%dma_wait3A_123, %dma_wait3A_124] : memref<10000x128xf32, #tpu.memory_space<hbm>> -> memref<10000x128xf32, #tpu.memory_space<hbm>>
    tpu.wait_indirect_dma semaphore(%arg24 : memref<!tpu.dma_semaphore, #tpu.memory_space<semaphore_mem>>) src(%dma_wait3A_125 : memref<10000x128xf32, #tpu.memory_space<hbm>>) dst(%dma_wait3A_120 : memref<40x128xf32, #tpu.memory_space<vmem>>)
    %dma_wait3A_126 = arith.constant 0 : i32
    %dma_wait3A_127 = arith.constant 0 : i32
    %dma_wait3A_128 = tpu.memref_slice %arg6[%dma_wait3A_126, %dma_wait3A_127] : memref<320000x128xf32, #tpu.memory_space<hbm>> -> memref<80x128xf32, #tpu.memory_space<hbm>>
    %dma_wait3A_129 = arith.constant 0 : i32
    %dma_wait3A_130 = arith.constant 0 : i32
    %dma_wait3A_131 = tpu.memref_slice %arg6[%dma_wait3A_129, %dma_wait3A_130] : memref<320000x128xf32, #tpu.memory_space<hbm>> -> memref<80x128xf32, #tpu.memory_space<hbm>>
    tpu.wait_dma2 semaphore(%arg27 : memref<!tpu.dma_semaphore, #tpu.memory_space<semaphore_mem>>) src(%arg16 : memref<80x128xf32, #tpu.memory_space<vmem>>) dst(%dma_wait3A_131 : memref<80x128xf32, #tpu.memory_space<hbm>>)
    %parallel_loop3A = arith.constant 0 : i32
    %parallel_loop3A_132 = arith.constant 80 : i32
    %parallel_loop3A_133 = arith.constant 1 : i32
    scf.for %parallel_loop3A_209 = %parallel_loop3A to %parallel_loop3A_132 step %parallel_loop3A_133  : i32 {
      %parallel_loop3A_210 = arith.index_cast %parallel_loop3A_209 : i32 to index
      %parallel_loop3A_211 = arith.constant 0 : index
      %parallel_loop3A_212 = tpu.vector_load %arg10[%parallel_loop3A_210, %parallel_loop3A_211] {strides = array<i32>} : memref<80x128xf32, #tpu.memory_space<vmem>>, vector<16xf32>,
      %parallel_loop3A_213 = arith.index_cast %parallel_loop3A_209 : i32 to index
      %parallel_loop3A_214 = arith.constant 0 : index
      %parallel_loop3A_215 = tpu.vector_load %arg13[%parallel_loop3A_213, %parallel_loop3A_214] {strides = array<i32>} : memref<80x128xf32, #tpu.memory_space<vmem>>, vector<16xf32>,
      %parallel_loop3A_216 = arith.subf %parallel_loop3A_212, %parallel_loop3A_215 : vector<16xf32>
      %parallel_loop3A_217 = arith.mulf %parallel_loop3A_216, %parallel_loop3A_216 : vector<16xf32>
      %parallel_loop3A_218 = arith.index_cast %parallel_loop3A_209 : i32 to index
      %parallel_loop3A_219 = arith.constant 16 : index
      %parallel_loop3A_220 = tpu.vector_load %arg10[%parallel_loop3A_218, %parallel_loop3A_219] {strides = array<i32>} : memref<80x128xf32, #tpu.memory_space<vmem>>, vector<16xf32>,
      %parallel_loop3A_221 = arith.index_cast %parallel_loop3A_209 : i32 to index
      %parallel_loop3A_222 = arith.constant 16 : index
      %parallel_loop3A_223 = tpu.vector_load %arg13[%parallel_loop3A_221, %parallel_loop3A_222] {strides = array<i32>} : memref<80x128xf32, #tpu.memory_space<vmem>>, vector<16xf32>,
      %parallel_loop3A_224 = arith.subf %parallel_loop3A_220, %parallel_loop3A_223 : vector<16xf32>
      %parallel_loop3A_225 = arith.mulf %parallel_loop3A_224, %parallel_loop3A_224 : vector<16xf32>
      %parallel_loop3A_226 = arith.addf %parallel_loop3A_217, %parallel_loop3A_225 : vector<16xf32>
      %parallel_loop3A_227 = arith.index_cast %parallel_loop3A_209 : i32 to index
      %parallel_loop3A_228 = arith.constant 32 : index
      %parallel_loop3A_229 = tpu.vector_load %arg10[%parallel_loop3A_227, %parallel_loop3A_228] {strides = array<i32>} : memref<80x128xf32, #tpu.memory_space<vmem>>, vector<16xf32>,
      %parallel_loop3A_230 = arith.index_cast %parallel_loop3A_209 : i32 to index
      %parallel_loop3A_231 = arith.constant 32 : index
      %parallel_loop3A_232 = tpu.vector_load %arg13[%parallel_loop3A_230, %parallel_loop3A_231] {strides = array<i32>} : memref<80x128xf32, #tpu.memory_space<vmem>>, vector<16xf32>,
      %parallel_loop3A_233 = arith.subf %parallel_loop3A_229, %parallel_loop3A_232 : vector<16xf32>
      %parallel_loop3A_234 = arith.mulf %parallel_loop3A_233, %parallel_loop3A_233 : vector<16xf32>
      %parallel_loop3A_235 = arith.addf %parallel_loop3A_226, %parallel_loop3A_234 : vector<16xf32>
      %parallel_loop3A_236 = arith.index_cast %parallel_loop3A_209 : i32 to index
      %parallel_loop3A_237 = arith.constant 48 : index
      %parallel_loop3A_238 = tpu.vector_load %arg10[%parallel_loop3A_236, %parallel_loop3A_237] {strides = array<i32>} : memref<80x128xf32, #tpu.memory_space<vmem>>, vector<16xf32>,
      %parallel_loop3A_239 = arith.index_cast %parallel_loop3A_209 : i32 to index
      %parallel_loop3A_240 = arith.constant 48 : index
      %parallel_loop3A_241 = tpu.vector_load %arg13[%parallel_loop3A_239, %parallel_loop3A_240] {strides = array<i32>} : memref<80x128xf32, #tpu.memory_space<vmem>>, vector<16xf32>,
      %parallel_loop3A_242 = arith.subf %parallel_loop3A_238, %parallel_loop3A_241 : vector<16xf32>
      %parallel_loop3A_243 = arith.mulf %parallel_loop3A_242, %parallel_loop3A_242 : vector<16xf32>
      %parallel_loop3A_244 = arith.addf %parallel_loop3A_235, %parallel_loop3A_243 : vector<16xf32>
      %parallel_loop3A_245 = arith.index_cast %parallel_loop3A_209 : i32 to index
      %parallel_loop3A_246 = arith.constant 64 : index
      %parallel_loop3A_247 = tpu.vector_load %arg10[%parallel_loop3A_245, %parallel_loop3A_246] {strides = array<i32>} : memref<80x128xf32, #tpu.memory_space<vmem>>, vector<16xf32>,
      %parallel_loop3A_248 = arith.index_cast %parallel_loop3A_209 : i32 to index
      %parallel_loop3A_249 = arith.constant 64 : index
      %parallel_loop3A_250 = tpu.vector_load %arg13[%parallel_loop3A_248, %parallel_loop3A_249] {strides = array<i32>} : memref<80x128xf32, #tpu.memory_space<vmem>>, vector<16xf32>,
      %parallel_loop3A_251 = arith.subf %parallel_loop3A_247, %parallel_loop3A_250 : vector<16xf32>
      %parallel_loop3A_252 = arith.mulf %parallel_loop3A_251, %parallel_loop3A_251 : vector<16xf32>
      %parallel_loop3A_253 = arith.addf %parallel_loop3A_244, %parallel_loop3A_252 : vector<16xf32>
      %parallel_loop3A_254 = arith.index_cast %parallel_loop3A_209 : i32 to index
      %parallel_loop3A_255 = arith.constant 80 : index
      %parallel_loop3A_256 = tpu.vector_load %arg10[%parallel_loop3A_254, %parallel_loop3A_255] {strides = array<i32>} : memref<80x128xf32, #tpu.memory_space<vmem>>, vector<16xf32>,
      %parallel_loop3A_257 = arith.index_cast %parallel_loop3A_209 : i32 to index
      %parallel_loop3A_258 = arith.constant 80 : index
      %parallel_loop3A_259 = tpu.vector_load %arg13[%parallel_loop3A_257, %parallel_loop3A_258] {strides = array<i32>} : memref<80x128xf32, #tpu.memory_space<vmem>>, vector<16xf32>,
      %parallel_loop3A_260 = arith.subf %parallel_loop3A_256, %parallel_loop3A_259 : vector<16xf32>
      %parallel_loop3A_261 = arith.mulf %parallel_loop3A_260, %parallel_loop3A_260 : vector<16xf32>
      %parallel_loop3A_262 = arith.addf %parallel_loop3A_253, %parallel_loop3A_261 : vector<16xf32>
      %parallel_loop3A_263 = arith.index_cast %parallel_loop3A_209 : i32 to index
      %parallel_loop3A_264 = arith.constant 96 : index
      %parallel_loop3A_265 = tpu.vector_load %arg10[%parallel_loop3A_263, %parallel_loop3A_264] {strides = array<i32>} : memref<80x128xf32, #tpu.memory_space<vmem>>, vector<16xf32>,
      %parallel_loop3A_266 = arith.index_cast %parallel_loop3A_209 : i32 to index
      %parallel_loop3A_267 = arith.constant 96 : index
      %parallel_loop3A_268 = tpu.vector_load %arg13[%parallel_loop3A_266, %parallel_loop3A_267] {strides = array<i32>} : memref<80x128xf32, #tpu.memory_space<vmem>>, vector<16xf32>,
      %parallel_loop3A_269 = arith.subf %parallel_loop3A_265, %parallel_loop3A_268 : vector<16xf32>
      %parallel_loop3A_270 = arith.mulf %parallel_loop3A_269, %parallel_loop3A_269 : vector<16xf32>
      %parallel_loop3A_271 = arith.addf %parallel_loop3A_262, %parallel_loop3A_270 : vector<16xf32>
      %parallel_loop3A_272 = arith.index_cast %parallel_loop3A_209 : i32 to index
      %parallel_loop3A_273 = arith.constant 112 : index
      %parallel_loop3A_274 = tpu.vector_load %arg10[%parallel_loop3A_272, %parallel_loop3A_273] {strides = array<i32>} : memref<80x128xf32, #tpu.memory_space<vmem>>, vector<16xf32>,
      %parallel_loop3A_275 = arith.index_cast %parallel_loop3A_209 : i32 to index
      %parallel_loop3A_276 = arith.constant 112 : index
      %parallel_loop3A_277 = tpu.vector_load %arg13[%parallel_loop3A_275, %parallel_loop3A_276] {strides = array<i32>} : memref<80x128xf32, #tpu.memory_space<vmem>>, vector<16xf32>,
      %parallel_loop3A_278 = arith.subf %parallel_loop3A_274, %parallel_loop3A_277 : vector<16xf32>
      %parallel_loop3A_279 = arith.mulf %parallel_loop3A_278, %parallel_loop3A_278 : vector<16xf32>
      %parallel_loop3A_280 = arith.addf %parallel_loop3A_271, %parallel_loop3A_279 : vector<16xf32>
      %parallel_loop3A_281 = vector.shape_cast %xor3A_4 : vector<16xi32> to vector<16x1xi32>
      %parallel_loop3A_282 = vector.shape_cast %parallel_loop3A_281 : vector<16x1xi32> to vector<16xi32>
      %parallel_loop3A_283 = tpu.dynamic_gather %parallel_loop3A_280[%parallel_loop3A_282] in [0] : vector<16xf32>, vector<16xi32> -> vector<16xf32>
      %parallel_loop3A_284 = arith.addf %parallel_loop3A_280, %parallel_loop3A_283 : vector<16xf32>
      %parallel_loop3A_285 = vector.shape_cast %xor3A_7 : vector<16xi32> to vector<16x1xi32>
      %parallel_loop3A_286 = vector.shape_cast %parallel_loop3A_285 : vector<16x1xi32> to vector<16xi32>
      %parallel_loop3A_287 = tpu.dynamic_gather %parallel_loop3A_284[%parallel_loop3A_286] in [0] : vector<16xf32>, vector<16xi32> -> vector<16xf32>
      %parallel_loop3A_288 = arith.addf %parallel_loop3A_284, %parallel_loop3A_287 : vector<16xf32>
      %parallel_loop3A_289 = vector.shape_cast %xor3A_10 : vector<16xi32> to vector<16x1xi32>
      %parallel_loop3A_290 = vector.shape_cast %parallel_loop3A_289 : vector<16x1xi32> to vector<16xi32>
      %parallel_loop3A_291 = tpu.dynamic_gather %parallel_loop3A_288[%parallel_loop3A_290] in [0] : vector<16xf32>, vector<16xi32> -> vector<16xf32>
      %parallel_loop3A_292 = arith.addf %parallel_loop3A_288, %parallel_loop3A_291 : vector<16xf32>
      %parallel_loop3A_293 = vector.shape_cast %xor3A_13 : vector<16xi32> to vector<16x1xi32>
      %parallel_loop3A_294 = vector.shape_cast %parallel_loop3A_293 : vector<16x1xi32> to vector<16xi32>
      %parallel_loop3A_295 = tpu.dynamic_gather %parallel_loop3A_292[%parallel_loop3A_294] in [0] : vector<16xf32>, vector<16xi32> -> vector<16xf32>
      %parallel_loop3A_296 = arith.addf %parallel_loop3A_292, %parallel_loop3A_295 : vector<16xf32>
      %parallel_loop3A_297 = arith.constant 1.000000e-30 : f32
      %parallel_loop3A_298 = vector.broadcast %parallel_loop3A_297 : f32 to vector<16xf32>
      %parallel_loop3A_299 = arith.maximumf %parallel_loop3A_296, %parallel_loop3A_298 : vector<16xf32>
      %parallel_loop3A_300 = tpu.bitcast %parallel_loop3A_299 : vector<16xf32> -> vector<16xi32>
      %parallel_loop3A_301 = arith.constant 1 : i32
      %parallel_loop3A_302 = vector.broadcast %parallel_loop3A_301 : i32 to vector<16xi32>
      %parallel_loop3A_303 = arith.shrsi %parallel_loop3A_300, %parallel_loop3A_302 : vector<16xi32>
      %parallel_loop3A_304 = arith.constant 1597463007 : i32
      %parallel_loop3A_305 = vector.broadcast %parallel_loop3A_304 : i32 to vector<16xi32>
      %parallel_loop3A_306 = arith.subi %parallel_loop3A_305, %parallel_loop3A_303 : vector<16xi32>
      %parallel_loop3A_307 = tpu.bitcast %parallel_loop3A_306 : vector<16xi32> -> vector<16xf32>
      %parallel_loop3A_308 = arith.constant 5.000000e-01 : f32
      %parallel_loop3A_309 = vector.broadcast %parallel_loop3A_308 : f32 to vector<16xf32>
      %parallel_loop3A_310 = arith.mulf %parallel_loop3A_309, %parallel_loop3A_299 : vector<16xf32>
      %parallel_loop3A_311 = arith.mulf %parallel_loop3A_307, %parallel_loop3A_307 : vector<16xf32>
      %parallel_loop3A_312 = arith.mulf %parallel_loop3A_310, %parallel_loop3A_311 : vector<16xf32>
      %parallel_loop3A_313 = arith.constant 1.500000e+00 : f32
      %parallel_loop3A_314 = vector.broadcast %parallel_loop3A_313 : f32 to vector<16xf32>
      %parallel_loop3A_315 = arith.subf %parallel_loop3A_314, %parallel_loop3A_312 : vector<16xf32>
      %parallel_loop3A_316 = arith.mulf %parallel_loop3A_307, %parallel_loop3A_315 : vector<16xf32>
      %parallel_loop3A_317 = arith.mulf %parallel_loop3A_316, %parallel_loop3A_316 : vector<16xf32>
      %parallel_loop3A_318 = arith.mulf %parallel_loop3A_310, %parallel_loop3A_317 : vector<16xf32>
      %parallel_loop3A_319 = arith.constant 1.500000e+00 : f32
      %parallel_loop3A_320 = vector.broadcast %parallel_loop3A_319 : f32 to vector<16xf32>
      %parallel_loop3A_321 = arith.subf %parallel_loop3A_320, %parallel_loop3A_318 : vector<16xf32>
      %parallel_loop3A_322 = arith.mulf %parallel_loop3A_316, %parallel_loop3A_321 : vector<16xf32>
      %parallel_loop3A_323 = arith.mulf %parallel_loop3A_299, %parallel_loop3A_322 : vector<16xf32>
      %parallel_loop3A_324 = arith.constant 1.000000e+00 : f32
      %parallel_loop3A_325 = vector.broadcast %parallel_loop3A_324 : f32 to vector<16xf32>
      %parallel_loop3A_326 = arith.addf %parallel_loop3A_325, %parallel_loop3A_323 : vector<16xf32>
      %parallel_loop3A_327 = tpu.bitcast %parallel_loop3A_326 : vector<16xf32> -> vector<16xi32>
      %parallel_loop3A_328 = arith.constant 2129859011 : i32
      %parallel_loop3A_329 = vector.broadcast %parallel_loop3A_328 : i32 to vector<16xi32>
      %parallel_loop3A_330 = arith.subi %parallel_loop3A_329, %parallel_loop3A_327 : vector<16xi32>
      %parallel_loop3A_331 = tpu.bitcast %parallel_loop3A_330 : vector<16xi32> -> vector<16xf32>
      %parallel_loop3A_332 = arith.mulf %parallel_loop3A_326, %parallel_loop3A_331 : vector<16xf32>
      %parallel_loop3A_333 = arith.constant 2.000000e+00 : f32
      %parallel_loop3A_334 = vector.broadcast %parallel_loop3A_333 : f32 to vector<16xf32>
      %parallel_loop3A_335 = arith.subf %parallel_loop3A_334, %parallel_loop3A_332 : vector<16xf32>
      %parallel_loop3A_336 = arith.mulf %parallel_loop3A_331, %parallel_loop3A_335 : vector<16xf32>
      %parallel_loop3A_337 = arith.mulf %parallel_loop3A_326, %parallel_loop3A_336 : vector<16xf32>
      %parallel_loop3A_338 = arith.constant 2.000000e+00 : f32
      %parallel_loop3A_339 = vector.broadcast %parallel_loop3A_338 : f32 to vector<16xf32>
      %parallel_loop3A_340 = arith.subf %parallel_loop3A_339, %parallel_loop3A_337 : vector<16xf32>
      %parallel_loop3A_341 = arith.mulf %parallel_loop3A_336, %parallel_loop3A_340 : vector<16xf32>
      %parallel_loop3A_342 = arith.mulf %parallel_loop3A_326, %parallel_loop3A_341 : vector<16xf32>
      %parallel_loop3A_343 = arith.constant 2.000000e+00 : f32
      %parallel_loop3A_344 = vector.broadcast %parallel_loop3A_343 : f32 to vector<16xf32>
      %parallel_loop3A_345 = arith.subf %parallel_loop3A_344, %parallel_loop3A_342 : vector<16xf32>
      %parallel_loop3A_346 = arith.mulf %parallel_loop3A_341, %parallel_loop3A_345 : vector<16xf32>
      %parallel_loop3A_347 = arith.constant 9840 : i32
      %parallel_loop3A_348 = arith.addi %parallel_loop3A_347, %parallel_loop3A_209 : i32
      %parallel_loop3A_349 = vector.broadcast %parallel_loop3A_348 : i32 to vector<16xi32>
      %parallel_loop3A_350 = arith.addi %parallel_loop3A_349, %mul3A_18 : vector<16xi32>
      tpu.vector_store_idx %arg9[%parallel_loop3A_350], %parallel_loop3A_323 masked %lt3A_15 : memref<10000xf32, #tpu.memory_space<vmem>>[vector<16xi32>], vector<16xf32>, vector<16xi1>
      %parallel_loop3A_351 = arith.mulf %parallel_loop3A_216, %parallel_loop3A_346 : vector<16xf32>
      %parallel_loop3A_352 = arith.index_cast %parallel_loop3A_209 : i32 to index
      %parallel_loop3A_353 = arith.constant 0 : index
      %parallel_loop3A_354 = tpu.vector_load %arg16[%parallel_loop3A_352, %parallel_loop3A_353] {strides = array<i32>} : memref<80x128xf32, #tpu.memory_space<vmem>>, vector<16xf32>,
      tpu.vector_store %arg16[%parallel_loop3A_352, %parallel_loop3A_353], %parallel_loop3A_351 {strides = array<i32>} : memref<80x128xf32, #tpu.memory_space<vmem>>, vector<16xf32>,
      %parallel_loop3A_355 = arith.mulf %parallel_loop3A_224, %parallel_loop3A_346 : vector<16xf32>
      %parallel_loop3A_356 = arith.index_cast %parallel_loop3A_209 : i32 to index
      %parallel_loop3A_357 = arith.constant 16 : index
      %parallel_loop3A_358 = tpu.vector_load %arg16[%parallel_loop3A_356, %parallel_loop3A_357] {strides = array<i32>} : memref<80x128xf32, #tpu.memory_space<vmem>>, vector<16xf32>,
      tpu.vector_store %arg16[%parallel_loop3A_356, %parallel_loop3A_357], %parallel_loop3A_355 {strides = array<i32>} : memref<80x128xf32, #tpu.memory_space<vmem>>, vector<16xf32>,
      %parallel_loop3A_359 = arith.mulf %parallel_loop3A_233, %parallel_loop3A_346 : vector<16xf32>
      %parallel_loop3A_360 = arith.index_cast %parallel_loop3A_209 : i32 to index
      %parallel_loop3A_361 = arith.constant 32 : index
      %parallel_loop3A_362 = tpu.vector_load %arg16[%parallel_loop3A_360, %parallel_loop3A_361] {strides = array<i32>} : memref<80x128xf32, #tpu.memory_space<vmem>>, vector<16xf32>,
      tpu.vector_store %arg16[%parallel_loop3A_360, %parallel_loop3A_361], %parallel_loop3A_359 {strides = array<i32>} : memref<80x128xf32, #tpu.memory_space<vmem>>, vector<16xf32>,
      %parallel_loop3A_363 = arith.mulf %parallel_loop3A_242, %parallel_loop3A_346 : vector<16xf32>
      %parallel_loop3A_364 = arith.index_cast %parallel_loop3A_209 : i32 to index
      %parallel_loop3A_365 = arith.constant 48 : index
      %parallel_loop3A_366 = tpu.vector_load %arg16[%parallel_loop3A_364, %parallel_loop3A_365] {strides = array<i32>} : memref<80x128xf32, #tpu.memory_space<vmem>>, vector<16xf32>,
      tpu.vector_store %arg16[%parallel_loop3A_364, %parallel_loop3A_365], %parallel_loop3A_363 {strides = array<i32>} : memref<80x128xf32, #tpu.memory_space<vmem>>, vector<16xf32>,
      %parallel_loop3A_367 = arith.mulf %parallel_loop3A_251, %parallel_loop3A_346 : vector<16xf32>
      %parallel_loop3A_368 = arith.index_cast %parallel_loop3A_209 : i32 to index
      %parallel_loop3A_369 = arith.constant 64 : index
      %parallel_loop3A_370 = tpu.vector_load %arg16[%parallel_loop3A_368, %parallel_loop3A_369] {strides = array<i32>} : memref<80x128xf32, #tpu.memory_space<vmem>>, vector<16xf32>,
      tpu.vector_store %arg16[%parallel_loop3A_368, %parallel_loop3A_369], %parallel_loop3A_367 {strides = array<i32>} : memref<80x128xf32, #tpu.memory_space<vmem>>, vector<16xf32>,
      %parallel_loop3A_371 = arith.mulf %parallel_loop3A_260, %parallel_loop3A_346 : vector<16xf32>
      %parallel_loop3A_372 = arith.index_cast %parallel_loop3A_209 : i32 to index
      %parallel_loop3A_373 = arith.constant 80 : index
      %parallel_loop3A_374 = tpu.vector_load %arg16[%parallel_loop3A_372, %parallel_loop3A_373] {strides = array<i32>} : memref<80x128xf32, #tpu.memory_space<vmem>>, vector<16xf32>,
      tpu.vector_store %arg16[%parallel_loop3A_372, %parallel_loop3A_373], %parallel_loop3A_371 {strides = array<i32>} : memref<80x128xf32, #tpu.memory_space<vmem>>, vector<16xf32>,
      %parallel_loop3A_375 = arith.mulf %parallel_loop3A_269, %parallel_loop3A_346 : vector<16xf32>
      %parallel_loop3A_376 = arith.index_cast %parallel_loop3A_209 : i32 to index
      %parallel_loop3A_377 = arith.constant 96 : index
      %parallel_loop3A_378 = tpu.vector_load %arg16[%parallel_loop3A_376, %parallel_loop3A_377] {strides = array<i32>} : memref<80x128xf32, #tpu.memory_space<vmem>>, vector<16xf32>,
      tpu.vector_store %arg16[%parallel_loop3A_376, %parallel_loop3A_377], %parallel_loop3A_375 {strides = array<i32>} : memref<80x128xf32, #tpu.memory_space<vmem>>, vector<16xf32>,
      %parallel_loop3A_379 = arith.mulf %parallel_loop3A_278, %parallel_loop3A_346 : vector<16xf32>
      %parallel_loop3A_380 = arith.index_cast %parallel_loop3A_209 : i32 to index
      %parallel_loop3A_381 = arith.constant 112 : index
      %parallel_loop3A_382 = tpu.vector_load %arg16[%parallel_loop3A_380, %parallel_loop3A_381] {strides = array<i32>} : memref<80x128xf32, #tpu.memory_space<vmem>>, vector<16xf32>,
      tpu.vector_store %arg16[%parallel_loop3A_380, %parallel_loop3A_381], %parallel_loop3A_379 {strides = array<i32>} : memref<80x128xf32, #tpu.memory_space<vmem>>, vector<16xf32>,
    } {sc.loop_unroll_factor = 1 : i64, sc.parallel_access}
    %add3A_134 = arith.constant 9840 : i32
    %add3A_135 = arith.addi %mul3A_2, %add3A_134 : i32
    %dma_start3A_136 = arith.constant 0 : i32
    %dma_start3A_137 = tpu.memref_slice %arg6[%add3A_135, %dma_start3A_136] : memref<320000x128xf32, #tpu.memory_space<hbm>> -> memref<80x128xf32, #tpu.memory_space<hbm>>
    %dma_start3A_138 = arith.constant 0 : i32
    %dma_start3A_139 = tpu.memref_slice %arg6[%add3A_135, %dma_start3A_138] : memref<320000x128xf32, #tpu.memory_space<hbm>> -> memref<80x128xf32, #tpu.memory_space<hbm>>
    tpu.enqueue_dma source(%arg16 : memref<80x128xf32, #tpu.memory_space<vmem>>) target(%dma_start3A_139 : memref<80x128xf32, #tpu.memory_space<hbm>>) target_semaphore(%arg27 : memref<!tpu.dma_semaphore, #tpu.memory_space<semaphore_mem>>)
    %dma_wait3A_140 = arith.constant 0 : i32
    %dma_wait3A_141 = arith.constant 0 : i32
    %dma_wait3A_142 = tpu.memref_slice %arg11[%dma_wait3A_140, %dma_wait3A_141] : memref<80x128xf32, #tpu.memory_space<vmem>> -> memref<40x128xf32, #tpu.memory_space<vmem>>
    %dma_wait3A_143 = arith.constant 0 : i32
    %dma_wait3A_144 = tpu.memref_slice %arg7[%dma_wait3A_143] : memref<10000xi32, #tpu.memory_space<vmem>> -> memref<40xi32, #tpu.memory_space<vmem>>
    %dma_wait3A_145 = arith.constant 0 : i32
    %dma_wait3A_146 = arith.constant 0 : i32
    %dma_wait3A_147 = tpu.memref_slice %arg2[%dma_wait3A_145, %dma_wait3A_146] : memref<10000x128xf32, #tpu.memory_space<hbm>> -> memref<10000x128xf32, #tpu.memory_space<hbm>>
    tpu.wait_indirect_dma semaphore(%arg22 : memref<!tpu.dma_semaphore, #tpu.memory_space<semaphore_mem>>) src(%dma_wait3A_147 : memref<10000x128xf32, #tpu.memory_space<hbm>>) dst(%dma_wait3A_142 : memref<40x128xf32, #tpu.memory_space<vmem>>)
    %dma_wait3A_148 = arith.constant 0 : i32
    %dma_wait3A_149 = arith.constant 0 : i32
    %dma_wait3A_150 = tpu.memref_slice %arg14[%dma_wait3A_148, %dma_wait3A_149] : memref<80x128xf32, #tpu.memory_space<vmem>> -> memref<40x128xf32, #tpu.memory_space<vmem>>
    %dma_wait3A_151 = arith.constant 0 : i32
    %dma_wait3A_152 = tpu.memref_slice %arg8[%dma_wait3A_151] : memref<10000xi32, #tpu.memory_space<vmem>> -> memref<40xi32, #tpu.memory_space<vmem>>
    %dma_wait3A_153 = arith.constant 0 : i32
    %dma_wait3A_154 = arith.constant 0 : i32
    %dma_wait3A_155 = tpu.memref_slice %arg2[%dma_wait3A_153, %dma_wait3A_154] : memref<10000x128xf32, #tpu.memory_space<hbm>> -> memref<10000x128xf32, #tpu.memory_space<hbm>>
    tpu.wait_indirect_dma semaphore(%arg25 : memref<!tpu.dma_semaphore, #tpu.memory_space<semaphore_mem>>) src(%dma_wait3A_155 : memref<10000x128xf32, #tpu.memory_space<hbm>>) dst(%dma_wait3A_150 : memref<40x128xf32, #tpu.memory_space<vmem>>)
    %dma_wait3A_156 = arith.constant 40 : i32
    %dma_wait3A_157 = arith.constant 0 : i32
    %dma_wait3A_158 = tpu.memref_slice %arg11[%dma_wait3A_156, %dma_wait3A_157] : memref<80x128xf32, #tpu.memory_space<vmem>> -> memref<40x128xf32, #tpu.memory_space<vmem>>
    %dma_wait3A_159 = arith.constant 0 : i32
    %dma_wait3A_160 = tpu.memref_slice %arg7[%dma_wait3A_159] : memref<10000xi32, #tpu.memory_space<vmem>> -> memref<40xi32, #tpu.memory_space<vmem>>
    %dma_wait3A_161 = arith.constant 0 : i32
    %dma_wait3A_162 = arith.constant 0 : i32
    %dma_wait3A_163 = tpu.memref_slice %arg2[%dma_wait3A_161, %dma_wait3A_162] : memref<10000x128xf32, #tpu.memory_space<hbm>> -> memref<10000x128xf32, #tpu.memory_space<hbm>>
    tpu.wait_indirect_dma semaphore(%arg22 : memref<!tpu.dma_semaphore, #tpu.memory_space<semaphore_mem>>) src(%dma_wait3A_163 : memref<10000x128xf32, #tpu.memory_space<hbm>>) dst(%dma_wait3A_158 : memref<40x128xf32, #tpu.memory_space<vmem>>)
    %dma_wait3A_164 = arith.constant 40 : i32
    %dma_wait3A_165 = arith.constant 0 : i32
    %dma_wait3A_166 = tpu.memref_slice %arg14[%dma_wait3A_164, %dma_wait3A_165] : memref<80x128xf32, #tpu.memory_space<vmem>> -> memref<40x128xf32, #tpu.memory_space<vmem>>
    %dma_wait3A_167 = arith.constant 0 : i32
    %dma_wait3A_168 = tpu.memref_slice %arg8[%dma_wait3A_167] : memref<10000xi32, #tpu.memory_space<vmem>> -> memref<40xi32, #tpu.memory_space<vmem>>
    %dma_wait3A_169 = arith.constant 0 : i32
    %dma_wait3A_170 = arith.constant 0 : i32
    %dma_wait3A_171 = tpu.memref_slice %arg2[%dma_wait3A_169, %dma_wait3A_170] : memref<10000x128xf32, #tpu.memory_space<hbm>> -> memref<10000x128xf32, #tpu.memory_space<hbm>>
    tpu.wait_indirect_dma semaphore(%arg25 : memref<!tpu.dma_semaphore, #tpu.memory_space<semaphore_mem>>) src(%dma_wait3A_171 : memref<10000x128xf32, #tpu.memory_space<hbm>>) dst(%dma_wait3A_166 : memref<40x128xf32, #tpu.memory_space<vmem>>)
    %dma_wait3A_172 = arith.constant 0 : i32
    %dma_wait3A_173 = arith.constant 0 : i32
    %dma_wait3A_174 = tpu.memref_slice %arg6[%dma_wait3A_172, %dma_wait3A_173] : memref<320000x128xf32, #tpu.memory_space<hbm>> -> memref<80x128xf32, #tpu.memory_space<hbm>>
    %dma_wait3A_175 = arith.constant 0 : i32
    %dma_wait3A_176 = arith.constant 0 : i32
    %dma_wait3A_177 = tpu.memref_slice %arg6[%dma_wait3A_175, %dma_wait3A_176] : memref<320000x128xf32, #tpu.memory_space<hbm>> -> memref<80x128xf32, #tpu.memory_space<hbm>>
    tpu.wait_dma2 semaphore(%arg28 : memref<!tpu.dma_semaphore, #tpu.memory_space<semaphore_mem>>) src(%arg17 : memref<80x128xf32, #tpu.memory_space<vmem>>) dst(%dma_wait3A_177 : memref<80x128xf32, #tpu.memory_space<hbm>>)
    %parallel_loop3A_178 = arith.constant 0 : i32
    %parallel_loop3A_179 = arith.constant 80 : i32
    %parallel_loop3A_180 = arith.constant 1 : i32
    scf.for %parallel_loop3A_209 = %parallel_loop3A_178 to %parallel_loop3A_179 step %parallel_loop3A_180  : i32 {
      %parallel_loop3A_210 = arith.index_cast %parallel_loop3A_209 : i32 to index
      %parallel_loop3A_211 = arith.constant 0 : index
      %parallel_loop3A_212 = tpu.vector_load %arg11[%parallel_loop3A_210, %parallel_loop3A_211] {strides = array<i32>} : memref<80x128xf32, #tpu.memory_space<vmem>>, vector<16xf32>,
      %parallel_loop3A_213 = arith.index_cast %parallel_loop3A_209 : i32 to index
      %parallel_loop3A_214 = arith.constant 0 : index
      %parallel_loop3A_215 = tpu.vector_load %arg14[%parallel_loop3A_213, %parallel_loop3A_214] {strides = array<i32>} : memref<80x128xf32, #tpu.memory_space<vmem>>, vector<16xf32>,
      %parallel_loop3A_216 = arith.subf %parallel_loop3A_212, %parallel_loop3A_215 : vector<16xf32>
      %parallel_loop3A_217 = arith.mulf %parallel_loop3A_216, %parallel_loop3A_216 : vector<16xf32>
      %parallel_loop3A_218 = arith.index_cast %parallel_loop3A_209 : i32 to index
      %parallel_loop3A_219 = arith.constant 16 : index
      %parallel_loop3A_220 = tpu.vector_load %arg11[%parallel_loop3A_218, %parallel_loop3A_219] {strides = array<i32>} : memref<80x128xf32, #tpu.memory_space<vmem>>, vector<16xf32>,
      %parallel_loop3A_221 = arith.index_cast %parallel_loop3A_209 : i32 to index
      %parallel_loop3A_222 = arith.constant 16 : index
      %parallel_loop3A_223 = tpu.vector_load %arg14[%parallel_loop3A_221, %parallel_loop3A_222] {strides = array<i32>} : memref<80x128xf32, #tpu.memory_space<vmem>>, vector<16xf32>,
      %parallel_loop3A_224 = arith.subf %parallel_loop3A_220, %parallel_loop3A_223 : vector<16xf32>
      %parallel_loop3A_225 = arith.mulf %parallel_loop3A_224, %parallel_loop3A_224 : vector<16xf32>
      %parallel_loop3A_226 = arith.addf %parallel_loop3A_217, %parallel_loop3A_225 : vector<16xf32>
      %parallel_loop3A_227 = arith.index_cast %parallel_loop3A_209 : i32 to index
      %parallel_loop3A_228 = arith.constant 32 : index
      %parallel_loop3A_229 = tpu.vector_load %arg11[%parallel_loop3A_227, %parallel_loop3A_228] {strides = array<i32>} : memref<80x128xf32, #tpu.memory_space<vmem>>, vector<16xf32>,
      %parallel_loop3A_230 = arith.index_cast %parallel_loop3A_209 : i32 to index
      %parallel_loop3A_231 = arith.constant 32 : index
      %parallel_loop3A_232 = tpu.vector_load %arg14[%parallel_loop3A_230, %parallel_loop3A_231] {strides = array<i32>} : memref<80x128xf32, #tpu.memory_space<vmem>>, vector<16xf32>,
      %parallel_loop3A_233 = arith.subf %parallel_loop3A_229, %parallel_loop3A_232 : vector<16xf32>
      %parallel_loop3A_234 = arith.mulf %parallel_loop3A_233, %parallel_loop3A_233 : vector<16xf32>
      %parallel_loop3A_235 = arith.addf %parallel_loop3A_226, %parallel_loop3A_234 : vector<16xf32>
      %parallel_loop3A_236 = arith.index_cast %parallel_loop3A_209 : i32 to index
      %parallel_loop3A_237 = arith.constant 48 : index
      %parallel_loop3A_238 = tpu.vector_load %arg11[%parallel_loop3A_236, %parallel_loop3A_237] {strides = array<i32>} : memref<80x128xf32, #tpu.memory_space<vmem>>, vector<16xf32>,
      %parallel_loop3A_239 = arith.index_cast %parallel_loop3A_209 : i32 to index
      %parallel_loop3A_240 = arith.constant 48 : index
      %parallel_loop3A_241 = tpu.vector_load %arg14[%parallel_loop3A_239, %parallel_loop3A_240] {strides = array<i32>} : memref<80x128xf32, #tpu.memory_space<vmem>>, vector<16xf32>,
      %parallel_loop3A_242 = arith.subf %parallel_loop3A_238, %parallel_loop3A_241 : vector<16xf32>
      %parallel_loop3A_243 = arith.mulf %parallel_loop3A_242, %parallel_loop3A_242 : vector<16xf32>
      %parallel_loop3A_244 = arith.addf %parallel_loop3A_235, %parallel_loop3A_243 : vector<16xf32>
      %parallel_loop3A_245 = arith.index_cast %parallel_loop3A_209 : i32 to index
      %parallel_loop3A_246 = arith.constant 64 : index
      %parallel_loop3A_247 = tpu.vector_load %arg11[%parallel_loop3A_245, %parallel_loop3A_246] {strides = array<i32>} : memref<80x128xf32, #tpu.memory_space<vmem>>, vector<16xf32>,
      %parallel_loop3A_248 = arith.index_cast %parallel_loop3A_209 : i32 to index
      %parallel_loop3A_249 = arith.constant 64 : index
      %parallel_loop3A_250 = tpu.vector_load %arg14[%parallel_loop3A_248, %parallel_loop3A_249] {strides = array<i32>} : memref<80x128xf32, #tpu.memory_space<vmem>>, vector<16xf32>,
      %parallel_loop3A_251 = arith.subf %parallel_loop3A_247, %parallel_loop3A_250 : vector<16xf32>
      %parallel_loop3A_252 = arith.mulf %parallel_loop3A_251, %parallel_loop3A_251 : vector<16xf32>
      %parallel_loop3A_253 = arith.addf %parallel_loop3A_244, %parallel_loop3A_252 : vector<16xf32>
      %parallel_loop3A_254 = arith.index_cast %parallel_loop3A_209 : i32 to index
      %parallel_loop3A_255 = arith.constant 80 : index
      %parallel_loop3A_256 = tpu.vector_load %arg11[%parallel_loop3A_254, %parallel_loop3A_255] {strides = array<i32>} : memref<80x128xf32, #tpu.memory_space<vmem>>, vector<16xf32>,
      %parallel_loop3A_257 = arith.index_cast %parallel_loop3A_209 : i32 to index
      %parallel_loop3A_258 = arith.constant 80 : index
      %parallel_loop3A_259 = tpu.vector_load %arg14[%parallel_loop3A_257, %parallel_loop3A_258] {strides = array<i32>} : memref<80x128xf32, #tpu.memory_space<vmem>>, vector<16xf32>,
      %parallel_loop3A_260 = arith.subf %parallel_loop3A_256, %parallel_loop3A_259 : vector<16xf32>
      %parallel_loop3A_261 = arith.mulf %parallel_loop3A_260, %parallel_loop3A_260 : vector<16xf32>
      %parallel_loop3A_262 = arith.addf %parallel_loop3A_253, %parallel_loop3A_261 : vector<16xf32>
      %parallel_loop3A_263 = arith.index_cast %parallel_loop3A_209 : i32 to index
      %parallel_loop3A_264 = arith.constant 96 : index
      %parallel_loop3A_265 = tpu.vector_load %arg11[%parallel_loop3A_263, %parallel_loop3A_264] {strides = array<i32>} : memref<80x128xf32, #tpu.memory_space<vmem>>, vector<16xf32>,
      %parallel_loop3A_266 = arith.index_cast %parallel_loop3A_209 : i32 to index
      %parallel_loop3A_267 = arith.constant 96 : index
      %parallel_loop3A_268 = tpu.vector_load %arg14[%parallel_loop3A_266, %parallel_loop3A_267] {strides = array<i32>} : memref<80x128xf32, #tpu.memory_space<vmem>>, vector<16xf32>,
      %parallel_loop3A_269 = arith.subf %parallel_loop3A_265, %parallel_loop3A_268 : vector<16xf32>
      %parallel_loop3A_270 = arith.mulf %parallel_loop3A_269, %parallel_loop3A_269 : vector<16xf32>
      %parallel_loop3A_271 = arith.addf %parallel_loop3A_262, %parallel_loop3A_270 : vector<16xf32>
      %parallel_loop3A_272 = arith.index_cast %parallel_loop3A_209 : i32 to index
      %parallel_loop3A_273 = arith.constant 112 : index
      %parallel_loop3A_274 = tpu.vector_load %arg11[%parallel_loop3A_272, %parallel_loop3A_273] {strides = array<i32>} : memref<80x128xf32, #tpu.memory_space<vmem>>, vector<16xf32>,
      %parallel_loop3A_275 = arith.index_cast %parallel_loop3A_209 : i32 to index
      %parallel_loop3A_276 = arith.constant 112 : index
      %parallel_loop3A_277 = tpu.vector_load %arg14[%parallel_loop3A_275, %parallel_loop3A_276] {strides = array<i32>} : memref<80x128xf32, #tpu.memory_space<vmem>>, vector<16xf32>,
      %parallel_loop3A_278 = arith.subf %parallel_loop3A_274, %parallel_loop3A_277 : vector<16xf32>
      %parallel_loop3A_279 = arith.mulf %parallel_loop3A_278, %parallel_loop3A_278 : vector<16xf32>
      %parallel_loop3A_280 = arith.addf %parallel_loop3A_271, %parallel_loop3A_279 : vector<16xf32>
      %parallel_loop3A_281 = vector.shape_cast %xor3A_4 : vector<16xi32> to vector<16x1xi32>
      %parallel_loop3A_282 = vector.shape_cast %parallel_loop3A_281 : vector<16x1xi32> to vector<16xi32>
      %parallel_loop3A_283 = tpu.dynamic_gather %parallel_loop3A_280[%parallel_loop3A_282] in [0] : vector<16xf32>, vector<16xi32> -> vector<16xf32>
      %parallel_loop3A_284 = arith.addf %parallel_loop3A_280, %parallel_loop3A_283 : vector<16xf32>
      %parallel_loop3A_285 = vector.shape_cast %xor3A_7 : vector<16xi32> to vector<16x1xi32>
      %parallel_loop3A_286 = vector.shape_cast %parallel_loop3A_285 : vector<16x1xi32> to vector<16xi32>
      %parallel_loop3A_287 = tpu.dynamic_gather %parallel_loop3A_284[%parallel_loop3A_286] in [0] : vector<16xf32>, vector<16xi32> -> vector<16xf32>
      %parallel_loop3A_288 = arith.addf %parallel_loop3A_284, %parallel_loop3A_287 : vector<16xf32>
      %parallel_loop3A_289 = vector.shape_cast %xor3A_10 : vector<16xi32> to vector<16x1xi32>
      %parallel_loop3A_290 = vector.shape_cast %parallel_loop3A_289 : vector<16x1xi32> to vector<16xi32>
      %parallel_loop3A_291 = tpu.dynamic_gather %parallel_loop3A_288[%parallel_loop3A_290] in [0] : vector<16xf32>, vector<16xi32> -> vector<16xf32>
      %parallel_loop3A_292 = arith.addf %parallel_loop3A_288, %parallel_loop3A_291 : vector<16xf32>
      %parallel_loop3A_293 = vector.shape_cast %xor3A_13 : vector<16xi32> to vector<16x1xi32>
      %parallel_loop3A_294 = vector.shape_cast %parallel_loop3A_293 : vector<16x1xi32> to vector<16xi32>
      %parallel_loop3A_295 = tpu.dynamic_gather %parallel_loop3A_292[%parallel_loop3A_294] in [0] : vector<16xf32>, vector<16xi32> -> vector<16xf32>
      %parallel_loop3A_296 = arith.addf %parallel_loop3A_292, %parallel_loop3A_295 : vector<16xf32>
      %parallel_loop3A_297 = arith.constant 1.000000e-30 : f32
      %parallel_loop3A_298 = vector.broadcast %parallel_loop3A_297 : f32 to vector<16xf32>
      %parallel_loop3A_299 = arith.maximumf %parallel_loop3A_296, %parallel_loop3A_298 : vector<16xf32>
      %parallel_loop3A_300 = tpu.bitcast %parallel_loop3A_299 : vector<16xf32> -> vector<16xi32>
      %parallel_loop3A_301 = arith.constant 1 : i32
      %parallel_loop3A_302 = vector.broadcast %parallel_loop3A_301 : i32 to vector<16xi32>
      %parallel_loop3A_303 = arith.shrsi %parallel_loop3A_300, %parallel_loop3A_302 : vector<16xi32>
      %parallel_loop3A_304 = arith.constant 1597463007 : i32
      %parallel_loop3A_305 = vector.broadcast %parallel_loop3A_304 : i32 to vector<16xi32>
      %parallel_loop3A_306 = arith.subi %parallel_loop3A_305, %parallel_loop3A_303 : vector<16xi32>
      %parallel_loop3A_307 = tpu.bitcast %parallel_loop3A_306 : vector<16xi32> -> vector<16xf32>
      %parallel_loop3A_308 = arith.constant 5.000000e-01 : f32
      %parallel_loop3A_309 = vector.broadcast %parallel_loop3A_308 : f32 to vector<16xf32>
      %parallel_loop3A_310 = arith.mulf %parallel_loop3A_309, %parallel_loop3A_299 : vector<16xf32>
      %parallel_loop3A_311 = arith.mulf %parallel_loop3A_307, %parallel_loop3A_307 : vector<16xf32>
      %parallel_loop3A_312 = arith.mulf %parallel_loop3A_310, %parallel_loop3A_311 : vector<16xf32>
      %parallel_loop3A_313 = arith.constant 1.500000e+00 : f32
      %parallel_loop3A_314 = vector.broadcast %parallel_loop3A_313 : f32 to vector<16xf32>
      %parallel_loop3A_315 = arith.subf %parallel_loop3A_314, %parallel_loop3A_312 : vector<16xf32>
      %parallel_loop3A_316 = arith.mulf %parallel_loop3A_307, %parallel_loop3A_315 : vector<16xf32>
      %parallel_loop3A_317 = arith.mulf %parallel_loop3A_316, %parallel_loop3A_316 : vector<16xf32>
      %parallel_loop3A_318 = arith.mulf %parallel_loop3A_310, %parallel_loop3A_317 : vector<16xf32>
      %parallel_loop3A_319 = arith.constant 1.500000e+00 : f32
      %parallel_loop3A_320 = vector.broadcast %parallel_loop3A_319 : f32 to vector<16xf32>
      %parallel_loop3A_321 = arith.subf %parallel_loop3A_320, %parallel_loop3A_318 : vector<16xf32>
      %parallel_loop3A_322 = arith.mulf %parallel_loop3A_316, %parallel_loop3A_321 : vector<16xf32>
      %parallel_loop3A_323 = arith.mulf %parallel_loop3A_299, %parallel_loop3A_322 : vector<16xf32>
      %parallel_loop3A_324 = arith.constant 1.000000e+00 : f32
      %parallel_loop3A_325 = vector.broadcast %parallel_loop3A_324 : f32 to vector<16xf32>
      %parallel_loop3A_326 = arith.addf %parallel_loop3A_325, %parallel_loop3A_323 : vector<16xf32>
      %parallel_loop3A_327 = tpu.bitcast %parallel_loop3A_326 : vector<16xf32> -> vector<16xi32>
      %parallel_loop3A_328 = arith.constant 2129859011 : i32
      %parallel_loop3A_329 = vector.broadcast %parallel_loop3A_328 : i32 to vector<16xi32>
      %parallel_loop3A_330 = arith.subi %parallel_loop3A_329, %parallel_loop3A_327 : vector<16xi32>
      %parallel_loop3A_331 = tpu.bitcast %parallel_loop3A_330 : vector<16xi32> -> vector<16xf32>
      %parallel_loop3A_332 = arith.mulf %parallel_loop3A_326, %parallel_loop3A_331 : vector<16xf32>
      %parallel_loop3A_333 = arith.constant 2.000000e+00 : f32
      %parallel_loop3A_334 = vector.broadcast %parallel_loop3A_333 : f32 to vector<16xf32>
      %parallel_loop3A_335 = arith.subf %parallel_loop3A_334, %parallel_loop3A_332 : vector<16xf32>
      %parallel_loop3A_336 = arith.mulf %parallel_loop3A_331, %parallel_loop3A_335 : vector<16xf32>
      %parallel_loop3A_337 = arith.mulf %parallel_loop3A_326, %parallel_loop3A_336 : vector<16xf32>
      %parallel_loop3A_338 = arith.constant 2.000000e+00 : f32
      %parallel_loop3A_339 = vector.broadcast %parallel_loop3A_338 : f32 to vector<16xf32>
      %parallel_loop3A_340 = arith.subf %parallel_loop3A_339, %parallel_loop3A_337 : vector<16xf32>
      %parallel_loop3A_341 = arith.mulf %parallel_loop3A_336, %parallel_loop3A_340 : vector<16xf32>
      %parallel_loop3A_342 = arith.mulf %parallel_loop3A_326, %parallel_loop3A_341 : vector<16xf32>
      %parallel_loop3A_343 = arith.constant 2.000000e+00 : f32
      %parallel_loop3A_344 = vector.broadcast %parallel_loop3A_343 : f32 to vector<16xf32>
      %parallel_loop3A_345 = arith.subf %parallel_loop3A_344, %parallel_loop3A_342 : vector<16xf32>
      %parallel_loop3A_346 = arith.mulf %parallel_loop3A_341, %parallel_loop3A_345 : vector<16xf32>
      %parallel_loop3A_347 = arith.constant 9920 : i32
      %parallel_loop3A_348 = arith.addi %parallel_loop3A_347, %parallel_loop3A_209 : i32
      %parallel_loop3A_349 = vector.broadcast %parallel_loop3A_348 : i32 to vector<16xi32>
      %parallel_loop3A_350 = arith.addi %parallel_loop3A_349, %mul3A_18 : vector<16xi32>
      tpu.vector_store_idx %arg9[%parallel_loop3A_350], %parallel_loop3A_323 masked %lt3A_15 : memref<10000xf32, #tpu.memory_space<vmem>>[vector<16xi32>], vector<16xf32>, vector<16xi1>
      %parallel_loop3A_351 = arith.mulf %parallel_loop3A_216, %parallel_loop3A_346 : vector<16xf32>
      %parallel_loop3A_352 = arith.index_cast %parallel_loop3A_209 : i32 to index
      %parallel_loop3A_353 = arith.constant 0 : index
      %parallel_loop3A_354 = tpu.vector_load %arg17[%parallel_loop3A_352, %parallel_loop3A_353] {strides = array<i32>} : memref<80x128xf32, #tpu.memory_space<vmem>>, vector<16xf32>,
      tpu.vector_store %arg17[%parallel_loop3A_352, %parallel_loop3A_353], %parallel_loop3A_351 {strides = array<i32>} : memref<80x128xf32, #tpu.memory_space<vmem>>, vector<16xf32>,
      %parallel_loop3A_355 = arith.mulf %parallel_loop3A_224, %parallel_loop3A_346 : vector<16xf32>
      %parallel_loop3A_356 = arith.index_cast %parallel_loop3A_209 : i32 to index
      %parallel_loop3A_357 = arith.constant 16 : index
      %parallel_loop3A_358 = tpu.vector_load %arg17[%parallel_loop3A_356, %parallel_loop3A_357] {strides = array<i32>} : memref<80x128xf32, #tpu.memory_space<vmem>>, vector<16xf32>,
      tpu.vector_store %arg17[%parallel_loop3A_356, %parallel_loop3A_357], %parallel_loop3A_355 {strides = array<i32>} : memref<80x128xf32, #tpu.memory_space<vmem>>, vector<16xf32>,
      %parallel_loop3A_359 = arith.mulf %parallel_loop3A_233, %parallel_loop3A_346 : vector<16xf32>
      %parallel_loop3A_360 = arith.index_cast %parallel_loop3A_209 : i32 to index
      %parallel_loop3A_361 = arith.constant 32 : index
      %parallel_loop3A_362 = tpu.vector_load %arg17[%parallel_loop3A_360, %parallel_loop3A_361] {strides = array<i32>} : memref<80x128xf32, #tpu.memory_space<vmem>>, vector<16xf32>,
      tpu.vector_store %arg17[%parallel_loop3A_360, %parallel_loop3A_361], %parallel_loop3A_359 {strides = array<i32>} : memref<80x128xf32, #tpu.memory_space<vmem>>, vector<16xf32>,
      %parallel_loop3A_363 = arith.mulf %parallel_loop3A_242, %parallel_loop3A_346 : vector<16xf32>
      %parallel_loop3A_364 = arith.index_cast %parallel_loop3A_209 : i32 to index
      %parallel_loop3A_365 = arith.constant 48 : index
      %parallel_loop3A_366 = tpu.vector_load %arg17[%parallel_loop3A_364, %parallel_loop3A_365] {strides = array<i32>} : memref<80x128xf32, #tpu.memory_space<vmem>>, vector<16xf32>,
      tpu.vector_store %arg17[%parallel_loop3A_364, %parallel_loop3A_365], %parallel_loop3A_363 {strides = array<i32>} : memref<80x128xf32, #tpu.memory_space<vmem>>, vector<16xf32>,
      %parallel_loop3A_367 = arith.mulf %parallel_loop3A_251, %parallel_loop3A_346 : vector<16xf32>
      %parallel_loop3A_368 = arith.index_cast %parallel_loop3A_209 : i32 to index
      %parallel_loop3A_369 = arith.constant 64 : index
      %parallel_loop3A_370 = tpu.vector_load %arg17[%parallel_loop3A_368, %parallel_loop3A_369] {strides = array<i32>} : memref<80x128xf32, #tpu.memory_space<vmem>>, vector<16xf32>,
      tpu.vector_store %arg17[%parallel_loop3A_368, %parallel_loop3A_369], %parallel_loop3A_367 {strides = array<i32>} : memref<80x128xf32, #tpu.memory_space<vmem>>, vector<16xf32>,
      %parallel_loop3A_371 = arith.mulf %parallel_loop3A_260, %parallel_loop3A_346 : vector<16xf32>
      %parallel_loop3A_372 = arith.index_cast %parallel_loop3A_209 : i32 to index
      %parallel_loop3A_373 = arith.constant 80 : index
      %parallel_loop3A_374 = tpu.vector_load %arg17[%parallel_loop3A_372, %parallel_loop3A_373] {strides = array<i32>} : memref<80x128xf32, #tpu.memory_space<vmem>>, vector<16xf32>,
      tpu.vector_store %arg17[%parallel_loop3A_372, %parallel_loop3A_373], %parallel_loop3A_371 {strides = array<i32>} : memref<80x128xf32, #tpu.memory_space<vmem>>, vector<16xf32>,
      %parallel_loop3A_375 = arith.mulf %parallel_loop3A_269, %parallel_loop3A_346 : vector<16xf32>
      %parallel_loop3A_376 = arith.index_cast %parallel_loop3A_209 : i32 to index
      %parallel_loop3A_377 = arith.constant 96 : index
      %parallel_loop3A_378 = tpu.vector_load %arg17[%parallel_loop3A_376, %parallel_loop3A_377] {strides = array<i32>} : memref<80x128xf32, #tpu.memory_space<vmem>>, vector<16xf32>,
      tpu.vector_store %arg17[%parallel_loop3A_376, %parallel_loop3A_377], %parallel_loop3A_375 {strides = array<i32>} : memref<80x128xf32, #tpu.memory_space<vmem>>, vector<16xf32>,
      %parallel_loop3A_379 = arith.mulf %parallel_loop3A_278, %parallel_loop3A_346 : vector<16xf32>
      %parallel_loop3A_380 = arith.index_cast %parallel_loop3A_209 : i32 to index
      %parallel_loop3A_381 = arith.constant 112 : index
      %parallel_loop3A_382 = tpu.vector_load %arg17[%parallel_loop3A_380, %parallel_loop3A_381] {strides = array<i32>} : memref<80x128xf32, #tpu.memory_space<vmem>>, vector<16xf32>,
      tpu.vector_store %arg17[%parallel_loop3A_380, %parallel_loop3A_381], %parallel_loop3A_379 {strides = array<i32>} : memref<80x128xf32, #tpu.memory_space<vmem>>, vector<16xf32>,
    } {sc.loop_unroll_factor = 1 : i64, sc.parallel_access}
    %add3A_181 = arith.constant 9920 : i32
    %add3A_182 = arith.addi %mul3A_2, %add3A_181 : i32
    %dma_start3A_183 = arith.constant 0 : i32
    %dma_start3A_184 = tpu.memref_slice %arg6[%add3A_182, %dma_start3A_183] : memref<320000x128xf32, #tpu.memory_space<hbm>> -> memref<80x128xf32, #tpu.memory_space<hbm>>
    %dma_start3A_185 = arith.constant 0 : i32
    %dma_start3A_186 = tpu.memref_slice %arg6[%add3A_182, %dma_start3A_185] : memref<320000x128xf32, #tpu.memory_space<hbm>> -> memref<80x128xf32, #tpu.memory_space<hbm>>
    tpu.enqueue_dma source(%arg17 : memref<80x128xf32, #tpu.memory_space<vmem>>) target(%dma_start3A_186 : memref<80x128xf32, #tpu.memory_space<hbm>>) target_semaphore(%arg28 : memref<!tpu.dma_semaphore, #tpu.memory_space<semaphore_mem>>)
    %dma_wait3A_187 = arith.constant 0 : i32
    %dma_wait3A_188 = arith.constant 0 : i32
    %dma_wait3A_189 = tpu.memref_slice %arg6[%dma_wait3A_187, %dma_wait3A_188] : memref<320000x128xf32, #tpu.memory_space<hbm>> -> memref<80x128xf32, #tpu.memory_space<hbm>>
    %dma_wait3A_190 = arith.constant 0 : i32
    %dma_wait3A_191 = arith.constant 0 : i32
    %dma_wait3A_192 = tpu.memref_slice %arg6[%dma_wait3A_190, %dma_wait3A_191] : memref<320000x128xf32, #tpu.memory_space<hbm>> -> memref<80x128xf32, #tpu.memory_space<hbm>>
    tpu.wait_dma2 semaphore(%arg29 : memref<!tpu.dma_semaphore, #tpu.memory_space<semaphore_mem>>) src(%arg18 : memref<80x128xf32, #tpu.memory_space<vmem>>) dst(%dma_wait3A_192 : memref<80x128xf32, #tpu.memory_space<hbm>>)
    %dma_wait3A_193 = arith.constant 0 : i32
    %dma_wait3A_194 = arith.constant 0 : i32
    %dma_wait3A_195 = tpu.memref_slice %arg6[%dma_wait3A_193, %dma_wait3A_194] : memref<320000x128xf32, #tpu.memory_space<hbm>> -> memref<80x128xf32, #tpu.memory_space<hbm>>
    %dma_wait3A_196 = arith.constant 0 : i32
    %dma_wait3A_197 = arith.constant 0 : i32
    %dma_wait3A_198 = tpu.memref_slice %arg6[%dma_wait3A_196, %dma_wait3A_197] : memref<320000x128xf32, #tpu.memory_space<hbm>> -> memref<80x128xf32, #tpu.memory_space<hbm>>
    tpu.wait_dma2 semaphore(%arg27 : memref<!tpu.dma_semaphore, #tpu.memory_space<semaphore_mem>>) src(%arg16 : memref<80x128xf32, #tpu.memory_space<vmem>>) dst(%dma_wait3A_198 : memref<80x128xf32, #tpu.memory_space<hbm>>)
    %dma_wait3A_199 = arith.constant 0 : i32
    %dma_wait3A_200 = arith.constant 0 : i32
    %dma_wait3A_201 = tpu.memref_slice %arg6[%dma_wait3A_199, %dma_wait3A_200] : memref<320000x128xf32, #tpu.memory_space<hbm>> -> memref<80x128xf32, #tpu.memory_space<hbm>>
    %dma_wait3A_202 = arith.constant 0 : i32
    %dma_wait3A_203 = arith.constant 0 : i32
    %dma_wait3A_204 = tpu.memref_slice %arg6[%dma_wait3A_202, %dma_wait3A_203] : memref<320000x128xf32, #tpu.memory_space<hbm>> -> memref<80x128xf32, #tpu.memory_space<hbm>>
    tpu.wait_dma2 semaphore(%arg28 : memref<!tpu.dma_semaphore, #tpu.memory_space<semaphore_mem>>) src(%arg17 : memref<80x128xf32, #tpu.memory_space<vmem>>) dst(%dma_wait3A_204 : memref<80x128xf32, #tpu.memory_space<hbm>>)
    %dma_start3A_205 = tpu.memref_slice %arg5[%mul3A_2] : memref<320000xf32, #tpu.memory_space<hbm>> -> memref<10000xf32, #tpu.memory_space<hbm>>
    %dma_start3A_206 = tpu.memref_slice %arg5[%mul3A_2] : memref<320000xf32, #tpu.memory_space<hbm>> -> memref<10000xf32, #tpu.memory_space<hbm>>
    tpu.enqueue_dma source(%arg9 : memref<10000xf32, #tpu.memory_space<vmem>>) target(%dma_start3A_206 : memref<10000xf32, #tpu.memory_space<hbm>>) target_semaphore(%arg30 : memref<!tpu.dma_semaphore, #tpu.memory_space<semaphore_mem>>)
    %dma_wait3A_207 = tpu.memref_slice %arg5[%mul3A_2] : memref<320000xf32, #tpu.memory_space<hbm>> -> memref<10000xf32, #tpu.memory_space<hbm>>
    %dma_wait3A_208 = tpu.memref_slice %arg5[%mul3A_2] : memref<320000xf32, #tpu.memory_space<hbm>> -> memref<10000xf32, #tpu.memory_space<hbm>>
    tpu.wait_dma2 semaphore(%arg30 : memref<!tpu.dma_semaphore, #tpu.memory_space<semaphore_mem>>) src(%arg9 : memref<10000xf32, #tpu.memory_space<vmem>>) dst(%dma_wait3A_208 : memref<10000xf32, #tpu.memory_space<hbm>>)
    return
  }
}

</mosaic_0001>

<sc_bundles>
// kernel: _add_edges_sc.3.cloned.1.call-start
scs
__scs_entry_jumppad:
0x0: {  	(pc) =	sbr.rel $0x88, $3  }
0x1: {  	(tag) =	ssettag $0x0;
	lr =	simm.s32 $0x1  }
0x2: {  	[smem:$0x3F9E] =	sst lr;
	_ =	strace $0xD0000000  }
0x3: {  	_ = 	snop  }
0x4: {  	_ = 	snop  }
0x5: {  	_ = 	snop  }
0x6: {  	_ = 	snop  }
0x7: {  	_ = 	snop  }
__scs_overlays_trampoline_lowered:
0x8: {  	[smem:$0x3FAD] =	sst s0  }
0x9: {  	[smem:$0x3FAE] =	sst s1  }
0xa: {  	[smem:$0x3FAF] =	sst s2  }
0xb: {  	[smem:$0x3FB0] =	sst s3  }
0xc: {  	[smem:$0x3FB1] =	sst s4  }
0xd: {  	[smem:$0x3FB2] =	sst s5  }
0xe: {  	[smem:$0x3FB3] =	sst s6  }
0xf: {  	[smem:$0x3FB4] =	sst s7  }
0x10: {  	[smem:$0x3FB5] =	sst s8  }
0x11: {  	[smem:$0x3FB6] =	sst s9;
	s0 =	simm.s32 @!p0 $0x0  }
0x12: {  	s1 =	sld [smem:$0x3F9C];
	s0 =	simm.s32 @p0 $0x1  }
0x13: {  	[smem:$0x3FB7] =	sst s0;
	s0 =	simm.s32 @!p1 $0x0  }
0x14: {  	s2 =	sld [smem:$0x3F9B];
	s0 =	simm.s32 @p1 $0x1  }
0x15: {  	[smem:$0x3FB8] =	sst s0;
	s0 =	simm.s32 @!p2 $0x0  }
0x16: {  	s3 =	sld [smem:$0x3FDB];
	s0 =	simm.s32 @p2 $0x1  }
0x17: {  	s4 =	simm.s32 $0x1BF5;
	[smem:$0x3FBA] =	sst s0  }
0x18: {  	s0 =	sld [smem:$0x3F9D];
	_ =	swait.ge [sflag:s4], $0x0  }
0x19: {  	s7 =	sld [smem:$0x3F9E]  }
0x1a: {  	s8 =	sadd.s32 $0xFFFFE003, lr  }
0x1b: {  	s9 =	sadd.s32 $0xFFFFFEF7, lr;
	s5 =	simm.s32 $0xFFFFFFFF;
	p2 =	slt.u32 s8, $0xFFFFF086  }
0x1c: {  	p1 =	slt.u32 s9, $0xF7A;
	s5 =	simm.s32 @!p2 $0x0  }
0x1d: {  	s5 =	simm.s32 @p1 $0x1;
	p0 =	seq.s32 s7, s2  }
0x1e: {  	s7 =	smul.u32 @!p0 $0xF7A, s2;
	p2 =	seq.s32 @!p0 s5, $0x0  }
0x1f: {  	s9 =	smul.u32 $0xF7A, s1;
	s8 =	simm.s32 @!p0 $0x1BF5;
	p2 =	por !p2, p0  }
0x20: {  	[sflag:s8] =	ssyncset.s32 @!p0 $0xFFFFF086;
	s6 =	sadd.s32 @!p0 s3, s7;
	s7 =	simm.s32 @!p0 $0x108  }
0x21: {  	s3 =	sadd.s32 s3, s9;
	s6 =	sadd.s32 @!p0 $0x88, s6;
	s7 =	simm.s32 @p2 $0x1082  }
0x22: {  	[simem:s7], [sflag:s8] =	dma.local @!p0 [hbm:s6], $0xF7A  }
0x23: {  	s9 =	sor.u32 $0xD0000000, s2;
	s6 =	simm.s32 $0x108;
	_ =	swait.ge @!p0 [sflag:s8], $0x0  }
0x24: {  	s3 =	sadd.s32 $0x88, s3;
	s6 =	simm.s32 @!p1 $0x1082;
	[sflag:s4] =	ssyncset.s32 $0xFFFFF086  }
0x25: {  	[simem:s6], [sflag:s4] =	dma.local [hbm:s3], $0xF7A  }
0x26: {  	[smem:$0x3F9E] =	sst s1;
	(tag) =	ssettag s2;
	_ =	strace s9  }
0x27: {  	s1 =	sld [smem:$0x3FAE]  }
0x28: {  	s2 =	sld [smem:$0x3FAF]  }
0x29: {  	s4 =	sld [smem:$0x3FB1]  }
0x2a: {  	p0 =	seq.s32 s5, $0x0;
	s5 =	sld [smem:$0x3FB2]  }
0x2b: {  	s6 =	sld [smem:$0x3FB3]  }
0x2c: {  	s7 =	sld [smem:$0x3FB4]  }
0x2d: {  	s3 =	simm.s32 $0x108;
	s8 =	sld [smem:$0x3FB5]  }
0x2e: {  	s3 =	simm.s32 @!p0 $0x1082;
	s9 =	sld [smem:$0x3FB6]  }
0x2f: {  	lr =	sadd.s32 s0, s3;
	s0 =	sld [smem:$0x3FAD]  }
0x30: {  	s3 =	sld [smem:$0x3FB0]  }
0x31: {  	[smem:$0x3FB9] =	sst s10  }
0x32: {  	s10 =	sld [smem:$0x3FB7];
	_ =	sdelay $0x3  }
0x33: {  	p0 =	seq.s32 s10, $0x1;
	s10 =	sld [smem:$0x3FB9];
	_ =	sdelay $0x3  }
0x34: {  	[smem:$0x3FB9] =	sst s10  }
0x35: {  	s10 =	sld [smem:$0x3FB8];
	_ =	sdelay $0x3  }
0x36: {  	p1 =	seq.s32 s10, $0x1;
	s10 =	sld [smem:$0x3FB9];
	_ =	sdelay $0x3  }
0x37: {  	[smem:$0x3FB9] =	sst s10  }
0x38: {  	s10 =	sld [smem:$0x3FBA]  }
0x39: {  	_ = 	snop;
	(pc) =	sbr.ind lr, $3  }
0x3a: {  	_ = 	snop  }
0x3b: {  	_ = 	snop  }
0x3c: {  	p2 =	seq.s32 s10, $0x1;
	s10 =	sld [smem:$0x3FB9]  }
0x3d: {  	_ =	shalt  }
0x3e: {  	_ =	shalt  }
0x3f: {  	_ =	shalt  }
0x40: {  	_ =	shalt  }
0x41: {  	_ =	shalt  }
0x42: {  	_ =	shalt  }
0x43: {  	_ =	shalt  }
0x44: {  	_ =	shalt  }
0x45: {  	_ =	shalt  }
0x46: {  	_ =	shalt  }
0x47: {  	_ =	shalt  }
0x48: {  	_ =	shalt  }
0x49: {  	_ =	shalt  }
0x4a: {  	_ =	shalt  }
0x4b: {  	_ =	shalt  }
0x4c: {  	_ =	shalt  }
0x4d: {  	_ =	shalt  }
0x4e: {  	_ =	shalt  }
0x4f: {  	_ =	shalt  }
0x50: {  	_ =	shalt  }
0x51: {  	_ =	shalt  }
0x52: {  	_ =	shalt  }
0x53: {  	_ =	shalt  }
0x54: {  	_ =	shalt  }
0x55: {  	_ =	shalt  }
0x56: {  	_ =	shalt  }
0x57: {  	_ =	shalt  }
0x58: {  	_ =	shalt  }
0x59: {  	_ =	shalt  }
0x5a: {  	_ =	shalt  }
0x5b: {  	_ =	shalt  }
0x5c: {  	_ =	shalt  }
0x5d: {  	_ =	shalt  }
0x5e: {  	_ =	shalt  }
0x5f: {  	_ =	shalt  }
0x60: {  	_ =	shalt  }
0x61: {  	_ =	shalt  }
0x62: {  	_ =	shalt  }
0x63: {  	_ =	shalt  }
0x64: {  	_ =	shalt  }
0x65: {  	_ =	shalt  }
0x66: {  	_ =	shalt  }
0x67: {  	_ =	shalt  }
0x68: {  	_ =	shalt  }
0x69: {  	_ =	shalt  }
0x6a: {  	_ =	shalt  }
0x6b: {  	_ =	shalt  }
0x6c: {  	_ =	shalt  }
0x6d: {  	_ =	shalt  }
0x6e: {  	_ =	shalt  }
0x6f: {  	_ =	shalt  }
0x70: {  	_ =	shalt  }
0x71: {  	_ =	shalt  }
0x72: {  	_ =	shalt  }
0x73: {  	_ =	shalt  }
0x74: {  	_ =	shalt  }
0x75: {  	_ =	shalt  }
0x76: {  	_ =	shalt  }
0x77: {  	_ =	shalt  }
0x78: {  	_ =	shalt  }
0x79: {  	_ =	shalt  }
0x7a: {  	_ =	shalt  }
0x7b: {  	_ =	shalt  }
0x7c: {  	_ =	shalt  }
0x7d: {  	_ =	shalt  }
0x7e: {  	_ =	shalt  }
0x7f: {  	_ =	shalt  }
0x80: {  	_ =	shalt  }
0x81: {  	_ =	shalt  }
0x82: {  	_ =	shalt  }
0x83: {  	_ =	shalt  }
0x84: {  	_ =	shalt  }
0x85: {  	_ =	shalt  }
0x86: {  	_ =	shalt  }
0x87: {  	_ =	shalt  }
.Lfunc_end0:
.L_simem_size_0:
called_computation_lowered:
.L_overlay_start_0:
0x88: {  	s2 =	sld [smem:$0x3FD9]  }
0x89: {  	s3 =	sld [smem:$0x3FFE];
	_ =	sdelay $0x1  }
0x8a: {  	s1 =	srdreg.scid  }
0x8b: {  	s0 =	sand.u32 $0x1, s1  }
0x8c: {  	s15 =	sshll.u32 s0, $0xA;
	s2 =	sadd.s32 s3, s2  }
0x8d: {  	s2 =	sadd.s32 s2, s15  }
0x8e: {  	[smem:$0x3FC5] =	sst s2  }
0x8f: {  	_ = 	snop  }
0x90: {  	s2 =	sld [smem:$0x3FD0]  }
0x91: {  	s16 =	sld [smem:$0x3FC9]  }
0x92: {  	s4 =	sld [smem:$0x3FC8]  }
0x93: {  	s6 =	simm.s32 $0xA;
	s7 =	simm.s32 $0x10;
	s5 =	sld [smem:$0x3FC7]  }
0x94: {  	[smem:s7], [sflag:s6] =	dma.local [hbm:s2], $0x1  }
0x95: {  	_ =	swait.eq [sflag:s6], $0x1  }
0x96: {  	[sflag:s6] =	ssyncset.done $0x0  }
0x97: {  	s17 =	sld [smem:$0x10];
	[sflag:s6] =	ssyncadd.s32 $0xFFFFFFFF  }
0x98: {  	s18 =	sld [smem:$0x11];
	(tm) =	ssettm $0x1  }
0x99: {  	s19 =	sld [smem:$0x3FFB];
	_ =	sdelay $0x3  }
0x9a: {  	_ =	strace s19  }
0x9b: {  	s7 =	sld [smem:$0x3FFC];
	_ =	sdelay $0x3  }
0x9c: {  	_ =	strace s7  }
0x9d: {  	s7 =	sld [smem:$0x3FFD];
	_ =	sdelay $0x3  }
0x9e: {  	_ =	strace s7  }
0x9f: {  	_ =	strace $0x8FFFFFFF  }
0xa0: {  	s20 =	sld [smem:$0x3FDB];
	_ =	sdelay $0x1  }
0xa1: {  	s8 =	simm.s32 $_scs_section_size  }
0xa2: {  	s9 =	simm.s32 $_size__tile_overlayer_lowered;
	s10 =	simm.s32 $_tile_overlayer_lowered  }
0xa3: {  	s23 =	simm.s32 $0x1BFF;
	s22 =	sshll.u32 s10, $0x1;
	s7 =	sadd.s32 s8, s20  }
0xa4: {  	s11 =	simm.s32 $0x0;
	s21 =	sshll.u32 s9, $0x1;
	s9 =	sadd.s32 s22, s7  }
0xa5: {  	[timem:s11], [sflag:s23] =	dma.local [hbm:s9], s21  }
0xa6: {  	_ =	swait.ge [sflag:s23], s21  }
0xa7: {  	s8 =	ssub.s32 $0x0, s21;
	[sflag:s23] =	ssyncset.done $0x0  }
0xa8: {  	[sflag:s23] =	ssyncadd.s32 s8;
	_ =	sdelay $0x1  }
0xa9: {  	s24 =	simm.s32 $0x1B8B  }
0xaa: {  	_ =	swait.ge [sflag:s24], $0x1  }
0xab: {  	[sflag:s24] =	ssyncset.done $0x0  }
0xac: {  	s25 =	simm.s32 $0x1B8E;
	[sflag:s24] =	ssyncadd.s32 $0xFFFFFFFF  }
0xad: {  	s26 =	simm.s32 $execute0_lowered;
	[smem:$0x3FD2] =	sst s25  }
0xae: {  	s8 =	sshll.u32 s26, $0x1;
	_ =	strace $0x80000046;
	[dreg:$0x1] =	wrdreg $0xFFFFFFFF  }
0xaf: {  	s28 =	simm.s32 $_size_execute0_lowered;
	s7 =	sadd.s32 s7, s8;
	[dreg:$0x0] =	wrdreg $0x0  }
0xb0: {  	s8 =	sshll.u32 s28, $0x1;
	[dreg:$0x2] =	wrdreg s7  }
0xb1: {  	[dreg:$0x3] =	wrdreg s8  }
0xb2: {  	[dreg:$0x4] =	wrdreg $0xC0  }
0xb3: {  	_ =	task [dreg:s11], $0x5FFFF  }
0xb4: {  	[dreg:$0x1] =	wrdreg $0xFFFFFFFF  }
0xb5: {  	[dreg:$0x0] =	wrdreg $0x60  }
0xb6: {  	[dreg:$0x2] =	wrdreg s16  }
0xb7: {  	[dreg:$0x3] =	wrdreg s4  }
0xb8: {  	[dreg:$0x4] =	wrdreg s5  }
0xb9: {  	[dreg:$0x5] =	wrdreg s17  }
0xba: {  	[dreg:$0x6] =	wrdreg s18  }
0xbb: {  	[dreg:$0x7] =	wrdreg $0x9  }
0xbc: {  	_ =	task.clear_ibuf [dreg:s11], $0x8FFFF;
	_ =	strace $0x90000046  }
0xbd: {  	s29 =	simm.s32 $0x9;
	_ =	strace $0x80000048  }
0xbe: {  	_ =	swait.ge [sflag:s29], $0x1  }
0xbf: {  	[sflag:s29] =	ssyncadd.s32 $0xFFFFFFFF  }
0xc0: {  	_ =	strace $0x90000048  }
0xc1: {  	_ =	sfence  }
0xc2: {  	s30 =	sld [smem:$0x0];
	_ =	sdelay $0x2  }
0xc3: {  	s31 =	sshll.u32 s1, $0xD;
	s1 =	sshrl.u32 s1, $0x2  }
0xc4: {  	s3 =	sand.u32 $0x4000, s31;
	s1 =	sadd.s32 s1, s30  }
0xc5: {  	s0 =	sor.u32 s3, s0;
	s1 =	sshll.u32 s1, $0x11  }
0xc6: {  	s0 =	sor.u32 s1, s0  }
0xc7: {  	s0 =	sadd.s32 $0x8F2B, s0  }
0xc8: {  	[sflag:s0] =	ssyncadd.remote.s32 $0x1  }
0xc9: {  	_ =	sfence.sel $0xFFFF  }
0xca: {  	[dreg:$0x0] =	wrdreg $0xFFFFFFFF;
	(pc) =	sbr.abs _section_cstart, $3  }
0xcb: {  	[dreg:$0x1] =	wrdreg $0xFFFFFFFF  }
0xcc: {  	_ =	task.clear_ibuf [dreg:s11], $0x2FFFF;
	_ =	strace $0x9FFFFFFF  }
0xcd: {  	(tm) =	ssettm $0x7FFFFFFF  }
tec
execute0_lowered:
.L_overlay_start_1:
0x0: {  	(tag) =	ssettag $0x1  }
0x1: {  	s1 =	rddreg [dreg:$0x0]  }
0x2: {  	s0 =	rddreg [dreg:$0x1]  }
0x3: {  	s2 =	rddreg [dreg:$0x2]  }
0x4: {  	s3 =	srdreg.scid;
	s4 =	stileid.u32  }
0x5: {  	s6 =	rddreg [dreg:$0x3];
	s12 =	simm.s32 $0x28;
	s20 =	simm.s32 $0xB280  }
0x6: {  	s22 =	simm.s32 $0x11680;
	s28 =	simm.s32 $0x12A80;
	s16 =	simm.s32 $0x6  }
0x7: {  	s19 =	simm.s32 $0x4F00;
	s21 =	simm.s32 $0x16680;
	s11 =	simm.s32 $0x7  }
0x8: {  	v0 =	vimm.s32 $0xEFCDAB89;
	v1 =	vimm.s32 $0x67452301;
	s10 =	simm.s32 $0x0;
	s7 =	sand.u32 $0x1, s3;
	s4 =	sshll.u32 s4, $0x1  }
0x9: {  	v2 =	vimm.s32 $0xDCFE98BA;
	v3 =	vimm.s32 $0x54761032;
	v4 =	vimm.s32 $0xBA98FEDC;
	s3 =	rddreg [dreg:$0x4];
	s8 =	sor.u32 s7, s4;
	s7 =	ssub.s32 $0x2, s7  }
0xa: {  	v5 =	vimm.s32 $0x32107654;
	v6 =	vimm.s32 $0xFEDCBA98;
	s4 =	simm.s32 $0x0;
	s5 =	smul.u32 $0x2710, s8;
	s9 =	sshrl.u32 s7, $0x1  }
0xb: {  	v7 =	vimm.s32 $0x76543210;
	v0 =	vunpack.c.l.s4.s8 v0;
	[smem:$0x7FF] =	sst s4;
	s8 =	smul.u32 $0x138800, s8;
	s7 =	ssub.s32 s7, s9  }
0xc: {  	v1 =	vunpack.c.l.s4.s8 v1;
	v2 =	vunpack.c.l.s4.s8 v2;
	v3 =	vunpack.c.l.s4.s8 v3;
	_ =	strace $0x80000047;
	s24 =	sshrl.u32 s5, $0x3;
	s31 =	smax.u32 s7, $0x1  }
0xd: {  	v6 =	vunpack.c.l.s4.s8 v6;
	v4 =	vunpack.c.l.s4.s8 v4;
	v5 =	vunpack.c.l.s4.s8 v5;
	s8 =	sshrl.u32 s8, $0x3;
	s0 =	sadd.s32 s0, s24;
	[dreg:$0xb] =	wrdreg s31  }
0xe: {  	v7 =	vunpack.c.l.s4.s8 v7;
	v0 =	vunpack.c.0.s8.s32 v0;
	v1 =	vunpack.c.0.s8.s32 v1;
	s7 =	simm.s32 $0x5;
	s25 =	sadd.s32 s2, s24;
	[dreg:$0x6] =	wrdreg s0  }
0xf: {  	v2 =	vunpack.c.0.s8.s32 v2;
	v3 =	vunpack.c.0.s8.s32 v3;
	v6 =	vunpack.c.0.s8.s32 v6;
	s26 =	sadd.s32 s3, s8;
	s30 =	sadd.s32 s6, s24;
	[dreg:$0x7] =	wrdreg s25  }
0x10: {  	v4 =	vunpack.c.0.s8.s32 v4;
	v5 =	vunpack.c.0.s8.s32 v5;
	v7 =	vunpack.c.0.s8.s32 v7;
	s6 =	simm.s32 $0x18E80;
	s29 =	sadd.s32 $0x26700, s26;
	[dreg:$0xa] =	wrdreg s30  }
0x11: {  	v0 =	vcombine.low v1, v0;
	v1 =	vcombine.low v3, v2;
	v3 =	vand.u32 $0xF, v6;
	s8 =	simm.s32 $0x8;
	s0 =	sadd.s32 $0x26C00, s26;
	[dreg:$0x8] =	wrdreg s29  }
0x12: {  	v2 =	vcombine.low v5, v4;
	v3 =	vcombine.low v3, v7;
	s26 =	simm.s32 $0x4;
	[dreg:$0x9] =	wrdreg s0;
	s0 =	simm.s32 $0x3  }
.LBB2_1:
0x13: {  	[dreg:$0xc] =	wrdreg s10  }
0x14: {  	s2 =	rddreg [dreg:$0x6]  }
0x15: {  	[tilespmem:s4], [sflag:$0x1] =	stream.linear.gather [hbm4b:s2+s4], $0x2710, $0x38;
	[tilespmem:$0x1DE80] =	vst v63  }
0x16: {  	s10 =	rddreg [dreg:$0x7];
	s9 =	simm.s32 $0x2780;
	s13 =	simm.s32 $0x1  }
0x17: {  	[tilespmem:s9], [sflag:$0x2] =	stream.linear.gather [hbm4b:s10+s4], $0x2710, $0x38;
	[tilespmem:$0x1DE80] =	vst v63  }
0x18: {  	_ =	swait.ge [sflag:s13], $0x2710  }
0x19: {  	[sflag:s13] =	ssyncset.done $0x0  }
0x1a: {  	s14 =	simm.s32 $0x2;
	[sflag:s13] =	ssyncadd.s32 $0xFFFFD8F0  }
0x1b: {  	_ =	swait.ge [sflag:s14], $0x2710  }
0x1c: {  	[sflag:s14] =	ssyncset.done $0x0  }
0x1d: {  	s15 =	simm.s32 $0x7680;
	[sflag:s14] =	ssyncadd.s32 $0xFFFFD8F0  }
0x1e: {  	[tilespmem:s15], [sflag:$0x3] =	stream.indirect.gather [hbm4b:s1+s12], $0x80, s4, s12, $0xb8;
	[tilespmem:$0x1DE80] =	vst v63  }
0x1f: {  	s17 =	simm.s32 $0x8A80  }
0x20: {  	[tilespmem:s17], [sflag:$0x3] =	stream.indirect.gather [hbm4b:s1+s12], $0x80, s12, s12, $0xb8;
	[tilespmem:$0x1DE80] =	vst v63  }
0x21: {  	s18 =	simm.s32 $0xEE80  }
0x22: {  	[tilespmem:s18], [sflag:$0x6] =	stream.indirect.gather [hbm4b:s1+s12], $0x80, s9, s12, $0xb8;
	[tilespmem:$0x1DE80] =	vst v63  }
0x23: {  	s23 =	simm.s32 $0x27A8;
	s24 =	simm.s32 $0x10280  }
0x24: {  	[tilespmem:s24], [sflag:$0x6] =	stream.indirect.gather [hbm4b:s1+s12], $0x80, s23, s12, $0xb8;
	[tilespmem:$0x1DE80] =	vst v63  }
0x25: {  	s25 =	simm.s32 $0x9E80;
	s17 =	simm.s32 $0x50  }
0x26: {  	[tilespmem:s25], [sflag:$0x4] =	stream.indirect.gather [hbm4b:s1+s12], $0x80, s17, s12, $0xb8;
	[tilespmem:$0x1DE80] =	vst v63  }
0x27: {  	s29 =	simm.s32 $0x78  }
0x28: {  	[tilespmem:s20], [sflag:$0x4] =	stream.indirect.gather [hbm4b:s1+s12], $0x80, s29, s12, $0xb8;
	[tilespmem:$0x1DE80] =	vst v63  }
0x29: {  	s30 =	simm.s32 $0x27D0;
	s31 =	simm.s32 $0x27F8  }
0x2a: {  	[tilespmem:s22], [sflag:$0x7] =	stream.indirect.gather [hbm4b:s1+s12], $0x80, s30, s12, $0xb8;
	[tilespmem:$0x1DE80] =	vst v63  }
0x2b: {  	s10 =	simm.s32 $0xA0;
	s23 =	simm.s32 $0x0;
	s24 =	simm.s32 $0x0  }
0x2c: {  	[tilespmem:s28], [sflag:$0x7] =	stream.indirect.gather [hbm4b:s1+s12], $0x80, s31, s12, $0xb8;
	[tilespmem:$0x1DE80] =	vst v63  }
.LBB2_2:
0x2d: {  	s30 =	smul.u32 $0xF0, s24;
	_ =	sdelay $0x1  }
0x2e: {  	s2 =	simm.s32 $0xC680;
	s29 =	sadd.s32 $0xA0, s30  }
0x2f: {  	[tilespmem:s2], [sflag:$0x5] =	stream.indirect.gather [hbm4b:s1+s12], $0x80, s29, s12, $0xb8;
	[tilespmem:$0x1DE80] =	vst v63  }
0x30: {  	s9 =	simm.s32 $0xDA80;
	s13 =	sadd.s32 $0xC8, s30  }
0x31: {  	[tilespmem:s9], [sflag:$0x5] =	stream.indirect.gather [hbm4b:s1+s12], $0x80, s13, s12, $0xb8;
	[tilespmem:$0x1DE80] =	vst v63  }
0x32: {  	s15 =	simm.s32 $0x13E80;
	s14 =	sadd.s32 $0x2820, s30  }
0x33: {  	[tilespmem:s15], [sflag:$0x8] =	stream.indirect.gather [hbm4b:s1+s12], $0x80, s14, s12, $0xb8;
	[tilespmem:$0x1DE80] =	vst v63  }
0x34: {  	s25 =	simm.s32 $0x15280;
	s18 =	sadd.s32 $0x2848, s30  }
0x35: {  	[tilespmem:s25], [sflag:$0x8] =	stream.indirect.gather [hbm4b:s1+s12], $0x80, s18, s12, $0xb8;
	[tilespmem:$0x1DE80] =	vst v63  }
0x36: {  	_ =	swait.ge [sflag:s0], $0x1400  }
0x37: {  	[sflag:s0] =	ssyncset.done $0x0  }
0x38: {  	[sflag:s0] =	ssyncadd.s32 $0xFFFFEC00  }
0x39: {  	_ =	swait.ge [sflag:s16], $0x1400  }
0x3a: {  	[sflag:s16] =	ssyncset.done $0x0  }
0x3b: {  	[sflag:s16] =	ssyncadd.s32 $0xFFFFEC00  }
0x3c: {  	_ =	swait.ge [sflag:s0], $0x1400  }
0x3d: {  	[sflag:s0] =	ssyncset.done $0x0  }
0x3e: {  	[sflag:s0] =	ssyncadd.s32 $0xFFFFEC00  }
0x3f: {  	_ =	swait.ge [sflag:s16], $0x1400  }
0x40: {  	p0 =	seq.s32 s24, $0x0;
	[sflag:s16] =	ssyncset.done $0x0  }
0x41: {  	s2 =	simm.s32 @!p0 $0x9;
	[sflag:s16] =	ssyncadd.s32 $0xFFFFEC00  }
0x42: {  	_ =	swait.ge @!p0 [sflag:s2], $0x2800  }
0x43: {  	[sflag:s2] =	ssyncset.done @!p0 $0x0  }
0x44: {  	s31 =	simm.s32 $0x0;
	[sflag:s2] =	ssyncadd.s32 @!p0 $0xFFFFD800  }
0x45: {  	v4 =	vld [tilespmem:s31+$0x7680]  }
0x46: {  	v5 =	vld [tilespmem:s31+$0xEE80]  }
0x47: {  	v6 =	vld [tilespmem:s31+$0x7690]  }
0x48: {  	v7 =	vld [tilespmem:s31+$0xEE90]  }
0x49: {  	v8 =	vld [tilespmem:s31+$0x76A0]  }
0x4a: {  	v9 =	vld [tilespmem:s31+$0xEEA0]  }
0x4b: {  	v10 =	vld [tilespmem:s31+$0x76B0]  }
0x4c: {  	v11 =	vld [tilespmem:s31+$0xEEB0]  }
0x4d: {  	v12 =	vld [tilespmem:s31+$0x76C0];
	v37 =	vsub.f32 v4, v5;
	v36 =	vsub.f32 v6, v7  }
0x4e: {  	v4 =	vld [tilespmem:s31+$0xEEC0]  }
0x4f: {  	v33 =	vsub.f32 v8, v9;
	v7 =	vld [tilespmem:s31+$0x76D0];
	v5 =	vmul.f32 v37, v37;
	v6 =	vmul.f32 v36, v36  }
0x50: {  	v8 =	vld [tilespmem:s31+$0xEED0]  }
0x51: {  	v9 =	vld [tilespmem:s31+$0x76E0];
	v34 =	vsub.f32 v10, v11;
	v5 =	vadd.f32 v6, v5;
	v6 =	vmul.f32 v33, v33  }
0x52: {  	v10 =	vld [tilespmem:s31+$0xEEE0]  }
0x53: {  	v11 =	vld [tilespmem:s31+$0xEEF0];
	v32 =	vsub.f32 v12, v4;
	v4 =	vadd.f32 v6, v5;
	v5 =	vmul.f32 v34, v34  }
0x54: {  	v6 =	vld [tilespmem:s31+$0x76F0]  }
0x55: {  	v8 =	vsub.f32 v7, v8;
	v4 =	vadd.f32 v5, v4;
	v5 =	vmul.f32 v32, v32;
	_ =	sdelay $0x1  }
0x56: {  	v12 =	vsub.f32 v9, v10;
	v4 =	vadd.f32 v5, v4;
	v5 =	vmul.f32 v8, v8;
	_ =	sdelay $0x1  }
0x57: {  	v7 =	vmul.f32 v12, v12;
	v27 =	vsub.f32 v6, v11;
	v4 =	vadd.f32 v5, v4  }
0x58: {  	s2 =	simm.s32 $0x80  }
0x59: {  	v13 =	vld [tilespmem:s2+$0x76A0];
	v5 =	vmul.f32 v27, v27;
	v4 =	vadd.f32 v7, v4  }
0x5a: {  	v9 =	vld [tilespmem:s2+$0xEE80]  }
0x5b: {  	v10 =	vld [tilespmem:s2+$0xEE90];
	v4 =	vadd.f32 v5, v4  }
0x5c: {  	v7 =	vld [tilespmem:s2+$0x7680]  }
0x5d: {  	v5 =	vld [tilespmem:s2+$0x7690];
	v11 =	vperm.xlane v4, v0  }
0x5e: {  	v14 =	vld [tilespmem:s2+$0xEEA0]  }
0x5f: {  	v15 =	vld [tilespmem:s2+$0x76B0];
	v11 =	vadd.f32 v4, v11  }
0x60: {  	v16 =	vld [tilespmem:s2+$0xEEB0]  }
0x61: {  	v18 =	vld [tilespmem:s2+$0xEEC0];
	v17 =	vperm.xlane v11, v1  }
0x62: {  	v19 =	vld [tilespmem:s2+$0xEED0];
	v7 =	vsub.f32 v7, v9;
	v4 =	vsub.f32 v5, v10  }
0x63: {  	v6 =	vld [tilespmem:s2+$0x76C0];
	v11 =	vadd.f32 v11, v17  }
0x64: {  	v9 =	vld [tilespmem:s2+$0x76E0];
	v5 =	vsub.f32 v13, v14;
	v13 =	vmul.f32 v7, v7;
	v14 =	vmul.f32 v4, v4  }
0x65: {  	v17 =	vld [tilespmem:s2+$0x76D0];
	v20 =	vperm.xlane v11, v2  }
0x66: {  	v10 =	vsub.f32 v15, v16;
	v15 =	vld [tilespmem:s2+$0xEEE0];
	v13 =	vadd.f32 v14, v13;
	v14 =	vmul.f32 v5, v5  }
0x67: {  	v16 =	vld [tilespmem:s2+$0x76F0];
	v20 =	vadd.f32 v11, v20  }
0x68: {  	v6 =	vsub.f32 v6, v18;
	v11 =	vadd.f32 v14, v13;
	v13 =	vmul.f32 v10, v10;
	v14 =	vld [tilespmem:s2+$0xEEF0]  }
0x69: {  	v18 =	vperm.xlane v20, v3  }
0x6a: {  	v21 =	vmul.f32 v6, v6;
	v13 =	vadd.f32 v13, v11;
	v11 =	vsub.f32 v17, v19  }
0x6b: {  	v17 =	vadd.f32 v20, v18  }
0x6c: {  	v9 =	vsub.f32 v9, v15;
	v13 =	vadd.f32 v21, v13;
	v15 =	vmul.f32 v11, v11  }
0x6d: {  	s9 =	simm.s32 $0x100;
	v18 =	vsub.f32 v16, v14;
	v19 =	vmax.f32 v17, $1.000000000e-30  }
0x6e: {  	v22 =	vld [tilespmem:s9+$0x7690];
	v14 =	vmul.f32 v9, v9;
	v13 =	vadd.f32 v15, v13;
	v15 =	vshra.s32 v19, $0x1  }
0x6f: {  	v23 =	vld [tilespmem:s9+$0x76A0];
	v17 =	vmul.f32 v18, v18;
	v15 =	vsub.s32 $0x5F3759DF, v15  }
0x70: {  	v16 =	vld [tilespmem:s9+$0x7680];
	v20 =	vmul.f32 $5.000000000e-01, v19;
	v13 =	vadd.f32 v14, v13;
	v21 =	vmul.f32 v15, v15  }
0x71: {  	v14 =	vld [tilespmem:s9+$0xEE80]  }
0x72: {  	v13 =	vadd.f32 v17, v13;
	v17 =	vld [tilespmem:s9+$0xEE90];
	v21 =	vmul.f32 v21, v20  }
0x73: {  	v24 =	vld [tilespmem:s9+$0xEEA0]  }
0x74: {  	v26 =	vld [tilespmem:s9+$0x76B0];
	v25 =	vperm.xlane v13, v0;
	v21 =	vsub.f32 $1.500000000e+00, v21  }
0x75: {  	v28 =	vld [tilespmem:s9+$0xEEB0]  }
0x76: {  	v13 =	vadd.f32 v13, v25;
	v21 =	vmul.f32 v15, v21  }
0x77: {  	v16 =	vsub.f32 v16, v14;
	v25 =	vld [tilespmem:s9+$0x76C0];
	v14 =	vsub.f32 v22, v17  }
0x78: {  	v17 =	vld [tilespmem:s9+$0xEEC0];
	v22 =	vperm.xlane v13, v1;
	v29 =	vmul.f32 v21, v21  }
0x79: {  	v31 =	vld [tilespmem:s9+$0x76D0];
	v15 =	vsub.f32 v23, v24;
	v23 =	vmul.f32 v16, v16;
	v24 =	vmul.f32 v14, v14  }
0x7a: {  	v22 =	vadd.f32 v13, v22;
	v13 =	vsub.f32 v26, v28;
	v26 =	vld [tilespmem:s9+$0xEED0];
	v20 =	vmul.f32 v29, v20  }
0x7b: {  	v30 =	vld [tilespmem:s9+$0x76E0];
	v23 =	vadd.f32 v24, v23;
	v24 =	vmul.f32 v15, v15  }
0x7c: {  	v29 =	vld [tilespmem:s9+$0xEEE0];
	v28 =	vperm.xlane v22, v2;
	v20 =	vsub.f32 $1.500000000e+00, v20  }
0x7d: {  	v17 =	vsub.f32 v25, v17;
	v23 =	vadd.f32 v24, v23;
	v24 =	vmul.f32 v13, v13  }
0x7e: {  	v25 =	vld [tilespmem:s9+$0x76F0];
	v22 =	vadd.f32 v22, v28;
	v21 =	vmul.f32 v20, v21  }
0x7f: {  	v28 =	vld [tilespmem:s9+$0xEEF0];
	v23 =	vadd.f32 v24, v23;
	v24 =	vmul.f32 v17, v17;
	v20 =	vsub.f32 v31, v26  }
0x80: {  	v35 =	vperm.xlane v22, v3;
	v41 =	vmul.f32 v21, v19  }
0x81: {  	v21 =	vadd.f32 v24, v23;
	v19 =	vsub.f32 v30, v29;
	v23 =	vmul.f32 v20, v20  }
0x82: {  	v22 =	vadd.f32 v22, v35  }
0x83: {  	v29 =	vadd.f32 $1.000000000e+00, v41;
	v26 =	vmul.f32 v19, v19;
	v21 =	vadd.f32 v23, v21  }
0x84: {  	s13 =	simm.s32 $0x180;
	v24 =	vsub.f32 v25, v28;
	v30 =	vmax.f32 v22, $1.000000000e-30  }
0x85: {  	v54 =	vld [tilespmem:s13+$0xEE80];
	v22 =	vsub.s32 $0x7EF311C3, v29;
	v25 =	vshra.s32 v30, $0x1;
	v21 =	vadd.f32 v26, v21  }
0x86: {  	v40 =	vld [tilespmem:s13+$0x7690];
	v26 =	vmul.f32 v24, v24;
	v28 =	vmul.f32 v22, v29;
	v25 =	vsub.s32 $0x5F3759DF, v25  }
0x87: {  	v42 =	vld [tilespmem:s13+$0xEEA0];
	v38 =	vmul.f32 $5.000000000e-01, v30;
	v39 =	vmul.f32 v25, v25  }
0x88: {  	v21 =	vadd.f32 v26, v21;
	v26 =	vld [tilespmem:s13+$0xEE90];
	v28 =	vsub.f32 $2.000000000e+00, v28  }
0x89: {  	v31 =	vld [tilespmem:s13+$0x7680];
	v39 =	vmul.f32 v39, v38  }
0x8a: {  	v23 =	vld [tilespmem:s13+$0x76A0];
	v28 =	vmul.f32 v22, v28;
	v22 =	vperm.xlane v21, v0  }
0x8b: {  	v43 =	vld [tilespmem:s13+$0x76B0];
	v39 =	vsub.f32 $1.500000000e+00, v39  }
0x8c: {  	v45 =	vld [tilespmem:s13+$0xEEB0];
	v44 =	vmul.f32 v28, v29;
	v46 =	vadd.f32 v21, v22  }
0x8d: {  	v47 =	vld [tilespmem:s13+$0x76C0];
	v21 =	vsub.f32 v40, v26;
	v39 =	vmul.f32 v25, v39  }
0x8e: {  	v55 =	vld [tilespmem:s13+$0xEEC0];
	v22 =	vsub.f32 v31, v54;
	v25 =	vsub.f32 $2.000000000e+00, v44;
	v26 =	vperm.xlane v46, v1  }
0x8f: {  	v23 =	vsub.f32 v23, v42;
	v56 =	vmul.f32 v21, v21;
	v31 =	vmul.f32 v39, v39  }
0x90: {  	v58 =	vld [tilespmem:s13+$0x76D0];
	v28 =	vmul.f32 v25, v28;
	v25 =	vmul.f32 v22, v22  }
0x91: {  	v60 =	vld [tilespmem:s13+$0xEED0];
	v59 =	vmul.f32 v23, v23;
	v57 =	vadd.f32 v46, v26;
	v31 =	vmul.f32 v31, v38  }
0x92: {  	v62 =	vld [tilespmem:s13+$0xEEE0];
	v26 =	vsub.f32 v43, v45;
	v29 =	vmul.f32 v28, v29;
	v35 =	vadd.f32 v56, v25  }
0x93: {  	v40 =	vld [tilespmem:s13+$0x76E0];
	v25 =	vsub.f32 v47, v55;
	v61 =	vperm.xlane v57, v2;
	v31 =	vsub.f32 $1.500000000e+00, v31  }
0x94: {  	v52 =	vld [tilespmem:s13+$0x76F0];
	v63 =	vmul.f32 v26, v26;
	v29 =	vsub.f32 $2.000000000e+00, v29;
	v35 =	vadd.f32 v59, v35  }
0x95: {  	v48 =	vmov s23;
	v53 =	vld [tilespmem:s13+$0xEEF0];
	v42 =	vadd.f32 v57, v61;
	v39 =	vmul.f32 v31, v39  }
0x96: {  	v54 =	vmul.f32 v25, v25;
	v31 =	vmul.f32 v29, v28;
	v29 =	vadd.f32 v63, v35  }
0x97: {  	v55 =	vperm.xlane v42, v3;
	v28 =	vsub.f32 v58, v60;
	v30 =	vmul.f32 v39, v30  }
0x98: {  	v56 =	vmul.f32 v31, v27;
	v57 =	vadd.f32 v54, v29;
	v27 =	vsub.f32 v40, v62  }
0x99: {  	s14 =	simm.s32 $0x200;
	v58 =	vmul.f32 v28, v28;
	v42 =	vadd.f32 v42, v55;
	v35 =	vadd.f32 $1.000000000e+00, v30  }
0x9a: {  	v49 =	vld [tilespmem:s14+$0x7690];
	v29 =	vsub.f32 v52, v53;
	v59 =	vmul.f32 v31, v37;
	v46 =	vmul.f32 v27, v27  }
0x9b: {  	[tilespmem:v48+s19+$0x0] =	vst.idx.msk $0x1, v41;
	v41 =	vld [tilespmem:s14+$0xEE80];
	v45 =	vadd.f32 v58, v57;
	v37 =	vmax.f32 v42, $1.000000000e-30;
	v50 =	vsub.s32 $0x7EF311C3, v35  }
0x9c: {  	v38 =	vld [tilespmem:s14+$0x76C0];
	v51 =	vmul.f32 v31, v36;
	v42 =	vshra.s32 v37, $0x1;
	v60 =	vmul.f32 v50, v35  }
0x9d: {  	v39 =	vld [tilespmem:s14+$0xEEC0];
	v61 =	vmul.f32 v29, v29;
	v46 =	vadd.f32 v46, v45;
	v45 =	vsub.s32 $0x5F3759DF, v42  }
0x9e: {  	v40 =	vld [tilespmem:s14+$0x76A0];
	[tilespmem:s31+$0x166F0] =	vst v56;
	v42 =	vmul.f32 $5.000000000e-01, v37;
	v62 =	vmul.f32 v45, v45;
	v52 =	vsub.f32 $2.000000000e+00, v60  }
0x9f: {  	v36 =	vld [tilespmem:s14+$0x7680];
	v63 =	vmul.f32 v31, v33;
	v44 =	vmul.f32 v31, v34;
	[tilespmem:s31+$0x16680] =	vst v59;
	v47 =	vadd.f32 v61, v46  }
0xa0: {  	v33 =	vld [tilespmem:s14+$0xEE90];
	[tilespmem:s31+$0x16690] =	vst v51;
	v48 =	vmul.f32 v62, v42;
	v43 =	vmul.f32 v50, v52  }
0xa1: {  	s15 =	smov.u32 s23;
	s25 =	simm.s32 $0xA00;
	[tilespmem:s31+$0x166A0] =	vst v63;
	v46 =	vmul.f32 v31, v32;
	v50 =	vld [tilespmem:s14+$0xEEA0];
	v51 =	vperm.xlane v47, v0  }
.LBB2_3:
0xa2: {  	p1 =	sne.s32 s25, $0x9E00;
	v34 =	vld [tilespmem:s14+$0x76B0];
	v48 =	vsub.f32 $1.500000000e+00, v48;
	v52 =	vmul.f32 v43, v35;
	[tilespmem:s31+$0x166B0] =	vst v44;
	v53 =	vmul.f32 v31, v8;
	v32 =	vmovc v25  }
0xa3: {  	v12 =	vmul.f32 v31, v12;
	v44 =	vld [tilespmem:s14+$0xEEB0];
	v47 =	vadd.f32 v47, v51;
	[tilespmem:s31+$0x166C0] =	vst v46;
	v46 =	vmovc v13;
	v13 =	vmov v26  }
0xa4: {  	v25 =	vsub.f32 v38, v39;
	v8 =	vmovc v11;
	v31 =	vmul.f32 v45, v48;
	v26 =	vsub.f32 $2.000000000e+00, v52;
	[tilespmem:s31+$0x166D0] =	vst v53  }
0xa5: {  	v36 =	vsub.f32 v36, v41;
	v33 =	vsub.f32 v49, v33;
	v38 =	vperm.xlane v47, v1;
	[tilespmem:s31+$0x166E0] =	vst v12;
	s31 =	smov.u32 s2;
	s2 =	smov.u32 s9;
	s9 =	smov.u32 s13  }
0xa6: {  	v11 =	vmovc v20;
	s13 =	smov.u32 s14;
	v50 =	vsub.f32 v40, v50;
	v45 =	vmul.f32 v31, v31;
	v39 =	vmul.f32 v26, v43  }
0xa7: {  	v20 =	vmovc v28;
	v40 =	vmul.f32 v36, v36;
	v41 =	vmul.f32 v33, v33;
	v43 =	vld [tilespmem:s13+$0x76E0];
	v38 =	vadd.f32 v47, v38  }
0xa8: {  	v12 =	vmovc v9;
	v26 =	vsub.f32 v34, v44;
	v28 =	vld [tilespmem:s13+$0x76D0];
	v34 =	vmul.f32 v45, v42;
	v35 =	vmul.f32 v39, v35  }
0xa9: {  	s15 =	sadd.s32 $0x1, s15;
	v9 =	vmovc v19;
	v40 =	vadd.f32 v41, v40;
	v41 =	vmul.f32 v50, v50;
	v42 =	vld [tilespmem:s13+$0xEED0];
	v44 =	vperm.xlane v38, v2  }
0xaa: {  	v19 =	vmovc v27;
	v47 =	vmov s15;
	v45 =	vld [tilespmem:s13+$0xEEE0];
	v34 =	vsub.f32 $1.500000000e+00, v34;
	v35 =	vsub.f32 $2.000000000e+00, v35  }
0xab: {  	v27 =	vadd.f32 v41, v40;
	v40 =	vmul.f32 v26, v26;
	v41 =	vld [tilespmem:s13+$0x76F0];
	v38 =	vadd.f32 v38, v44  }
0xac: {  	v44 =	vld [tilespmem:s13+$0xEEF0];
	v34 =	vmul.f32 v34, v31;
	v31 =	vmul.f32 v35, v39  }
0xad: {  	v35 =	vmul.f32 v25, v25;
	v27 =	vadd.f32 v40, v27;
	v39 =	vperm.xlane v38, v3  }
0xae: {  	v28 =	vsub.f32 v28, v42;
	v34 =	vmul.f32 v34, v37;
	v37 =	vmul.f32 v31, v18;
	v18 =	vmovc v24  }
0xaf: {  	v24 =	vmov v29;
	v40 =	vadd.f32 v35, v27;
	v27 =	vsub.f32 v43, v45;
	[tilespmem:v47+s19+$0x0] =	vst.idx.msk $0x1, v30  }
0xb0: {  	s14 =	sshra.s32 s25, $0x2;
	v43 =	vadd.f32 v38, v39;
	v42 =	vmul.f32 v28, v28;
	v35 =	vadd.f32 $1.000000000e+00, v34;
	[tilespmem:s31+$0x166F0] =	vst v37;
	v30 =	vmovc v34  }
0xb1: {  	v38 =	vld [tilespmem:s14+$0x76C0];
	v34 =	vmul.f32 v27, v27;
	v29 =	vsub.f32 v41, v44;
	v41 =	vmul.f32 v31, v7;
	v7 =	vmovc v16  }
0xb2: {  	v37 =	vmax.f32 v43, $1.000000000e-30;
	v16 =	vmovc v22;
	v22 =	vmovc v36;
	v39 =	vld [tilespmem:s14+$0xEEC0];
	v42 =	vadd.f32 v42, v40;
	v43 =	vsub.s32 $0x7EF311C3, v35  }
0xb3: {  	v48 =	vmul.f32 v31, v4;
	v4 =	vmovc v14;
	v44 =	vshra.s32 v37, $0x1;
	v40 =	vld [tilespmem:s14+$0x76A0];
	v47 =	vmul.f32 v43, v35;
	[tilespmem:s31+$0x16680] =	vst v41  }
.Ltmp0:
0xb4: {  	v14 =	vmovc v21;
	v21 =	vmovc v33;
	v51 =	vmul.f32 v29, v29;
	v45 =	vsub.s32 $0x5F3759DF, v44;
	v36 =	vld [tilespmem:s14+$0x7680];
	v34 =	vadd.f32 v34, v42;
	(pc) =	sbr.rel @p1 .LBB2_3-.Ltmp0, $4  }
0xb5: {  	v42 =	vmul.f32 $5.000000000e-01, v37;
	v52 =	vmul.f32 v45, v45;
	v41 =	vld [tilespmem:s14+$0xEE80];
	v53 =	vsub.f32 $2.000000000e+00, v47;
	[tilespmem:s31+$0x16690] =	vst v48  }
0xb6: {  	v44 =	vmul.f32 v31, v10;
	v49 =	vld [tilespmem:s14+$0x7690];
	v47 =	vadd.f32 v51, v34;
	v34 =	vmul.f32 v31, v5;
	v5 =	vmovc v15  }
0xb7: {  	v10 =	vmovc v46;
	v48 =	vmul.f32 v52, v42;
	v15 =	vmovc v23;
	v23 =	vmov v50;
	v33 =	vld [tilespmem:s14+$0xEE90];
	v43 =	vmul.f32 v43, v53  }
0xb8: {  	s25 =	sadd.s32 $0x200, s25;
	v46 =	vmul.f32 v31, v6;
	v6 =	vmovc v17;
	v17 =	vmov v32;
	v50 =	vld [tilespmem:s14+$0xEEA0];
	v51 =	vperm.xlane v47, v0;
	[tilespmem:s31+$0x166A0] =	vst v34  }
0xb9: {  	_ = 	snop  }
0xba: {  	v52 =	vld [tilespmem:s14+$0x76B0]  }
0xbb: {  	v53 =	vld [tilespmem:s14+$0xEEB0]  }
0xbc: {  	v34 =	vsub.f32 v36, v41;
	v33 =	vsub.f32 v49, v33;
	_ =	sdelay $0x1  }
0xbd: {  	v58 =	vld [tilespmem:s14+$0xEED0];
	v63 =	vmul.f32 v34, v34;
	v32 =	vsub.f32 v40, v50;
	v57 =	vmul.f32 v33, v33  }
0xbe: {  	v49 =	vld [tilespmem:s14+$0x76D0]  }
0xbf: {  	v54 =	vld [tilespmem:s14+$0x76E0];
	v36 =	vsub.f32 v52, v53;
	v59 =	vmul.f32 v32, v32;
	v40 =	vadd.f32 v57, v63  }
0xc0: {  	v60 =	vld [tilespmem:s14+$0xEEE0]  }
0xc1: {  	v38 =	vsub.f32 v38, v39;
	v62 =	vmul.f32 v36, v36;
	v63 =	vld [tilespmem:s14+$0x76F0];
	v61 =	vadd.f32 v59, v40  }
0xc2: {  	v57 =	vld [tilespmem:s14+$0xEEF0]  }
0xc3: {  	v55 =	vmul.f32 v38, v38;
	v39 =	vsub.f32 v49, v58;
	v40 =	vadd.f32 v62, v61  }
0xc4: {  	v47 =	vadd.f32 v47, v51  }
0xc5: {  	v50 =	vmul.f32 v39, v39;
	v58 =	vadd.f32 v55, v40;
	v40 =	vsub.f32 v54, v60  }
0xc6: {  	v60 =	vperm.xlane v47, v1  }
0xc7: {  	v41 =	vsub.f32 v63, v57;
	v59 =	vmul.f32 v40, v40;
	v49 =	vadd.f32 v50, v58  }
0xc8: {  	v47 =	vadd.f32 v47, v60  }
0xc9: {  	v61 =	vmul.f32 v41, v41;
	v49 =	vadd.f32 v59, v49  }
0xca: {  	v50 =	vperm.xlane v47, v2  }
0xcb: {  	v49 =	vadd.f32 v61, v49  }
0xcc: {  	v47 =	vadd.f32 v47, v50  }
0xcd: {  	v51 =	vperm.xlane v49, v0  }
0xce: {  	v50 =	vperm.xlane v47, v3  }
0xcf: {  	v49 =	vadd.f32 v49, v51  }
0xd0: {  	v48 =	vsub.f32 $1.500000000e+00, v48;
	v47 =	vadd.f32 v47, v50  }
0xd1: {  	v51 =	vperm.xlane v49, v1  }
0xd2: {  	v45 =	vmul.f32 v45, v48;
	v47 =	vmax.f32 v47, $1.000000000e-30  }
0xd3: {  	v62 =	vshra.s32 v47, $0x1;
	v49 =	vadd.f32 v49, v51  }
0xd4: {  	v56 =	vmul.f32 v45, v45;
	v52 =	vmul.f32 $5.000000000e-01, v47;
	v48 =	vsub.s32 $0x5F3759DF, v62  }
0xd5: {  	v57 =	vmul.f32 v48, v48;
	v63 =	vperm.xlane v49, v2  }
0xd6: {  	v42 =	vmul.f32 v56, v42  }
0xd7: {  	v58 =	vmul.f32 v57, v52;
	v49 =	vadd.f32 v49, v63  }
0xd8: {  	v42 =	vsub.f32 $1.500000000e+00, v42  }
0xd9: {  	v50 =	vsub.f32 $1.500000000e+00, v58;
	v59 =	vperm.xlane v49, v3  }
0xda: {  	v42 =	vmul.f32 v42, v45  }
0xdb: {  	v60 =	vmul.f32 v48, v50;
	v49 =	vadd.f32 v49, v59  }
0xdc: {  	v37 =	vmul.f32 v42, v37  }
0xdd: {  	v62 =	vmul.f32 v43, v35;
	v50 =	vmul.f32 v60, v60;
	v48 =	vmax.f32 v49, $1.000000000e-30  }
0xde: {  	v51 =	vadd.f32 $1.000000000e+00, v37;
	v61 =	vshra.s32 v48, $0x1  }
0xdf: {  	v49 =	vsub.f32 $2.000000000e+00, v62;
	v50 =	vmul.f32 v50, v52;
	v42 =	vsub.s32 $0x5F3759DF, v61  }
0xe0: {  	v57 =	vsub.s32 $0x7EF311C3, v51;
	v53 =	vmul.f32 $5.000000000e-01, v48;
	v63 =	vmul.f32 v42, v42  }
0xe1: {  	v59 =	vmul.f32 v57, v51;
	v58 =	vmul.f32 v49, v43;
	v50 =	vsub.f32 $1.500000000e+00, v50  }
0xe2: {  	v54 =	vmul.f32 v63, v53  }
0xe3: {  	v49 =	vsub.f32 $2.000000000e+00, v59;
	v45 =	vmul.f32 v50, v60;
	v60 =	vmul.f32 v58, v35  }
0xe4: {  	v54 =	vsub.f32 $1.500000000e+00, v54  }
0xe5: {  	s15 =	sadd.s32 $0x1, s15;
	v8 =	vmul.f32 v31, v8;
	v49 =	vmul.f32 v57, v49;
	v35 =	vsub.f32 $2.000000000e+00, v60  }
0xe6: {  	v61 =	vmov s15;
	v45 =	vmul.f32 v45, v47;
	v42 =	vmul.f32 v42, v54  }
0xe7: {  	v12 =	vmul.f32 v31, v12;
	v35 =	vmul.f32 v35, v58  }
0xe8: {  	v63 =	vmul.f32 v49, v51;
	v52 =	vadd.f32 $1.000000000e+00, v45;
	v62 =	vmul.f32 v42, v42  }
0xe9: {  	[tilespmem:s31+$0x166D0] =	vst v8;
	v8 =	vmul.f32 v35, v18  }
0xea: {  	[tilespmem:s31+$0x166E0] =	vst v12;
	v18 =	vsub.f32 $2.000000000e+00, v63;
	v54 =	vsub.s32 $0x7EF311C3, v52;
	v31 =	vmul.f32 v62, v53  }
0xeb: {  	[tilespmem:v61+s19+$0x0] =	vst.idx.msk $0x1, v30;
	v7 =	vmul.f32 v35, v7;
	v12 =	vmul.f32 v54, v52  }
0xec: {  	v4 =	vmul.f32 v35, v4;
	v18 =	vmul.f32 v18, v49;
	[tilespmem:s2+$0x166F0] =	vst v8;
	v31 =	vsub.f32 $1.500000000e+00, v31  }
0xed: {  	v5 =	vmul.f32 v35, v5;
	[tilespmem:s2+$0x16680] =	vst v7;
	v7 =	vmul.f32 v35, v10;
	v8 =	vsub.f32 $2.000000000e+00, v12  }
0xee: {  	[tilespmem:s2+$0x16690] =	vst v4;
	v10 =	vmul.f32 v18, v51;
	v12 =	vmul.f32 v31, v42  }
0xef: {  	s15 =	sadd.s32 $0x1, s15;
	[tilespmem:s2+$0x166A0] =	vst v5;
	v5 =	vmul.f32 v35, v6;
	v4 =	vmul.f32 v54, v8  }
0xf0: {  	[tilespmem:s2+$0x166B0] =	vst v7;
	v6 =	vsub.f32 $2.000000000e+00, v10;
	v10 =	vmov s15;
	v8 =	vmul.f32 v12, v48  }
0xf1: {  	v7 =	vmul.f32 v35, v11;
	[tilespmem:s2+$0x166C0] =	vst v5;
	v5 =	vmul.f32 v35, v9  }
0xf2: {  	[tilespmem:s31+$0x166B0] =	vst v44;
	v11 =	vmul.f32 v4, v52;
	v6 =	vmul.f32 v6, v18;
	v12 =	vadd.f32 $1.000000000e+00, v8  }
0xf3: {  	[tilespmem:s2+$0x166D0] =	vst v7  }
0xf4: {  	[tilespmem:s2+$0x166E0] =	vst v5;
	v7 =	vsub.f32 $2.000000000e+00, v11;
	v5 =	vmul.f32 v6, v24;
	v9 =	vsub.s32 $0x7EF311C3, v12  }
0xf5: {  	[tilespmem:v10+s19+$0x0] =	vst.idx.msk $0x1, v37;
	v10 =	vmul.f32 v6, v16;
	v11 =	vmul.f32 v9, v12  }
0xf6: {  	v4 =	vmul.f32 v7, v4;
	[tilespmem:s9+$0x166F0] =	vst v5;
	v5 =	vmul.f32 v6, v14  }
0xf7: {  	[tilespmem:s9+$0x16680] =	vst v10;
	v10 =	vmul.f32 v6, v15;
	v7 =	vsub.f32 $2.000000000e+00, v11  }
0xf8: {  	[tilespmem:s9+$0x16690] =	vst v5;
	v5 =	vmul.f32 v6, v13;
	v11 =	vmul.f32 v4, v52  }
0xf9: {  	s25 =	sadd.s32 $0x1, s15;
	[tilespmem:s9+$0x166A0] =	vst v10;
	v7 =	vmul.f32 v9, v7  }
0xfa: {  	[tilespmem:s9+$0x166B0] =	vst v5;
	v5 =	vmul.f32 v6, v20;
	v10 =	vsub.f32 $2.000000000e+00, v11;
	v11 =	vmov s25  }
0xfb: {  	[tilespmem:s31+$0x166C0] =	vst v46;
	v9 =	vmul.f32 v6, v17;
	v13 =	vmul.f32 v7, v12  }
0xfc: {  	v6 =	vmul.f32 v6, v19;
	[tilespmem:s9+$0x166D0] =	vst v5;
	v4 =	vmul.f32 v10, v4  }
0xfd: {  	[tilespmem:s9+$0x166C0] =	vst v9;
	v5 =	vsub.f32 $2.000000000e+00, v13  }
0xfe: {  	[tilespmem:s9+$0x166E0] =	vst v6;
	v6 =	vmul.f32 v4, v29  }
0xff: {  	s2 =	sadd.s32 $0x1, s25;
	v9 =	vmul.f32 v4, v22;
	[tilespmem:v11+s19+$0x0] =	vst.idx.msk $0x1, v45;
	v5 =	vmul.f32 v5, v7  }
0x100: {  	v10 =	vmov s2;
	[tilespmem:s13+$0x166F0] =	vst v6;
	v6 =	vmul.f32 v4, v21  }
0x101: {  	[tilespmem:s13+$0x16680] =	vst v9;
	v7 =	vmul.f32 v4, v23;
	v9 =	vmul.f32 v5, v12  }
0x102: {  	[tilespmem:s13+$0x16690] =	vst v6;
	v6 =	vmul.f32 v4, v26  }
0x103: {  	[tilespmem:s13+$0x166A0] =	vst v7;
	v9 =	vsub.f32 $2.000000000e+00, v9  }
0x104: {  	v7 =	vmul.f32 v4, v25;
	[tilespmem:s13+$0x166B0] =	vst v6;
	v6 =	vmul.f32 v4, v28  }
0x105: {  	[tilespmem:v10+s19+$0x0] =	vst.idx.msk $0x1, v8;
	v4 =	vmul.f32 v4, v27;
	v5 =	vmul.f32 v9, v5  }
0x106: {  	[tilespmem:s13+$0x166C0] =	vst v7  }
0x107: {  	[tilespmem:s13+$0x166E0] =	vst v4;
	v4 =	vmul.f32 v5, v41  }
0x108: {  	[tilespmem:s13+$0x166D0] =	vst v6;
	v6 =	vmul.f32 v5, v34  }
0x109: {  	[tilespmem:s14+$0x166F0] =	vst v4;
	v4 =	vmul.f32 v5, v33  }
0x10a: {  	[tilespmem:s14+$0x16680] =	vst v6;
	v6 =	vmul.f32 v5, v32  }
0x10b: {  	[tilespmem:s14+$0x16690] =	vst v4;
	v4 =	vmul.f32 v5, v36  }
0x10c: {  	[tilespmem:s14+$0x166A0] =	vst v6;
	v6 =	vmul.f32 v5, v38  }
0x10d: {  	[tilespmem:s14+$0x166B0] =	vst v4;
	v4 =	vmul.f32 v5, v39  }
0x10e: {  	s15 =	sadd.s32 s5, s30;
	[tilespmem:s14+$0x166C0] =	vst v6;
	v5 =	vmul.f32 v5, v40  }
0x10f: {  	s2 =	sshll.u32 s15, $0x4;
	[tilespmem:s14+$0x166D0] =	vst v4  }
0x110: {  	s2 =	sadd.s32 s3, s2;
	[tilespmem:s14+$0x166E0] =	vst v5  }
0x111: {  	[hbm4b:s2+s4] =	stream.linear.scatter [tilespmem:s21], [sflag:$0x9], $0x2800, $0x38;
	[tilespmem:$0x1DE80] =	vst v63  }
0x112: {  	s18 =	sadd.s32 $0xF0, s30;
	s25 =	simm.s32 $0x7680  }
0x113: {  	[tilespmem:s25], [sflag:$0x3] =	stream.indirect.gather [hbm4b:s1+s12], $0x80, s18, s12, $0xb8;
	[tilespmem:$0x1DE80] =	vst v63  }
0x114: {  	s9 =	sadd.s32 $0x118, s30;
	s13 =	simm.s32 $0x8A80  }
0x115: {  	[tilespmem:s13], [sflag:$0x3] =	stream.indirect.gather [hbm4b:s1+s12], $0x80, s9, s12, $0xb8;
	[tilespmem:$0x1DE80] =	vst v63  }
0x116: {  	s15 =	simm.s32 $0xEE80;
	s14 =	sadd.s32 $0x2870, s30  }
0x117: {  	[tilespmem:s15], [sflag:$0x6] =	stream.indirect.gather [hbm4b:s1+s12], $0x80, s14, s12, $0xb8;
	[tilespmem:$0x1DE80] =	vst v63  }
0x118: {  	s18 =	sadd.s32 $0x2898, s30;
	s25 =	simm.s32 $0x10280  }
0x119: {  	[tilespmem:s25], [sflag:$0x6] =	stream.indirect.gather [hbm4b:s1+s12], $0x80, s18, s12, $0xb8;
	[tilespmem:$0x1DE80] =	vst v63  }
0x11a: {  	_ =	swait.ge [sflag:s26], $0x1400  }
0x11b: {  	[sflag:s26] =	ssyncset.done $0x0  }
0x11c: {  	[sflag:s26] =	ssyncadd.s32 $0xFFFFEC00  }
0x11d: {  	_ =	swait.ge [sflag:s11], $0x1400  }
0x11e: {  	[sflag:s11] =	ssyncset.done $0x0  }
0x11f: {  	[sflag:s11] =	ssyncadd.s32 $0xFFFFEC00  }
0x120: {  	_ =	swait.ge [sflag:s26], $0x1400  }
0x121: {  	[sflag:s26] =	ssyncset.done $0x0  }
0x122: {  	[sflag:s26] =	ssyncadd.s32 $0xFFFFEC00  }
0x123: {  	_ =	swait.ge [sflag:s11], $0x1400  }
0x124: {  	[sflag:s11] =	ssyncset.done $0x0  }
0x125: {  	s2 =	simm.s32 @!p0 $0xA;
	[sflag:s11] =	ssyncadd.s32 $0xFFFFEC00  }
0x126: {  	_ =	swait.ge @!p0 [sflag:s2], $0x2800  }
0x127: {  	[sflag:s2] =	ssyncset.done @!p0 $0x0  }
0x128: {  	s31 =	simm.s32 $0x0;
	[sflag:s2] =	ssyncadd.s32 @!p0 $0xFFFFD800  }
0x129: {  	v4 =	vld [tilespmem:s31+$0x9E80]  }
0x12a: {  	v5 =	vld [tilespmem:s31+$0x11680]  }
0x12b: {  	v6 =	vld [tilespmem:s31+$0x9E90]  }
0x12c: {  	v7 =	vld [tilespmem:s31+$0x11690]  }
0x12d: {  	v8 =	vld [tilespmem:s31+$0x9EA0]  }
0x12e: {  	v9 =	vld [tilespmem:s31+$0x116A0]  }
0x12f: {  	v10 =	vld [tilespmem:s31+$0x9EB0]  }
0x130: {  	v11 =	vld [tilespmem:s31+$0x116B0]  }
0x131: {  	v12 =	vld [tilespmem:s31+$0x9EC0];
	v37 =	vsub.f32 v4, v5;
	v36 =	vsub.f32 v6, v7  }
0x132: {  	v4 =	vld [tilespmem:s31+$0x116C0]  }
0x133: {  	v33 =	vsub.f32 v8, v9;
	v7 =	vld [tilespmem:s31+$0x9ED0];
	v5 =	vmul.f32 v37, v37;
	v6 =	vmul.f32 v36, v36  }
0x134: {  	v8 =	vld [tilespmem:s31+$0x116D0]  }
0x135: {  	v9 =	vld [tilespmem:s31+$0x9EE0];
	v34 =	vsub.f32 v10, v11;
	v5 =	vadd.f32 v6, v5;
	v6 =	vmul.f32 v33, v33  }
0x136: {  	v10 =	vld [tilespmem:s31+$0x116E0]  }
0x137: {  	v11 =	vld [tilespmem:s31+$0x116F0];
	v32 =	vsub.f32 v12, v4;
	v4 =	vadd.f32 v6, v5;
	v5 =	vmul.f32 v34, v34  }
0x138: {  	v6 =	vld [tilespmem:s31+$0x9EF0]  }
0x139: {  	v8 =	vsub.f32 v7, v8;
	v4 =	vadd.f32 v5, v4;
	v5 =	vmul.f32 v32, v32;
	_ =	sdelay $0x1  }
0x13a: {  	v12 =	vsub.f32 v9, v10;
	v4 =	vadd.f32 v5, v4;
	v5 =	vmul.f32 v8, v8;
	_ =	sdelay $0x1  }
0x13b: {  	v7 =	vmul.f32 v12, v12;
	v27 =	vsub.f32 v6, v11;
	v4 =	vadd.f32 v5, v4  }
0x13c: {  	s2 =	simm.s32 $0x80  }
0x13d: {  	v13 =	vld [tilespmem:s2+$0x9EA0];
	v5 =	vmul.f32 v27, v27;
	v4 =	vadd.f32 v7, v4  }
0x13e: {  	v9 =	vld [tilespmem:s2+$0x11680]  }
0x13f: {  	v10 =	vld [tilespmem:s2+$0x11690];
	v4 =	vadd.f32 v5, v4  }
0x140: {  	v7 =	vld [tilespmem:s2+$0x9E80]  }
0x141: {  	v5 =	vld [tilespmem:s2+$0x9E90];
	v11 =	vperm.xlane v4, v0  }
0x142: {  	v14 =	vld [tilespmem:s2+$0x116A0]  }
0x143: {  	v15 =	vld [tilespmem:s2+$0x9EB0];
	v11 =	vadd.f32 v4, v11  }
0x144: {  	v16 =	vld [tilespmem:s2+$0x116B0]  }
0x145: {  	v18 =	vld [tilespmem:s2+$0x116C0];
	v17 =	vperm.xlane v11, v1  }
0x146: {  	v19 =	vld [tilespmem:s2+$0x116D0];
	v7 =	vsub.f32 v7, v9;
	v4 =	vsub.f32 v5, v10  }
0x147: {  	v6 =	vld [tilespmem:s2+$0x9EC0];
	v11 =	vadd.f32 v11, v17  }
0x148: {  	v9 =	vld [tilespmem:s2+$0x9EE0];
	v5 =	vsub.f32 v13, v14;
	v13 =	vmul.f32 v7, v7;
	v14 =	vmul.f32 v4, v4  }
0x149: {  	v17 =	vld [tilespmem:s2+$0x9ED0];
	v20 =	vperm.xlane v11, v2  }
0x14a: {  	v10 =	vsub.f32 v15, v16;
	v15 =	vld [tilespmem:s2+$0x116E0];
	v13 =	vadd.f32 v14, v13;
	v14 =	vmul.f32 v5, v5  }
0x14b: {  	v16 =	vld [tilespmem:s2+$0x9EF0];
	v20 =	vadd.f32 v11, v20  }
0x14c: {  	v6 =	vsub.f32 v6, v18;
	v11 =	vadd.f32 v14, v13;
	v13 =	vmul.f32 v10, v10;
	v14 =	vld [tilespmem:s2+$0x116F0]  }
0x14d: {  	v18 =	vperm.xlane v20, v3  }
0x14e: {  	v21 =	vmul.f32 v6, v6;
	v13 =	vadd.f32 v13, v11;
	v11 =	vsub.f32 v17, v19  }
0x14f: {  	v17 =	vadd.f32 v20, v18  }
0x150: {  	v9 =	vsub.f32 v9, v15;
	v13 =	vadd.f32 v21, v13;
	v15 =	vmul.f32 v11, v11  }
0x151: {  	s9 =	simm.s32 $0x100;
	v18 =	vsub.f32 v16, v14;
	v19 =	vmax.f32 v17, $1.000000000e-30  }
0x152: {  	v22 =	vld [tilespmem:s9+$0x9E90];
	v14 =	vmul.f32 v9, v9;
	v13 =	vadd.f32 v15, v13;
	v15 =	vshra.s32 v19, $0x1  }
0x153: {  	v23 =	vld [tilespmem:s9+$0x9EA0];
	v17 =	vmul.f32 v18, v18;
	v15 =	vsub.s32 $0x5F3759DF, v15  }
0x154: {  	v16 =	vld [tilespmem:s9+$0x9E80];
	v20 =	vmul.f32 $5.000000000e-01, v19;
	v13 =	vadd.f32 v14, v13;
	v21 =	vmul.f32 v15, v15  }
0x155: {  	v14 =	vld [tilespmem:s9+$0x11680]  }
0x156: {  	v13 =	vadd.f32 v17, v13;
	v17 =	vld [tilespmem:s9+$0x11690];
	v21 =	vmul.f32 v21, v20  }
0x157: {  	v24 =	vld [tilespmem:s9+$0x116A0]  }
0x158: {  	v26 =	vld [tilespmem:s9+$0x9EB0];
	v25 =	vperm.xlane v13, v0;
	v21 =	vsub.f32 $1.500000000e+00, v21  }
0x159: {  	v28 =	vld [tilespmem:s9+$0x116B0]  }
0x15a: {  	v13 =	vadd.f32 v13, v25;
	v21 =	vmul.f32 v15, v21  }
0x15b: {  	v16 =	vsub.f32 v16, v14;
	v25 =	vld [tilespmem:s9+$0x9EC0];
	v14 =	vsub.f32 v22, v17  }
0x15c: {  	v17 =	vld [tilespmem:s9+$0x116C0];
	v22 =	vperm.xlane v13, v1;
	v29 =	vmul.f32 v21, v21  }
0x15d: {  	v31 =	vld [tilespmem:s9+$0x9ED0];
	v15 =	vsub.f32 v23, v24;
	v23 =	vmul.f32 v16, v16;
	v24 =	vmul.f32 v14, v14  }
0x15e: {  	v22 =	vadd.f32 v13, v22;
	v13 =	vsub.f32 v26, v28;
	v26 =	vld [tilespmem:s9+$0x116D0];
	v20 =	vmul.f32 v29, v20  }
0x15f: {  	v30 =	vld [tilespmem:s9+$0x9EE0];
	v23 =	vadd.f32 v24, v23;
	v24 =	vmul.f32 v15, v15  }
0x160: {  	v29 =	vld [tilespmem:s9+$0x116E0];
	v28 =	vperm.xlane v22, v2;
	v20 =	vsub.f32 $1.500000000e+00, v20  }
0x161: {  	v17 =	vsub.f32 v25, v17;
	v23 =	vadd.f32 v24, v23;
	v24 =	vmul.f32 v13, v13  }
0x162: {  	v25 =	vld [tilespmem:s9+$0x9EF0];
	v22 =	vadd.f32 v22, v28;
	v21 =	vmul.f32 v20, v21  }
0x163: {  	v28 =	vld [tilespmem:s9+$0x116F0];
	v23 =	vadd.f32 v24, v23;
	v24 =	vmul.f32 v17, v17;
	v20 =	vsub.f32 v31, v26  }
0x164: {  	v55 =	vperm.xlane v22, v3;
	v41 =	vmul.f32 v21, v19  }
0x165: {  	v21 =	vadd.f32 v24, v23;
	v19 =	vsub.f32 v30, v29;
	v23 =	vmul.f32 v20, v20  }
0x166: {  	v22 =	vadd.f32 v22, v55  }
0x167: {  	v29 =	vadd.f32 $1.000000000e+00, v41;
	v26 =	vmul.f32 v19, v19;
	v21 =	vadd.f32 v23, v21  }
0x168: {  	s13 =	simm.s32 $0x180;
	v24 =	vsub.f32 v25, v28;
	v30 =	vmax.f32 v22, $1.000000000e-30  }
0x169: {  	v56 =	vld [tilespmem:s13+$0x11680];
	v22 =	vsub.s32 $0x7EF311C3, v29;
	v25 =	vshra.s32 v30, $0x1;
	v21 =	vadd.f32 v26, v21  }
0x16a: {  	v59 =	vld [tilespmem:s13+$0x9E90];
	v26 =	vmul.f32 v24, v24;
	v28 =	vmul.f32 v22, v29;
	v25 =	vsub.s32 $0x5F3759DF, v25  }
0x16b: {  	v60 =	vld [tilespmem:s13+$0x116A0];
	v57 =	vmul.f32 $5.000000000e-01, v30;
	v58 =	vmul.f32 v25, v25  }
0x16c: {  	v21 =	vadd.f32 v26, v21;
	v26 =	vld [tilespmem:s13+$0x11690];
	v28 =	vsub.f32 $2.000000000e+00, v28  }
0x16d: {  	v31 =	vld [tilespmem:s13+$0x9E80];
	v39 =	vmul.f32 v58, v57  }
0x16e: {  	v23 =	vld [tilespmem:s13+$0x9EA0];
	v28 =	vmul.f32 v22, v28;
	v22 =	vperm.xlane v21, v0  }
0x16f: {  	v61 =	vld [tilespmem:s13+$0x9EB0];
	v39 =	vsub.f32 $1.500000000e+00, v39  }
0x170: {  	v63 =	vld [tilespmem:s13+$0x116B0];
	v62 =	vmul.f32 v28, v29;
	v48 =	vadd.f32 v21, v22  }
0x171: {  	v49 =	vld [tilespmem:s13+$0x9EC0];
	v21 =	vsub.f32 v59, v26;
	v39 =	vmul.f32 v25, v39  }
0x172: {  	v50 =	vld [tilespmem:s13+$0x116C0];
	v22 =	vsub.f32 v31, v56;
	v25 =	vsub.f32 $2.000000000e+00, v62;
	v26 =	vperm.xlane v48, v1  }
0x173: {  	v23 =	vsub.f32 v23, v60;
	v51 =	vmul.f32 v21, v21;
	v31 =	vmul.f32 v39, v39  }
0x174: {  	v40 =	vld [tilespmem:s13+$0x9EE0];
	v28 =	vmul.f32 v25, v28;
	v25 =	vmul.f32 v22, v22  }
0x175: {  	v53 =	vld [tilespmem:s13+$0x9ED0];
	v54 =	vmul.f32 v23, v23;
	v52 =	vadd.f32 v48, v26;
	v31 =	vmul.f32 v31, v57  }
0x176: {  	v55 =	vld [tilespmem:s13+$0x116D0];
	v26 =	vsub.f32 v61, v63;
	v29 =	vmul.f32 v28, v29;
	v35 =	vadd.f32 v51, v25  }
0x177: {  	v57 =	vld [tilespmem:s13+$0x116E0];
	v25 =	vsub.f32 v49, v50;
	v56 =	vperm.xlane v52, v2;
	v31 =	vsub.f32 $1.500000000e+00, v31  }
0x178: {  	v60 =	vld [tilespmem:s13+$0x116F0];
	v58 =	vmul.f32 v26, v26;
	v29 =	vsub.f32 $2.000000000e+00, v29;
	v35 =	vadd.f32 v54, v35  }
0x179: {  	v59 =	vld [tilespmem:s13+$0x9EF0];
	v48 =	vmov s17;
	v42 =	vadd.f32 v52, v56;
	v39 =	vmul.f32 v31, v39  }
0x17a: {  	v61 =	vmul.f32 v25, v25;
	v31 =	vmul.f32 v29, v28;
	v29 =	vadd.f32 v58, v35  }
0x17b: {  	v62 =	vperm.xlane v42, v3;
	v28 =	vsub.f32 v53, v55;
	v30 =	vmul.f32 v39, v30  }
0x17c: {  	v63 =	vmul.f32 v31, v27;
	v54 =	vadd.f32 v61, v29;
	v27 =	vsub.f32 v40, v57  }
0x17d: {  	s15 =	simm.s32 $0x200;
	v55 =	vmul.f32 v28, v28;
	v42 =	vadd.f32 v42, v62;
	v35 =	vadd.f32 $1.000000000e+00, v30  }
0x17e: {  	v38 =	vld [tilespmem:s15+$0x9EC0];
	v29 =	vsub.f32 v59, v60;
	v56 =	vmul.f32 v31, v37;
	v46 =	vmul.f32 v27, v27  }
0x17f: {  	v49 =	vld [tilespmem:s15+$0x9E90];
	v45 =	vadd.f32 v55, v54;
	v37 =	vmax.f32 v42, $1.000000000e-30;
	v57 =	vsub.s32 $0x7EF311C3, v35  }
0x180: {  	v50 =	vld [tilespmem:s15+$0x116A0];
	v59 =	vmul.f32 v31, v36;
	v42 =	vshra.s32 v37, $0x1;
	v58 =	vmul.f32 v57, v35  }
0x181: {  	[tilespmem:v48+s19+$0x0] =	vst.idx.msk $0x1, v41;
	v41 =	vld [tilespmem:s15+$0x11680];
	v60 =	vmul.f32 v29, v29;
	v46 =	vadd.f32 v46, v45;
	v45 =	vsub.s32 $0x5F3759DF, v42  }
0x182: {  	v39 =	vld [tilespmem:s15+$0x116C0];
	[tilespmem:s31+$0x18EF0] =	vst v63;
	v42 =	vmul.f32 $5.000000000e-01, v37;
	v61 =	vmul.f32 v45, v45;
	v62 =	vsub.f32 $2.000000000e+00, v58  }
0x183: {  	v36 =	vld [tilespmem:s15+$0x9E80];
	v44 =	vmul.f32 v31, v34;
	[tilespmem:s31+$0x18E80] =	vst v56;
	v63 =	vmul.f32 v31, v33;
	v47 =	vadd.f32 v60, v46  }
0x184: {  	[tilespmem:s31+$0x18E90] =	vst v59;
	v33 =	vld [tilespmem:s15+$0x11690];
	v48 =	vmul.f32 v61, v42;
	v43 =	vmul.f32 v57, v62  }
0x185: {  	s14 =	sadd.s32 $0x50, s30;
	s18 =	simm.s32 $0xA00;
	s25 =	smov.u32 s17;
	v40 =	vld [tilespmem:s15+$0x9EA0];
	[tilespmem:s31+$0x18EA0] =	vst v63;
	v46 =	vmul.f32 v31, v32;
	v51 =	vperm.xlane v47, v0  }
.LBB2_5:
0x186: {  	p1 =	sne.s32 s18, $0x9E00;
	v34 =	vld [tilespmem:s15+$0x9EB0];
	v48 =	vsub.f32 $1.500000000e+00, v48;
	v52 =	vmul.f32 v43, v35;
	[tilespmem:s31+$0x18EB0] =	vst v44;
	v53 =	vmul.f32 v31, v8;
	v32 =	vmovc v25  }
0x187: {  	v12 =	vmul.f32 v31, v12;
	v44 =	vld [tilespmem:s15+$0x116B0];
	v47 =	vadd.f32 v47, v51;
	[tilespmem:s31+$0x18EC0] =	vst v46;
	v46 =	vmovc v13;
	v13 =	vmov v26  }
0x188: {  	v25 =	vsub.f32 v38, v39;
	v8 =	vmovc v11;
	v31 =	vmul.f32 v45, v48;
	v26 =	vsub.f32 $2.000000000e+00, v52;
	[tilespmem:s31+$0x18ED0] =	vst v53  }
0x189: {  	v36 =	vsub.f32 v36, v41;
	v33 =	vsub.f32 v49, v33;
	v38 =	vperm.xlane v47, v1;
	[tilespmem:s31+$0x18EE0] =	vst v12;
	s31 =	smov.u32 s2;
	s2 =	smov.u32 s9;
	s9 =	smov.u32 s13  }
0x18a: {  	v11 =	vmovc v20;
	s13 =	smov.u32 s15;
	v50 =	vsub.f32 v40, v50;
	v45 =	vmul.f32 v31, v31;
	v39 =	vmul.f32 v26, v43  }
0x18b: {  	v20 =	vmovc v28;
	v40 =	vmul.f32 v36, v36;
	v41 =	vmul.f32 v33, v33;
	v43 =	vld [tilespmem:s13+$0x9EE0];
	v38 =	vadd.f32 v47, v38  }
0x18c: {  	v12 =	vmovc v9;
	v26 =	vsub.f32 v34, v44;
	v28 =	vld [tilespmem:s13+$0x9ED0];
	v34 =	vmul.f32 v45, v42;
	v35 =	vmul.f32 v39, v35  }
0x18d: {  	s25 =	sadd.s32 $0x1, s25;
	v9 =	vmovc v19;
	v40 =	vadd.f32 v41, v40;
	v41 =	vmul.f32 v50, v50;
	v42 =	vld [tilespmem:s13+$0x116D0];
	v44 =	vperm.xlane v38, v2  }
0x18e: {  	v19 =	vmovc v27;
	v47 =	vmov s25;
	v45 =	vld [tilespmem:s13+$0x116E0];
	v34 =	vsub.f32 $1.500000000e+00, v34;
	v35 =	vsub.f32 $2.000000000e+00, v35  }
0x18f: {  	v27 =	vadd.f32 v41, v40;
	v40 =	vmul.f32 v26, v26;
	v41 =	vld [tilespmem:s13+$0x9EF0];
	v38 =	vadd.f32 v38, v44  }
0x190: {  	v44 =	vld [tilespmem:s13+$0x116F0];
	v34 =	vmul.f32 v34, v31;
	v31 =	vmul.f32 v35, v39  }
0x191: {  	v35 =	vmul.f32 v25, v25;
	v27 =	vadd.f32 v40, v27;
	v39 =	vperm.xlane v38, v3  }
0x192: {  	v28 =	vsub.f32 v28, v42;
	v34 =	vmul.f32 v34, v37;
	v37 =	vmul.f32 v31, v18;
	v18 =	vmovc v24  }
0x193: {  	v24 =	vmov v29;
	v40 =	vadd.f32 v35, v27;
	v27 =	vsub.f32 v43, v45;
	[tilespmem:v47+s19+$0x0] =	vst.idx.msk $0x1, v30  }
0x194: {  	s15 =	sshra.s32 s18, $0x2;
	v43 =	vadd.f32 v38, v39;
	v42 =	vmul.f32 v28, v28;
	v35 =	vadd.f32 $1.000000000e+00, v34;
	[tilespmem:s31+$0x18EF0] =	vst v37;
	v30 =	vmovc v34  }
0x195: {  	v38 =	vld [tilespmem:s15+$0x9EC0];
	v34 =	vmul.f32 v27, v27;
	v29 =	vsub.f32 v41, v44;
	v41 =	vmul.f32 v31, v7;
	v7 =	vmovc v16  }
0x196: {  	v37 =	vmax.f32 v43, $1.000000000e-30;
	v16 =	vmovc v22;
	v22 =	vmovc v36;
	v39 =	vld [tilespmem:s15+$0x116C0];
	v42 =	vadd.f32 v42, v40;
	v43 =	vsub.s32 $0x7EF311C3, v35  }
0x197: {  	v48 =	vmul.f32 v31, v4;
	v4 =	vmovc v14;
	v44 =	vshra.s32 v37, $0x1;
	v40 =	vld [tilespmem:s15+$0x9EA0];
	v47 =	vmul.f32 v43, v35;
	[tilespmem:s31+$0x18E80] =	vst v41  }
.Ltmp1:
0x198: {  	v14 =	vmovc v21;
	v21 =	vmovc v33;
	v51 =	vmul.f32 v29, v29;
	v45 =	vsub.s32 $0x5F3759DF, v44;
	v36 =	vld [tilespmem:s15+$0x9E80];
	v34 =	vadd.f32 v34, v42;
	(pc) =	sbr.rel @p1 .LBB2_5-.Ltmp1, $4  }
0x199: {  	v42 =	vmul.f32 $5.000000000e-01, v37;
	v52 =	vmul.f32 v45, v45;
	v41 =	vld [tilespmem:s15+$0x11680];
	v53 =	vsub.f32 $2.000000000e+00, v47;
	[tilespmem:s31+$0x18E90] =	vst v48  }
0x19a: {  	v44 =	vmul.f32 v31, v10;
	v49 =	vld [tilespmem:s15+$0x9E90];
	v47 =	vadd.f32 v51, v34;
	v34 =	vmul.f32 v31, v5;
	v5 =	vmovc v15  }
0x19b: {  	v10 =	vmovc v46;
	v48 =	vmul.f32 v52, v42;
	v15 =	vmovc v23;
	v23 =	vmov v50;
	v33 =	vld [tilespmem:s15+$0x11690];
	v43 =	vmul.f32 v43, v53  }
0x19c: {  	s18 =	sadd.s32 $0x200, s18;
	v46 =	vmul.f32 v31, v6;
	v6 =	vmovc v17;
	v17 =	vmov v32;
	v50 =	vld [tilespmem:s15+$0x116A0];
	v51 =	vperm.xlane v47, v0;
	[tilespmem:s31+$0x18EA0] =	vst v34  }
0x19d: {  	_ = 	snop  }
0x19e: {  	v52 =	vld [tilespmem:s15+$0x9EB0]  }
0x19f: {  	v53 =	vld [tilespmem:s15+$0x116B0]  }
0x1a0: {  	v34 =	vsub.f32 v36, v41;
	v33 =	vsub.f32 v49, v33;
	_ =	sdelay $0x1  }
0x1a1: {  	v58 =	vld [tilespmem:s15+$0x116D0];
	v63 =	vmul.f32 v34, v34;
	v32 =	vsub.f32 v40, v50;
	v57 =	vmul.f32 v33, v33  }
0x1a2: {  	v49 =	vld [tilespmem:s15+$0x9ED0]  }
0x1a3: {  	v54 =	vld [tilespmem:s15+$0x9EE0];
	v36 =	vsub.f32 v52, v53;
	v59 =	vmul.f32 v32, v32;
	v40 =	vadd.f32 v57, v63  }
0x1a4: {  	v60 =	vld [tilespmem:s15+$0x116E0]  }
0x1a5: {  	v38 =	vsub.f32 v38, v39;
	v62 =	vmul.f32 v36, v36;
	v63 =	vld [tilespmem:s15+$0x9EF0];
	v61 =	vadd.f32 v59, v40  }
0x1a6: {  	v57 =	vld [tilespmem:s15+$0x116F0]  }
0x1a7: {  	v55 =	vmul.f32 v38, v38;
	v39 =	vsub.f32 v49, v58;
	v40 =	vadd.f32 v62, v61  }
0x1a8: {  	v47 =	vadd.f32 v47, v51  }
0x1a9: {  	v50 =	vmul.f32 v39, v39;
	v58 =	vadd.f32 v55, v40;
	v40 =	vsub.f32 v54, v60  }
0x1aa: {  	v60 =	vperm.xlane v47, v1  }
0x1ab: {  	v41 =	vsub.f32 v63, v57;
	v59 =	vmul.f32 v40, v40;
	v49 =	vadd.f32 v50, v58  }
0x1ac: {  	v47 =	vadd.f32 v47, v60  }
0x1ad: {  	v61 =	vmul.f32 v41, v41;
	v49 =	vadd.f32 v59, v49  }
0x1ae: {  	v50 =	vperm.xlane v47, v2  }
0x1af: {  	v49 =	vadd.f32 v61, v49  }
0x1b0: {  	v47 =	vadd.f32 v47, v50  }
0x1b1: {  	v51 =	vperm.xlane v49, v0  }
0x1b2: {  	v50 =	vperm.xlane v47, v3  }
0x1b3: {  	v49 =	vadd.f32 v49, v51  }
0x1b4: {  	v48 =	vsub.f32 $1.500000000e+00, v48;
	v47 =	vadd.f32 v47, v50  }
0x1b5: {  	v51 =	vperm.xlane v49, v1  }
0x1b6: {  	v45 =	vmul.f32 v45, v48;
	v47 =	vmax.f32 v47, $1.000000000e-30  }
0x1b7: {  	v62 =	vshra.s32 v47, $0x1;
	v49 =	vadd.f32 v49, v51  }
0x1b8: {  	v56 =	vmul.f32 v45, v45;
	v52 =	vmul.f32 $5.000000000e-01, v47;
	v48 =	vsub.s32 $0x5F3759DF, v62  }
0x1b9: {  	v57 =	vmul.f32 v48, v48;
	v63 =	vperm.xlane v49, v2  }
0x1ba: {  	v42 =	vmul.f32 v56, v42  }
0x1bb: {  	v58 =	vmul.f32 v57, v52;
	v49 =	vadd.f32 v49, v63  }
0x1bc: {  	v42 =	vsub.f32 $1.500000000e+00, v42  }
0x1bd: {  	v50 =	vsub.f32 $1.500000000e+00, v58;
	v59 =	vperm.xlane v49, v3  }
0x1be: {  	v42 =	vmul.f32 v42, v45  }
0x1bf: {  	v60 =	vmul.f32 v48, v50;
	v49 =	vadd.f32 v49, v59  }
0x1c0: {  	v37 =	vmul.f32 v42, v37  }
0x1c1: {  	v62 =	vmul.f32 v43, v35;
	v50 =	vmul.f32 v60, v60;
	v48 =	vmax.f32 v49, $1.000000000e-30  }
0x1c2: {  	v51 =	vadd.f32 $1.000000000e+00, v37;
	v61 =	vshra.s32 v48, $0x1  }
0x1c3: {  	v49 =	vsub.f32 $2.000000000e+00, v62;
	v50 =	vmul.f32 v50, v52;
	v42 =	vsub.s32 $0x5F3759DF, v61  }
0x1c4: {  	v57 =	vsub.s32 $0x7EF311C3, v51;
	v53 =	vmul.f32 $5.000000000e-01, v48;
	v63 =	vmul.f32 v42, v42  }
0x1c5: {  	v59 =	vmul.f32 v57, v51;
	v58 =	vmul.f32 v49, v43;
	v50 =	vsub.f32 $1.500000000e+00, v50  }
0x1c6: {  	v54 =	vmul.f32 v63, v53  }
0x1c7: {  	v49 =	vsub.f32 $2.000000000e+00, v59;
	v45 =	vmul.f32 v50, v60;
	v60 =	vmul.f32 v58, v35  }
0x1c8: {  	v54 =	vsub.f32 $1.500000000e+00, v54  }
0x1c9: {  	s18 =	sadd.s32 $0x1, s25;
	v8 =	vmul.f32 v31, v8;
	v49 =	vmul.f32 v57, v49;
	v35 =	vsub.f32 $2.000000000e+00, v60  }
0x1ca: {  	v61 =	vmov s18;
	v45 =	vmul.f32 v45, v47;
	v42 =	vmul.f32 v42, v54  }
0x1cb: {  	v12 =	vmul.f32 v31, v12;
	v35 =	vmul.f32 v35, v58  }
0x1cc: {  	[tilespmem:s31+$0x18EB0] =	vst v44;
	v63 =	vmul.f32 v49, v51;
	v52 =	vadd.f32 $1.000000000e+00, v45;
	v62 =	vmul.f32 v42, v42  }
0x1cd: {  	[tilespmem:s31+$0x18ED0] =	vst v8;
	v8 =	vmul.f32 v35, v18  }
0x1ce: {  	[tilespmem:s31+$0x18EE0] =	vst v12;
	v18 =	vsub.f32 $2.000000000e+00, v63;
	v54 =	vsub.s32 $0x7EF311C3, v52;
	v31 =	vmul.f32 v62, v53  }
0x1cf: {  	[tilespmem:v61+s19+$0x0] =	vst.idx.msk $0x1, v30;
	v7 =	vmul.f32 v35, v7;
	v12 =	vmul.f32 v54, v52  }
0x1d0: {  	v4 =	vmul.f32 v35, v4;
	v18 =	vmul.f32 v18, v49;
	[tilespmem:s2+$0x18EF0] =	vst v8;
	v31 =	vsub.f32 $1.500000000e+00, v31  }
0x1d1: {  	v5 =	vmul.f32 v35, v5;
	[tilespmem:s2+$0x18E80] =	vst v7;
	v7 =	vmul.f32 v35, v10;
	v8 =	vsub.f32 $2.000000000e+00, v12  }
0x1d2: {  	[tilespmem:s2+$0x18E90] =	vst v4;
	v10 =	vmul.f32 v18, v51;
	v12 =	vmul.f32 v31, v42  }
0x1d3: {  	s18 =	sadd.s32 $0x1, s18;
	[tilespmem:s2+$0x18EA0] =	vst v5;
	v5 =	vmul.f32 v35, v6;
	v4 =	vmul.f32 v54, v8  }
0x1d4: {  	[tilespmem:s2+$0x18EB0] =	vst v7;
	v6 =	vsub.f32 $2.000000000e+00, v10;
	v10 =	vmov s18;
	v8 =	vmul.f32 v12, v48  }
0x1d5: {  	v7 =	vmul.f32 v35, v11;
	[tilespmem:s2+$0x18EC0] =	vst v5;
	v5 =	vmul.f32 v35, v9  }
0x1d6: {  	[tilespmem:s31+$0x18EC0] =	vst v46;
	v11 =	vmul.f32 v4, v52;
	v6 =	vmul.f32 v6, v18;
	v12 =	vadd.f32 $1.000000000e+00, v8  }
0x1d7: {  	[tilespmem:s2+$0x18ED0] =	vst v7  }
0x1d8: {  	[tilespmem:s2+$0x18EE0] =	vst v5;
	v7 =	vsub.f32 $2.000000000e+00, v11;
	v5 =	vmul.f32 v6, v24;
	v9 =	vsub.s32 $0x7EF311C3, v12  }
0x1d9: {  	[tilespmem:v10+s19+$0x0] =	vst.idx.msk $0x1, v37;
	v10 =	vmul.f32 v6, v16;
	v11 =	vmul.f32 v9, v12  }
0x1da: {  	v4 =	vmul.f32 v7, v4;
	[tilespmem:s9+$0x18EF0] =	vst v5;
	v5 =	vmul.f32 v6, v14  }
0x1db: {  	[tilespmem:s9+$0x18E80] =	vst v10;
	v10 =	vmul.f32 v6, v15;
	v7 =	vsub.f32 $2.000000000e+00, v11  }
0x1dc: {  	[tilespmem:s9+$0x18E90] =	vst v5;
	v5 =	vmul.f32 v6, v13;
	v11 =	vmul.f32 v4, v52  }
0x1dd: {  	s31 =	sadd.s32 $0x1, s18;
	[tilespmem:s9+$0x18EA0] =	vst v10;
	v7 =	vmul.f32 v9, v7  }
0x1de: {  	[tilespmem:s9+$0x18EB0] =	vst v5;
	v5 =	vmul.f32 v6, v20;
	v10 =	vsub.f32 $2.000000000e+00, v11;
	v11 =	vmov s31  }
0x1df: {  	v9 =	vmul.f32 v6, v17;
	v13 =	vmul.f32 v7, v12  }
0x1e0: {  	v6 =	vmul.f32 v6, v19;
	[tilespmem:s9+$0x18ED0] =	vst v5;
	v4 =	vmul.f32 v10, v4  }
0x1e1: {  	[tilespmem:s9+$0x18EC0] =	vst v9;
	v5 =	vsub.f32 $2.000000000e+00, v13  }
0x1e2: {  	[tilespmem:s9+$0x18EE0] =	vst v6;
	v6 =	vmul.f32 v4, v29  }
0x1e3: {  	s2 =	sadd.s32 $0x1, s31;
	v9 =	vmul.f32 v4, v22;
	[tilespmem:v11+s19+$0x0] =	vst.idx.msk $0x1, v45;
	v5 =	vmul.f32 v5, v7  }
0x1e4: {  	v10 =	vmov s2;
	[tilespmem:s13+$0x18EF0] =	vst v6;
	v6 =	vmul.f32 v4, v21  }
0x1e5: {  	[tilespmem:s13+$0x18E80] =	vst v9;
	v7 =	vmul.f32 v4, v23;
	v9 =	vmul.f32 v5, v12  }
0x1e6: {  	[tilespmem:s13+$0x18E90] =	vst v6;
	v6 =	vmul.f32 v4, v26  }
0x1e7: {  	[tilespmem:s13+$0x18EA0] =	vst v7;
	v9 =	vsub.f32 $2.000000000e+00, v9  }
0x1e8: {  	v7 =	vmul.f32 v4, v25;
	[tilespmem:s13+$0x18EB0] =	vst v6;
	v6 =	vmul.f32 v4, v28  }
0x1e9: {  	[tilespmem:v10+s19+$0x0] =	vst.idx.msk $0x1, v8;
	v4 =	vmul.f32 v4, v27;
	v5 =	vmul.f32 v9, v5  }
0x1ea: {  	[tilespmem:s13+$0x18EC0] =	vst v7  }
0x1eb: {  	[tilespmem:s13+$0x18EE0] =	vst v4;
	v4 =	vmul.f32 v5, v41  }
0x1ec: {  	[tilespmem:s13+$0x18ED0] =	vst v6;
	v6 =	vmul.f32 v5, v34  }
0x1ed: {  	[tilespmem:s15+$0x18EF0] =	vst v4;
	v4 =	vmul.f32 v5, v33  }
0x1ee: {  	[tilespmem:s15+$0x18E80] =	vst v6;
	v6 =	vmul.f32 v5, v32  }
0x1ef: {  	[tilespmem:s15+$0x18E90] =	vst v4;
	v4 =	vmul.f32 v5, v36  }
0x1f0: {  	[tilespmem:s15+$0x18EA0] =	vst v6;
	v6 =	vmul.f32 v5, v38  }
0x1f1: {  	[tilespmem:s15+$0x18EB0] =	vst v4;
	v4 =	vmul.f32 v5, v39  }
0x1f2: {  	s13 =	sadd.s32 s5, s14;
	[tilespmem:s15+$0x18EC0] =	vst v6;
	v5 =	vmul.f32 v5, v40  }
0x1f3: {  	s2 =	sshll.u32 s13, $0x4;
	[tilespmem:s15+$0x18ED0] =	vst v4  }
0x1f4: {  	s2 =	sadd.s32 s3, s2;
	[tilespmem:s15+$0x18EE0] =	vst v5  }
0x1f5: {  	[hbm4b:s2+s4] =	stream.linear.scatter [tilespmem:s6], [sflag:$0xA], $0x2800, $0x38;
	[tilespmem:$0x1DE80] =	vst v63  }
0x1f6: {  	s14 =	sadd.s32 $0x140, s30;
	s15 =	simm.s32 $0x9E80  }
0x1f7: {  	[tilespmem:s15], [sflag:$0x4] =	stream.indirect.gather [hbm4b:s1+s12], $0x80, s14, s12, $0xb8;
	[tilespmem:$0x1DE80] =	vst v63  }
0x1f8: {  	s18 =	sadd.s32 $0x168, s30  }
0x1f9: {  	[tilespmem:s20], [sflag:$0x4] =	stream.indirect.gather [hbm4b:s1+s12], $0x80, s18, s12, $0xb8;
	[tilespmem:$0x1DE80] =	vst v63  }
0x1fa: {  	s25 =	sadd.s32 $0x28C0, s30  }
0x1fb: {  	[tilespmem:s22], [sflag:$0x7] =	stream.indirect.gather [hbm4b:s1+s12], $0x80, s25, s12, $0xb8;
	[tilespmem:$0x1DE80] =	vst v63  }
0x1fc: {  	s31 =	sadd.s32 $0x28E8, s30  }
0x1fd: {  	[tilespmem:s28], [sflag:$0x7] =	stream.indirect.gather [hbm4b:s1+s12], $0x80, s31, s12, $0xb8;
	[tilespmem:$0x1DE80] =	vst v63  }
0x1fe: {  	_ =	swait.ge [sflag:s7], $0x1400  }
0x1ff: {  	[sflag:s7] =	ssyncset.done $0x0  }
0x200: {  	[sflag:s7] =	ssyncadd.s32 $0xFFFFEC00  }
0x201: {  	_ =	swait.ge [sflag:s8], $0x1400  }
0x202: {  	[sflag:s8] =	ssyncset.done $0x0  }
0x203: {  	[sflag:s8] =	ssyncadd.s32 $0xFFFFEC00  }
0x204: {  	_ =	swait.ge [sflag:s7], $0x1400  }
0x205: {  	[sflag:s7] =	ssyncset.done $0x0  }
0x206: {  	[sflag:s7] =	ssyncadd.s32 $0xFFFFEC00  }
0x207: {  	_ =	swait.ge [sflag:s8], $0x1400  }
0x208: {  	[sflag:s8] =	ssyncset.done $0x0  }
0x209: {  	s2 =	simm.s32 @!p0 $0xB;
	[sflag:s8] =	ssyncadd.s32 $0xFFFFEC00  }
0x20a: {  	_ =	swait.ge @!p0 [sflag:s2], $0x2800  }
0x20b: {  	[sflag:s2] =	ssyncset.done @!p0 $0x0  }
0x20c: {  	s30 =	simm.s32 $0x0;
	[sflag:s2] =	ssyncadd.s32 @!p0 $0xFFFFD800  }
0x20d: {  	v4 =	vld [tilespmem:s30+$0xC680]  }
0x20e: {  	v5 =	vld [tilespmem:s30+$0x13E80]  }
0x20f: {  	v6 =	vld [tilespmem:s30+$0xC690]  }
0x210: {  	v7 =	vld [tilespmem:s30+$0x13E90]  }
0x211: {  	v8 =	vld [tilespmem:s30+$0xC6A0]  }
0x212: {  	v9 =	vld [tilespmem:s30+$0x13EA0]  }
0x213: {  	v10 =	vld [tilespmem:s30+$0xC6B0]  }
0x214: {  	v11 =	vld [tilespmem:s30+$0x13EB0]  }
0x215: {  	v12 =	vld [tilespmem:s30+$0xC6C0];
	v37 =	vsub.f32 v4, v5;
	v36 =	vsub.f32 v6, v7  }
0x216: {  	v4 =	vld [tilespmem:s30+$0x13EC0]  }
0x217: {  	v33 =	vsub.f32 v8, v9;
	v7 =	vld [tilespmem:s30+$0xC6D0];
	v5 =	vmul.f32 v37, v37;
	v6 =	vmul.f32 v36, v36  }
0x218: {  	v8 =	vld [tilespmem:s30+$0x13ED0]  }
0x219: {  	v9 =	vld [tilespmem:s30+$0xC6E0];
	v34 =	vsub.f32 v10, v11;
	v5 =	vadd.f32 v6, v5;
	v6 =	vmul.f32 v33, v33  }
0x21a: {  	v10 =	vld [tilespmem:s30+$0x13EE0]  }
0x21b: {  	v11 =	vld [tilespmem:s30+$0x13EF0];
	v32 =	vsub.f32 v12, v4;
	v4 =	vadd.f32 v6, v5;
	v5 =	vmul.f32 v34, v34  }
0x21c: {  	v6 =	vld [tilespmem:s30+$0xC6F0]  }
0x21d: {  	v8 =	vsub.f32 v7, v8;
	v4 =	vadd.f32 v5, v4;
	v5 =	vmul.f32 v32, v32;
	_ =	sdelay $0x1  }
0x21e: {  	v12 =	vsub.f32 v9, v10;
	v4 =	vadd.f32 v5, v4;
	v5 =	vmul.f32 v8, v8;
	_ =	sdelay $0x1  }
0x21f: {  	v7 =	vmul.f32 v12, v12;
	v27 =	vsub.f32 v6, v11;
	v4 =	vadd.f32 v5, v4  }
0x220: {  	s2 =	simm.s32 $0x80  }
0x221: {  	v13 =	vld [tilespmem:s2+$0xC6A0];
	v5 =	vmul.f32 v27, v27;
	v4 =	vadd.f32 v7, v4  }
0x222: {  	v9 =	vld [tilespmem:s2+$0x13E80]  }
0x223: {  	v10 =	vld [tilespmem:s2+$0x13E90];
	v4 =	vadd.f32 v5, v4  }
0x224: {  	v7 =	vld [tilespmem:s2+$0xC680]  }
0x225: {  	v5 =	vld [tilespmem:s2+$0xC690];
	v11 =	vperm.xlane v4, v0  }
0x226: {  	v14 =	vld [tilespmem:s2+$0x13EA0]  }
0x227: {  	v15 =	vld [tilespmem:s2+$0xC6B0];
	v11 =	vadd.f32 v4, v11  }
0x228: {  	v16 =	vld [tilespmem:s2+$0x13EB0]  }
0x229: {  	v18 =	vld [tilespmem:s2+$0x13EC0];
	v17 =	vperm.xlane v11, v1  }
0x22a: {  	v19 =	vld [tilespmem:s2+$0x13ED0];
	v7 =	vsub.f32 v7, v9;
	v4 =	vsub.f32 v5, v10  }
0x22b: {  	v6 =	vld [tilespmem:s2+$0xC6C0];
	v11 =	vadd.f32 v11, v17  }
0x22c: {  	v9 =	vld [tilespmem:s2+$0xC6E0];
	v5 =	vsub.f32 v13, v14;
	v13 =	vmul.f32 v7, v7;
	v14 =	vmul.f32 v4, v4  }
0x22d: {  	v17 =	vld [tilespmem:s2+$0xC6D0];
	v20 =	vperm.xlane v11, v2  }
0x22e: {  	v10 =	vsub.f32 v15, v16;
	v15 =	vld [tilespmem:s2+$0x13EE0];
	v13 =	vadd.f32 v14, v13;
	v14 =	vmul.f32 v5, v5  }
0x22f: {  	v16 =	vld [tilespmem:s2+$0xC6F0];
	v20 =	vadd.f32 v11, v20  }
0x230: {  	v6 =	vsub.f32 v6, v18;
	v11 =	vadd.f32 v14, v13;
	v13 =	vmul.f32 v10, v10;
	v14 =	vld [tilespmem:s2+$0x13EF0]  }
0x231: {  	v18 =	vperm.xlane v20, v3  }
0x232: {  	v21 =	vmul.f32 v6, v6;
	v13 =	vadd.f32 v13, v11;
	v11 =	vsub.f32 v17, v19  }
0x233: {  	v17 =	vadd.f32 v20, v18  }
0x234: {  	v9 =	vsub.f32 v9, v15;
	v13 =	vadd.f32 v21, v13;
	v15 =	vmul.f32 v11, v11  }
0x235: {  	s9 =	simm.s32 $0x100;
	v18 =	vsub.f32 v16, v14;
	v19 =	vmax.f32 v17, $1.000000000e-30  }
0x236: {  	v22 =	vld [tilespmem:s9+$0xC690];
	v14 =	vmul.f32 v9, v9;
	v13 =	vadd.f32 v15, v13;
	v15 =	vshra.s32 v19, $0x1  }
0x237: {  	v23 =	vld [tilespmem:s9+$0xC6A0];
	v17 =	vmul.f32 v18, v18;
	v15 =	vsub.s32 $0x5F3759DF, v15  }
0x238: {  	v16 =	vld [tilespmem:s9+$0xC680];
	v20 =	vmul.f32 $5.000000000e-01, v19;
	v13 =	vadd.f32 v14, v13;
	v21 =	vmul.f32 v15, v15  }
0x239: {  	v14 =	vld [tilespmem:s9+$0x13E80]  }
0x23a: {  	v13 =	vadd.f32 v17, v13;
	v17 =	vld [tilespmem:s9+$0x13E90];
	v21 =	vmul.f32 v21, v20  }
0x23b: {  	v24 =	vld [tilespmem:s9+$0x13EA0]  }
0x23c: {  	v26 =	vld [tilespmem:s9+$0xC6B0];
	v25 =	vperm.xlane v13, v0;
	v21 =	vsub.f32 $1.500000000e+00, v21  }
0x23d: {  	v28 =	vld [tilespmem:s9+$0x13EB0]  }
0x23e: {  	v13 =	vadd.f32 v13, v25;
	v21 =	vmul.f32 v15, v21  }
0x23f: {  	v16 =	vsub.f32 v16, v14;
	v25 =	vld [tilespmem:s9+$0xC6C0];
	v14 =	vsub.f32 v22, v17  }
0x240: {  	v17 =	vld [tilespmem:s9+$0x13EC0];
	v22 =	vperm.xlane v13, v1;
	v29 =	vmul.f32 v21, v21  }
0x241: {  	v31 =	vld [tilespmem:s9+$0xC6D0];
	v15 =	vsub.f32 v23, v24;
	v23 =	vmul.f32 v16, v16;
	v24 =	vmul.f32 v14, v14  }
0x242: {  	v22 =	vadd.f32 v13, v22;
	v13 =	vsub.f32 v26, v28;
	v26 =	vld [tilespmem:s9+$0x13ED0];
	v20 =	vmul.f32 v29, v20  }
0x243: {  	v30 =	vld [tilespmem:s9+$0xC6E0];
	v23 =	vadd.f32 v24, v23;
	v24 =	vmul.f32 v15, v15  }
0x244: {  	v29 =	vld [tilespmem:s9+$0x13EE0];
	v28 =	vperm.xlane v22, v2;
	v20 =	vsub.f32 $1.500000000e+00, v20  }
0x245: {  	v17 =	vsub.f32 v25, v17;
	v23 =	vadd.f32 v24, v23;
	v24 =	vmul.f32 v13, v13  }
0x246: {  	v25 =	vld [tilespmem:s9+$0xC6F0];
	v22 =	vadd.f32 v22, v28;
	v21 =	vmul.f32 v20, v21  }
0x247: {  	v28 =	vld [tilespmem:s9+$0x13EF0];
	v23 =	vadd.f32 v24, v23;
	v24 =	vmul.f32 v17, v17;
	v20 =	vsub.f32 v31, v26  }
0x248: {  	v55 =	vperm.xlane v22, v3;
	v41 =	vmul.f32 v21, v19  }
0x249: {  	v21 =	vadd.f32 v24, v23;
	v19 =	vsub.f32 v30, v29;
	v23 =	vmul.f32 v20, v20  }
0x24a: {  	v22 =	vadd.f32 v22, v55  }
0x24b: {  	v29 =	vadd.f32 $1.000000000e+00, v41;
	v26 =	vmul.f32 v19, v19;
	v21 =	vadd.f32 v23, v21  }
0x24c: {  	s13 =	simm.s32 $0x180;
	v24 =	vsub.f32 v25, v28;
	v30 =	vmax.f32 v22, $1.000000000e-30  }
0x24d: {  	v56 =	vld [tilespmem:s13+$0x13E80];
	v22 =	vsub.s32 $0x7EF311C3, v29;
	v25 =	vshra.s32 v30, $0x1;
	v21 =	vadd.f32 v26, v21  }
0x24e: {  	v59 =	vld [tilespmem:s13+$0xC690];
	v26 =	vmul.f32 v24, v24;
	v28 =	vmul.f32 v22, v29;
	v25 =	vsub.s32 $0x5F3759DF, v25  }
0x24f: {  	v60 =	vld [tilespmem:s13+$0x13EA0];
	v57 =	vmul.f32 $5.000000000e-01, v30;
	v58 =	vmul.f32 v25, v25  }
0x250: {  	v21 =	vadd.f32 v26, v21;
	v26 =	vld [tilespmem:s13+$0x13E90];
	v28 =	vsub.f32 $2.000000000e+00, v28  }
0x251: {  	v31 =	vld [tilespmem:s13+$0xC680];
	v39 =	vmul.f32 v58, v57  }
0x252: {  	v23 =	vld [tilespmem:s13+$0xC6A0];
	v28 =	vmul.f32 v22, v28;
	v22 =	vperm.xlane v21, v0  }
0x253: {  	v61 =	vld [tilespmem:s13+$0xC6B0];
	v39 =	vsub.f32 $1.500000000e+00, v39  }
0x254: {  	v63 =	vld [tilespmem:s13+$0x13EB0];
	v62 =	vmul.f32 v28, v29;
	v48 =	vadd.f32 v21, v22  }
0x255: {  	v49 =	vld [tilespmem:s13+$0xC6C0];
	v21 =	vsub.f32 v59, v26;
	v39 =	vmul.f32 v25, v39  }
0x256: {  	v50 =	vld [tilespmem:s13+$0x13EC0];
	v22 =	vsub.f32 v31, v56;
	v25 =	vsub.f32 $2.000000000e+00, v62;
	v26 =	vperm.xlane v48, v1  }
0x257: {  	v23 =	vsub.f32 v23, v60;
	v51 =	vmul.f32 v21, v21;
	v31 =	vmul.f32 v39, v39  }
0x258: {  	v40 =	vld [tilespmem:s13+$0xC6E0];
	v28 =	vmul.f32 v25, v28;
	v25 =	vmul.f32 v22, v22  }
0x259: {  	v53 =	vld [tilespmem:s13+$0xC6D0];
	v54 =	vmul.f32 v23, v23;
	v52 =	vadd.f32 v48, v26;
	v31 =	vmul.f32 v31, v57  }
0x25a: {  	v55 =	vld [tilespmem:s13+$0x13ED0];
	v26 =	vsub.f32 v61, v63;
	v29 =	vmul.f32 v28, v29;
	v35 =	vadd.f32 v51, v25  }
0x25b: {  	v57 =	vld [tilespmem:s13+$0x13EE0];
	v25 =	vsub.f32 v49, v50;
	v56 =	vperm.xlane v52, v2;
	v31 =	vsub.f32 $1.500000000e+00, v31  }
0x25c: {  	v60 =	vld [tilespmem:s13+$0x13EF0];
	v58 =	vmul.f32 v26, v26;
	v29 =	vsub.f32 $2.000000000e+00, v29;
	v35 =	vadd.f32 v54, v35  }
0x25d: {  	v59 =	vld [tilespmem:s13+$0xC6F0];
	v48 =	vmov s10;
	v42 =	vadd.f32 v52, v56;
	v39 =	vmul.f32 v31, v39  }
0x25e: {  	v61 =	vmul.f32 v25, v25;
	v31 =	vmul.f32 v29, v28;
	v29 =	vadd.f32 v58, v35  }
0x25f: {  	v62 =	vperm.xlane v42, v3;
	v28 =	vsub.f32 v53, v55;
	v30 =	vmul.f32 v39, v30  }
0x260: {  	v63 =	vmul.f32 v31, v27;
	v54 =	vadd.f32 v61, v29;
	v27 =	vsub.f32 v40, v57  }
0x261: {  	s14 =	simm.s32 $0x200;
	v55 =	vmul.f32 v28, v28;
	v42 =	vadd.f32 v42, v62;
	v35 =	vadd.f32 $1.000000000e+00, v30  }
0x262: {  	v38 =	vld [tilespmem:s14+$0xC6C0];
	v29 =	vsub.f32 v59, v60;
	v56 =	vmul.f32 v31, v37;
	v46 =	vmul.f32 v27, v27  }
0x263: {  	v49 =	vld [tilespmem:s14+$0xC690];
	v45 =	vadd.f32 v55, v54;
	v37 =	vmax.f32 v42, $1.000000000e-30;
	v57 =	vsub.s32 $0x7EF311C3, v35  }
0x264: {  	v50 =	vld [tilespmem:s14+$0x13EA0];
	v59 =	vmul.f32 v31, v36;
	v42 =	vshra.s32 v37, $0x1;
	v58 =	vmul.f32 v57, v35  }
0x265: {  	[tilespmem:v48+s19+$0x0] =	vst.idx.msk $0x1, v41;
	v41 =	vld [tilespmem:s14+$0x13E80];
	v60 =	vmul.f32 v29, v29;
	v46 =	vadd.f32 v46, v45;
	v45 =	vsub.s32 $0x5F3759DF, v42  }
0x266: {  	v39 =	vld [tilespmem:s14+$0x13EC0];
	[tilespmem:s30+$0x1B6F0] =	vst v63;
	v42 =	vmul.f32 $5.000000000e-01, v37;
	v61 =	vmul.f32 v45, v45;
	v62 =	vsub.f32 $2.000000000e+00, v58  }
0x267: {  	v36 =	vld [tilespmem:s14+$0xC680];
	v44 =	vmul.f32 v31, v34;
	[tilespmem:s30+$0x1B680] =	vst v56;
	v63 =	vmul.f32 v31, v33;
	v47 =	vadd.f32 v60, v46  }
0x268: {  	[tilespmem:s30+$0x1B690] =	vst v59;
	v33 =	vld [tilespmem:s14+$0x13E90];
	v48 =	vmul.f32 v61, v42;
	v43 =	vmul.f32 v57, v62  }
0x269: {  	s15 =	smov.u32 s10;
	s18 =	simm.s32 $0xA00;
	v40 =	vld [tilespmem:s14+$0xC6A0];
	[tilespmem:s30+$0x1B6A0] =	vst v63;
	v46 =	vmul.f32 v31, v32;
	v51 =	vperm.xlane v47, v0  }
.LBB2_7:
0x26a: {  	p0 =	sne.s32 s18, $0x9E00;
	v34 =	vld [tilespmem:s14+$0xC6B0];
	v48 =	vsub.f32 $1.500000000e+00, v48;
	v52 =	vmul.f32 v43, v35;
	[tilespmem:s30+$0x1B6B0] =	vst v44;
	v53 =	vmul.f32 v31, v8;
	v32 =	vmovc v25  }
0x26b: {  	v12 =	vmul.f32 v31, v12;
	v44 =	vld [tilespmem:s14+$0x13EB0];
	v47 =	vadd.f32 v47, v51;
	[tilespmem:s30+$0x1B6C0] =	vst v46;
	v46 =	vmovc v13;
	v13 =	vmov v26  }
0x26c: {  	v25 =	vsub.f32 v38, v39;
	v8 =	vmovc v11;
	v31 =	vmul.f32 v45, v48;
	v26 =	vsub.f32 $2.000000000e+00, v52;
	[tilespmem:s30+$0x1B6D0] =	vst v53  }
0x26d: {  	v36 =	vsub.f32 v36, v41;
	v33 =	vsub.f32 v49, v33;
	v38 =	vperm.xlane v47, v1;
	[tilespmem:s30+$0x1B6E0] =	vst v12;
	s30 =	smov.u32 s2;
	s2 =	smov.u32 s9;
	s9 =	smov.u32 s13  }
0x26e: {  	v11 =	vmovc v20;
	s13 =	smov.u32 s14;
	v50 =	vsub.f32 v40, v50;
	v45 =	vmul.f32 v31, v31;
	v39 =	vmul.f32 v26, v43  }
0x26f: {  	v20 =	vmovc v28;
	v40 =	vmul.f32 v36, v36;
	v41 =	vmul.f32 v33, v33;
	v43 =	vld [tilespmem:s13+$0xC6E0];
	v38 =	vadd.f32 v47, v38  }
0x270: {  	v12 =	vmovc v9;
	v26 =	vsub.f32 v34, v44;
	v28 =	vld [tilespmem:s13+$0xC6D0];
	v34 =	vmul.f32 v45, v42;
	v35 =	vmul.f32 v39, v35  }
0x271: {  	s15 =	sadd.s32 $0x1, s15;
	v9 =	vmovc v19;
	v40 =	vadd.f32 v41, v40;
	v41 =	vmul.f32 v50, v50;
	v42 =	vld [tilespmem:s13+$0x13ED0];
	v44 =	vperm.xlane v38, v2  }
0x272: {  	v19 =	vmovc v27;
	v47 =	vmov s15;
	v45 =	vld [tilespmem:s13+$0x13EE0];
	v34 =	vsub.f32 $1.500000000e+00, v34;
	v35 =	vsub.f32 $2.000000000e+00, v35  }
0x273: {  	v27 =	vadd.f32 v41, v40;
	v40 =	vmul.f32 v26, v26;
	v41 =	vld [tilespmem:s13+$0xC6F0];
	v38 =	vadd.f32 v38, v44  }
0x274: {  	v44 =	vld [tilespmem:s13+$0x13EF0];
	v34 =	vmul.f32 v34, v31;
	v31 =	vmul.f32 v35, v39  }
0x275: {  	v35 =	vmul.f32 v25, v25;
	v27 =	vadd.f32 v40, v27;
	v39 =	vperm.xlane v38, v3  }
0x276: {  	v28 =	vsub.f32 v28, v42;
	v34 =	vmul.f32 v34, v37;
	v37 =	vmul.f32 v31, v18;
	v18 =	vmovc v24  }
0x277: {  	v24 =	vmov v29;
	v40 =	vadd.f32 v35, v27;
	v27 =	vsub.f32 v43, v45;
	[tilespmem:v47+s19+$0x0] =	vst.idx.msk $0x1, v30  }
0x278: {  	s14 =	sshra.s32 s18, $0x2;
	v43 =	vadd.f32 v38, v39;
	v42 =	vmul.f32 v28, v28;
	v35 =	vadd.f32 $1.000000000e+00, v34;
	[tilespmem:s30+$0x1B6F0] =	vst v37;
	v30 =	vmovc v34  }
0x279: {  	v38 =	vld [tilespmem:s14+$0xC6C0];
	v34 =	vmul.f32 v27, v27;
	v29 =	vsub.f32 v41, v44;
	v41 =	vmul.f32 v31, v7;
	v7 =	vmovc v16  }
0x27a: {  	v37 =	vmax.f32 v43, $1.000000000e-30;
	v16 =	vmovc v22;
	v22 =	vmovc v36;
	v39 =	vld [tilespmem:s14+$0x13EC0];
	v42 =	vadd.f32 v42, v40;
	v43 =	vsub.s32 $0x7EF311C3, v35  }
0x27b: {  	v48 =	vmul.f32 v31, v4;
	v4 =	vmovc v14;
	v44 =	vshra.s32 v37, $0x1;
	v40 =	vld [tilespmem:s14+$0xC6A0];
	v47 =	vmul.f32 v43, v35;
	[tilespmem:s30+$0x1B680] =	vst v41  }
.Ltmp2:
0x27c: {  	v14 =	vmovc v21;
	v21 =	vmovc v33;
	v51 =	vmul.f32 v29, v29;
	v45 =	vsub.s32 $0x5F3759DF, v44;
	v36 =	vld [tilespmem:s14+$0xC680];
	v34 =	vadd.f32 v34, v42;
	(pc) =	sbr.rel @p0 .LBB2_7-.Ltmp2, $4  }
0x27d: {  	v42 =	vmul.f32 $5.000000000e-01, v37;
	v52 =	vmul.f32 v45, v45;
	v41 =	vld [tilespmem:s14+$0x13E80];
	v53 =	vsub.f32 $2.000000000e+00, v47;
	[tilespmem:s30+$0x1B690] =	vst v48  }
0x27e: {  	v44 =	vmul.f32 v31, v10;
	v49 =	vld [tilespmem:s14+$0xC690];
	v47 =	vadd.f32 v51, v34;
	v34 =	vmul.f32 v31, v5;
	v5 =	vmovc v15  }
0x27f: {  	v10 =	vmovc v46;
	v48 =	vmul.f32 v52, v42;
	v15 =	vmovc v23;
	v23 =	vmov v50;
	v33 =	vld [tilespmem:s14+$0x13E90];
	v43 =	vmul.f32 v43, v53  }
0x280: {  	s18 =	sadd.s32 $0x200, s18;
	v46 =	vmul.f32 v31, v6;
	v6 =	vmovc v17;
	v17 =	vmov v32;
	v50 =	vld [tilespmem:s14+$0x13EA0];
	v51 =	vperm.xlane v47, v0;
	[tilespmem:s30+$0x1B6A0] =	vst v34  }
0x281: {  	_ = 	snop  }
0x282: {  	v52 =	vld [tilespmem:s14+$0xC6B0]  }
0x283: {  	v53 =	vld [tilespmem:s14+$0x13EB0]  }
0x284: {  	v34 =	vsub.f32 v36, v41;
	v33 =	vsub.f32 v49, v33  }
0x285: {  	v58 =	vld [tilespmem:s14+$0x13ED0]  }
0x286: {  	v54 =	vld [tilespmem:s14+$0xC6E0];
	v63 =	vmul.f32 v34, v34;
	v32 =	vsub.f32 v40, v50;
	v57 =	vmul.f32 v33, v33  }
0x287: {  	v49 =	vld [tilespmem:s14+$0xC6D0]  }
0x288: {  	v60 =	vld [tilespmem:s14+$0x13EE0];
	v36 =	vsub.f32 v52, v53;
	v59 =	vmul.f32 v32, v32;
	v40 =	vadd.f32 v57, v63  }
0x289: {  	v63 =	vld [tilespmem:s14+$0xC6F0]  }
0x28a: {  	v38 =	vsub.f32 v38, v39;
	v62 =	vmul.f32 v36, v36;
	v57 =	vld [tilespmem:s14+$0x13EF0];
	v61 =	vadd.f32 v59, v40;
	_ =	sdelay $0x1  }
0x28b: {  	v55 =	vmul.f32 v38, v38;
	v39 =	vsub.f32 v49, v58;
	v40 =	vadd.f32 v62, v61  }
0x28c: {  	v47 =	vadd.f32 v47, v51  }
0x28d: {  	v50 =	vmul.f32 v39, v39;
	v58 =	vadd.f32 v55, v40;
	v40 =	vsub.f32 v54, v60  }
0x28e: {  	v41 =	vsub.f32 v63, v57  }
0x28f: {  	v60 =	vperm.xlane v47, v1;
	v59 =	vmul.f32 v40, v40;
	v49 =	vadd.f32 v50, v58;
	_ =	sdelay $0x1  }
0x290: {  	v61 =	vmul.f32 v41, v41;
	v47 =	vadd.f32 v47, v60;
	v49 =	vadd.f32 v59, v49;
	_ =	sdelay $0x1  }
0x291: {  	v50 =	vperm.xlane v47, v2;
	v49 =	vadd.f32 v61, v49;
	_ =	sdelay $0x1  }
0x292: {  	v47 =	vadd.f32 v47, v50;
	v51 =	vperm.xlane v49, v0;
	_ =	sdelay $0x1  }
0x293: {  	v50 =	vperm.xlane v47, v3;
	v49 =	vadd.f32 v49, v51;
	_ =	sdelay $0x1  }
0x294: {  	v48 =	vsub.f32 $1.500000000e+00, v48;
	v47 =	vadd.f32 v47, v50;
	v51 =	vperm.xlane v49, v1;
	_ =	sdelay $0x1  }
0x295: {  	v45 =	vmul.f32 v45, v48;
	v47 =	vmax.f32 v47, $1.000000000e-30;
	v49 =	vadd.f32 v49, v51  }
0x296: {  	v62 =	vshra.s32 v47, $0x1  }
0x297: {  	v56 =	vmul.f32 v45, v45;
	v48 =	vsub.s32 $0x5F3759DF, v62;
	v63 =	vperm.xlane v49, v2  }
0x298: {  	v52 =	vmul.f32 $5.000000000e-01, v47;
	v57 =	vmul.f32 v48, v48  }
0x299: {  	v42 =	vmul.f32 v56, v42;
	v49 =	vadd.f32 v49, v63  }
0x29a: {  	v58 =	vmul.f32 v57, v52  }
0x29b: {  	v42 =	vsub.f32 $1.500000000e+00, v42;
	v59 =	vperm.xlane v49, v3  }
0x29c: {  	v50 =	vsub.f32 $1.500000000e+00, v58  }
0x29d: {  	v42 =	vmul.f32 v42, v45;
	v49 =	vadd.f32 v49, v59  }
0x29e: {  	v60 =	vmul.f32 v48, v50  }
0x29f: {  	v37 =	vmul.f32 v42, v37;
	v48 =	vmax.f32 v49, $1.000000000e-30  }
0x2a0: {  	v62 =	vmul.f32 v43, v35;
	v50 =	vmul.f32 v60, v60;
	v61 =	vshra.s32 v48, $0x1  }
0x2a1: {  	v51 =	vadd.f32 $1.000000000e+00, v37;
	v53 =	vmul.f32 $5.000000000e-01, v48;
	v42 =	vsub.s32 $0x5F3759DF, v61  }
0x2a2: {  	v49 =	vsub.f32 $2.000000000e+00, v62;
	v50 =	vmul.f32 v50, v52;
	v63 =	vmul.f32 v42, v42  }
0x2a3: {  	v57 =	vsub.s32 $0x7EF311C3, v51  }
0x2a4: {  	v58 =	vmul.f32 v49, v43;
	v50 =	vsub.f32 $1.500000000e+00, v50;
	v54 =	vmul.f32 v63, v53  }
0x2a5: {  	v59 =	vmul.f32 v57, v51  }
0x2a6: {  	v45 =	vmul.f32 v50, v60;
	v60 =	vmul.f32 v58, v35;
	v54 =	vsub.f32 $1.500000000e+00, v54  }
0x2a7: {  	v49 =	vsub.f32 $2.000000000e+00, v59  }
0x2a8: {  	s15 =	sadd.s32 $0x1, s15;
	v8 =	vmul.f32 v31, v8;
	v35 =	vsub.f32 $2.000000000e+00, v60;
	v42 =	vmul.f32 v42, v54  }
0x2a9: {  	v61 =	vmov s15;
	v49 =	vmul.f32 v57, v49;
	v45 =	vmul.f32 v45, v47  }
0x2aa: {  	v35 =	vmul.f32 v35, v58;
	v62 =	vmul.f32 v42, v42  }
0x2ab: {  	[tilespmem:s30+$0x1B6B0] =	vst v44;
	v12 =	vmul.f32 v31, v12;
	v63 =	vmul.f32 v49, v51;
	v44 =	vadd.f32 $1.000000000e+00, v45  }
0x2ac: {  	[tilespmem:s30+$0x1B6D0] =	vst v8;
	v52 =	vmul.f32 v35, v18;
	v50 =	vmul.f32 v62, v53  }
0x2ad: {  	[tilespmem:s30+$0x1B6E0] =	vst v12;
	v54 =	vsub.s32 $0x7EF311C3, v44;
	v7 =	vmul.f32 v35, v7;
	v53 =	vsub.f32 $2.000000000e+00, v63  }
0x2ae: {  	[tilespmem:v61+s19+$0x0] =	vst.idx.msk $0x1, v30;
	v4 =	vmul.f32 v35, v4;
	v55 =	vmul.f32 v54, v44;
	v31 =	vsub.f32 $1.500000000e+00, v50  }
0x2af: {  	v5 =	vmul.f32 v35, v5;
	[tilespmem:s2+$0x1B6F0] =	vst v52;
	v18 =	vmul.f32 v53, v49  }
0x2b0: {  	v58 =	vmul.f32 v35, v10;
	[tilespmem:s2+$0x1B680] =	vst v7;
	v56 =	vsub.f32 $2.000000000e+00, v55;
	v57 =	vmul.f32 v31, v42  }
0x2b1: {  	[tilespmem:s2+$0x1B6A0] =	vst v5;
	v5 =	vmul.f32 v35, v6;
	v59 =	vmul.f32 v18, v51  }
0x2b2: {  	s15 =	sadd.s32 $0x1, s15;
	[tilespmem:s2+$0x1B690] =	vst v4;
	v4 =	vmul.f32 v54, v56;
	v8 =	vmul.f32 v57, v48  }
0x2b3: {  	v61 =	vmov s15;
	[tilespmem:s2+$0x1B6B0] =	vst v58;
	v62 =	vmul.f32 v35, v11;
	v60 =	vsub.f32 $2.000000000e+00, v59  }
0x2b4: {  	s25 =	sadd.s32 $0x1, s15;
	[tilespmem:s2+$0x1B6C0] =	vst v5;
	v5 =	vmul.f32 v35, v9;
	v63 =	vmul.f32 v4, v44;
	v12 =	vadd.f32 $1.000000000e+00, v8  }
0x2b5: {  	[tilespmem:s2+$0x1B6D0] =	vst v62;
	v50 =	vmov s25;
	v6 =	vmul.f32 v60, v18  }
0x2b6: {  	[tilespmem:s2+$0x1B6E0] =	vst v5;
	s2 =	sadd.s32 $0x1, s25;
	v30 =	vsub.f32 $2.000000000e+00, v63;
	v31 =	vsub.s32 $0x7EF311C3, v12  }
0x2b7: {  	[tilespmem:s30+$0x1B6C0] =	vst v46;
	v59 =	vmov s2;
	v5 =	vmul.f32 v6, v24;
	v35 =	vmul.f32 v31, v12  }
0x2b8: {  	[tilespmem:v61+s19+$0x0] =	vst.idx.msk $0x1, v37;
	v4 =	vmul.f32 v30, v4  }
0x2b9: {  	[tilespmem:s9+$0x1B6F0] =	vst v5;
	v5 =	vmul.f32 v6, v14;
	v43 =	vsub.f32 $2.000000000e+00, v35  }
0x2ba: {  	[tilespmem:v50+s19+$0x0] =	vst.idx.msk $0x1, v45;
	v47 =	vmul.f32 v4, v44  }
0x2bb: {  	[tilespmem:s9+$0x1B690] =	vst v5;
	v5 =	vmul.f32 v6, v13;
	v7 =	vmul.f32 v31, v43  }
0x2bc: {  	v42 =	vmul.f32 v6, v16;
	[tilespmem:v59+s19+$0x0] =	vst.idx.msk $0x1, v8  }
0x2bd: {  	v49 =	vsub.f32 $2.000000000e+00, v47;
	[tilespmem:s9+$0x1B6B0] =	vst v5;
	v5 =	vmul.f32 v6, v20;
	v51 =	vmul.f32 v7, v12  }
0x2be: {  	v46 =	vmul.f32 v6, v15;
	[tilespmem:s9+$0x1B680] =	vst v42  }
0x2bf: {  	v48 =	vmul.f32 v6, v17;
	v4 =	vmul.f32 v49, v4;
	[tilespmem:s9+$0x1B6D0] =	vst v5;
	v5 =	vsub.f32 $2.000000000e+00, v51  }
0x2c0: {  	[tilespmem:s9+$0x1B6A0] =	vst v46;
	v6 =	vmul.f32 v6, v19  }
0x2c1: {  	[tilespmem:s9+$0x1B6C0] =	vst v48;
	v52 =	vmul.f32 v4, v29;
	v5 =	vmul.f32 v5, v7  }
0x2c2: {  	v53 =	vmul.f32 v4, v22;
	[tilespmem:s9+$0x1B6E0] =	vst v6  }
0x2c3: {  	v54 =	vmul.f32 v4, v21;
	[tilespmem:s13+$0x1B6F0] =	vst v52;
	v56 =	vmul.f32 v5, v12  }
0x2c4: {  	v55 =	vmul.f32 v4, v23;
	[tilespmem:s13+$0x1B680] =	vst v53  }
0x2c5: {  	v57 =	vmul.f32 v4, v26;
	[tilespmem:s13+$0x1B690] =	vst v54;
	v9 =	vsub.f32 $2.000000000e+00, v56  }
0x2c6: {  	v58 =	vmul.f32 v4, v25;
	v60 =	vmul.f32 v4, v28;
	[tilespmem:s13+$0x1B6A0] =	vst v55  }
0x2c7: {  	v4 =	vmul.f32 v4, v27;
	[tilespmem:s13+$0x1B6B0] =	vst v57;
	v5 =	vmul.f32 v9, v5  }
0x2c8: {  	[tilespmem:s13+$0x1B6C0] =	vst v58  }
0x2c9: {  	[tilespmem:s13+$0x1B6E0] =	vst v4;
	v4 =	vmul.f32 v5, v41  }
0x2ca: {  	[tilespmem:s13+$0x1B6D0] =	vst v60;
	v61 =	vmul.f32 v5, v34  }
0x2cb: {  	[tilespmem:s14+$0x1B6F0] =	vst v4;
	v4 =	vmul.f32 v5, v33  }
0x2cc: {  	v62 =	vmul.f32 v5, v32;
	[tilespmem:s14+$0x1B680] =	vst v61  }
0x2cd: {  	s24 =	sadd.s32 $0x1, s24;
	[tilespmem:s14+$0x1B690] =	vst v4;
	v4 =	vmul.f32 v5, v36  }
0x2ce: {  	p0 =	sne.s32 s24, $0x29;
	v63 =	vmul.f32 v5, v38;
	[tilespmem:s14+$0x1B6A0] =	vst v62  }
.Ltmp3:
0x2cf: {  	[tilespmem:s14+$0x1B6B0] =	vst v4;
	v4 =	vmul.f32 v5, v39;
	(pc) =	sbr.rel @p0 .LBB2_2-.Ltmp3, $4  }
0x2d0: {  	s30 =	sadd.s32 s5, s29;
	[tilespmem:s14+$0x1B6C0] =	vst v63;
	v5 =	vmul.f32 v5, v40  }
0x2d1: {  	s31 =	simm.s32 $0x1B680;
	s23 =	sadd.s32 $0xF0, s23;
	s2 =	sshll.u32 s30, $0x4;
	[tilespmem:s14+$0x1B6D0] =	vst v4  }
0x2d2: {  	s17 =	sadd.s32 $0xF0, s17;
	s10 =	sadd.s32 $0xF0, s10;
	s2 =	sadd.s32 s3, s2;
	[tilespmem:s14+$0x1B6E0] =	vst v5  }
0x2d3: {  	[hbm4b:s2+s4] =	stream.linear.scatter [tilespmem:s31], [sflag:$0xB], $0x2800, $0x38;
	[tilespmem:$0x1DE80] =	vst v63  }
0x2d4: {  	_ =	swait.ge [sflag:s0], $0x1400  }
0x2d5: {  	[sflag:s0] =	ssyncset.done $0x0  }
0x2d6: {  	[sflag:s0] =	ssyncadd.s32 $0xFFFFEC00  }
0x2d7: {  	_ =	swait.ge [sflag:s16], $0x1400  }
0x2d8: {  	[sflag:s16] =	ssyncset.done $0x0  }
0x2d9: {  	[sflag:s16] =	ssyncadd.s32 $0xFFFFEC00  }
0x2da: {  	_ =	swait.ge [sflag:s0], $0x1400  }
0x2db: {  	[sflag:s0] =	ssyncset.done $0x0  }
0x2dc: {  	[sflag:s0] =	ssyncadd.s32 $0xFFFFEC00  }
0x2dd: {  	_ =	swait.ge [sflag:s16], $0x1400  }
0x2de: {  	[sflag:s16] =	ssyncset.done $0x0  }
0x2df: {  	s18 =	simm.s32 $0x9;
	[sflag:s16] =	ssyncadd.s32 $0xFFFFEC00  }
0x2e0: {  	_ =	swait.ge [sflag:s18], $0x2800  }
0x2e1: {  	[sflag:s18] =	ssyncset.done $0x0  }
0x2e2: {  	s2 =	simm.s32 $0x76C0;
	[sflag:s18] =	ssyncadd.s32 $0xFFFFD800  }
0x2e3: {  	s9 =	simm.s32 $0xEEC0;
	v4 =	vld [tilespmem:s2+$0xFFFFFFC0]  }
0x2e4: {  	v5 =	vld [tilespmem:s9+$0xFFFFFFC0]  }
0x2e5: {  	v6 =	vld [tilespmem:s2+$0xFFFFFFD0]  }
0x2e6: {  	v7 =	vld [tilespmem:s9+$0xFFFFFFD0]  }
0x2e7: {  	v8 =	vld [tilespmem:s2+$0xFFFFFFE0]  }
0x2e8: {  	v9 =	vld [tilespmem:s9+$0xFFFFFFE0]  }
0x2e9: {  	v10 =	vld [tilespmem:s2+$0xFFFFFFF0]  }
0x2ea: {  	v11 =	vld [tilespmem:s9+$0xFFFFFFF0]  }
0x2eb: {  	v12 =	vld [tilespmem:s2+$0x0];
	v37 =	vsub.f32 v4, v5;
	v36 =	vsub.f32 v6, v7  }
0x2ec: {  	v4 =	vld [tilespmem:s9+$0x0]  }
0x2ed: {  	v33 =	vsub.f32 v8, v9;
	v7 =	vld [tilespmem:s2+$0x10];
	v5 =	vmul.f32 v37, v37;
	v6 =	vmul.f32 v36, v36  }
0x2ee: {  	v8 =	vld [tilespmem:s9+$0x10]  }
0x2ef: {  	v9 =	vld [tilespmem:s2+$0x20];
	v34 =	vsub.f32 v10, v11;
	v5 =	vadd.f32 v6, v5;
	v6 =	vmul.f32 v33, v33  }
0x2f0: {  	v10 =	vld [tilespmem:s9+$0x20]  }
0x2f1: {  	v32 =	vsub.f32 v12, v4;
	v12 =	vld [tilespmem:s9+$0x30];
	v4 =	vadd.f32 v6, v5;
	v5 =	vmul.f32 v34, v34  }
0x2f2: {  	v6 =	vld [tilespmem:s2+$0x30]  }
0x2f3: {  	v31 =	vsub.f32 v7, v8;
	v4 =	vadd.f32 v5, v4;
	v5 =	vmul.f32 v32, v32;
	_ =	sdelay $0x1  }
0x2f4: {  	v11 =	vsub.f32 v9, v10;
	v4 =	vadd.f32 v5, v4;
	v5 =	vmul.f32 v31, v31;
	_ =	sdelay $0x1  }
0x2f5: {  	v7 =	vmul.f32 v11, v11;
	v26 =	vsub.f32 v6, v12;
	v4 =	vadd.f32 v5, v4  }
0x2f6: {  	s24 =	simm.s32 $0xEF40  }
0x2f7: {  	v13 =	vld [tilespmem:s24+$0xFFFFFFE0];
	v5 =	vmul.f32 v26, v26;
	v4 =	vadd.f32 v7, v4  }
0x2f8: {  	v8 =	vld [tilespmem:s24+$0xFFFFFFC0]  }
0x2f9: {  	s23 =	simm.s32 $0x7740;
	v9 =	vld [tilespmem:s24+$0xFFFFFFD0];
	v4 =	vadd.f32 v5, v4  }
0x2fa: {  	v7 =	vld [tilespmem:s23+$0xFFFFFFC0]  }
0x2fb: {  	v5 =	vld [tilespmem:s23+$0xFFFFFFD0];
	v10 =	vperm.xlane v4, v0  }
0x2fc: {  	v14 =	vld [tilespmem:s23+$0xFFFFFFF0]  }
0x2fd: {  	v12 =	vld [tilespmem:s23+$0xFFFFFFE0];
	v10 =	vadd.f32 v4, v10  }
0x2fe: {  	v15 =	vld [tilespmem:s24+$0xFFFFFFF0]  }
0x2ff: {  	v17 =	vld [tilespmem:s24+$0x0];
	v16 =	vperm.xlane v10, v1  }
0x300: {  	v18 =	vld [tilespmem:s24+$0x10];
	v7 =	vsub.f32 v7, v8;
	v4 =	vsub.f32 v5, v9  }
0x301: {  	v6 =	vld [tilespmem:s23+$0x0];
	v10 =	vadd.f32 v10, v16  }
0x302: {  	v8 =	vld [tilespmem:s23+$0x20];
	v5 =	vsub.f32 v12, v13;
	v12 =	vmul.f32 v7, v7;
	v13 =	vmul.f32 v4, v4  }
0x303: {  	v16 =	vld [tilespmem:s23+$0x10];
	v19 =	vperm.xlane v10, v2  }
0x304: {  	v9 =	vsub.f32 v14, v15;
	v14 =	vld [tilespmem:s24+$0x20];
	v12 =	vadd.f32 v13, v12;
	v13 =	vmul.f32 v5, v5  }
0x305: {  	v15 =	vld [tilespmem:s23+$0x30];
	v19 =	vadd.f32 v10, v19  }
0x306: {  	v6 =	vsub.f32 v6, v17;
	v10 =	vadd.f32 v13, v12;
	v12 =	vmul.f32 v9, v9;
	v13 =	vld [tilespmem:s24+$0x30]  }
0x307: {  	v17 =	vperm.xlane v19, v3  }
0x308: {  	v20 =	vmul.f32 v6, v6;
	v12 =	vadd.f32 v12, v10;
	v10 =	vsub.f32 v16, v18  }
0x309: {  	v16 =	vadd.f32 v19, v17  }
0x30a: {  	v8 =	vsub.f32 v8, v14;
	v12 =	vadd.f32 v20, v12;
	v14 =	vmul.f32 v10, v10  }
0x30b: {  	s25 =	simm.s32 $0x77C0;
	v17 =	vsub.f32 v15, v13;
	v19 =	vmax.f32 v16, $1.000000000e-30  }
0x30c: {  	v21 =	vld [tilespmem:s25+$0xFFFFFFD0];
	v13 =	vmul.f32 v8, v8;
	v12 =	vadd.f32 v14, v12;
	v14 =	vshra.s32 v19, $0x1  }
0x30d: {  	v22 =	vld [tilespmem:s25+$0xFFFFFFE0];
	v16 =	vmul.f32 v17, v17;
	v14 =	vsub.s32 $0x5F3759DF, v14  }
0x30e: {  	s29 =	simm.s32 $0xEFC0;
	v15 =	vld [tilespmem:s25+$0xFFFFFFC0];
	v18 =	vmul.f32 $5.000000000e-01, v19;
	v12 =	vadd.f32 v13, v12;
	v20 =	vmul.f32 v14, v14  }
0x30f: {  	v13 =	vld [tilespmem:s29+$0xFFFFFFC0]  }
0x310: {  	v12 =	vadd.f32 v16, v12;
	v16 =	vld [tilespmem:s29+$0xFFFFFFD0];
	v20 =	vmul.f32 v20, v18  }
0x311: {  	v23 =	vld [tilespmem:s29+$0xFFFFFFE0]  }
0x312: {  	v25 =	vld [tilespmem:s25+$0xFFFFFFF0];
	v24 =	vperm.xlane v12, v0;
	v20 =	vsub.f32 $1.500000000e+00, v20  }
0x313: {  	v27 =	vld [tilespmem:s29+$0xFFFFFFF0]  }
0x314: {  	v12 =	vadd.f32 v12, v24;
	v20 =	vmul.f32 v14, v20  }
0x315: {  	v15 =	vsub.f32 v15, v13;
	v24 =	vld [tilespmem:s25+$0x0];
	v13 =	vsub.f32 v21, v16  }
0x316: {  	v16 =	vld [tilespmem:s29+$0x0];
	v21 =	vperm.xlane v12, v1;
	v28 =	vmul.f32 v20, v20  }
0x317: {  	v30 =	vld [tilespmem:s25+$0x10];
	v14 =	vsub.f32 v22, v23;
	v22 =	vmul.f32 v15, v15;
	v23 =	vmul.f32 v13, v13  }
0x318: {  	v21 =	vadd.f32 v12, v21;
	v12 =	vsub.f32 v25, v27;
	v25 =	vld [tilespmem:s29+$0x10];
	v18 =	vmul.f32 v28, v18  }
0x319: {  	v29 =	vld [tilespmem:s25+$0x20];
	v22 =	vadd.f32 v23, v22;
	v23 =	vmul.f32 v14, v14  }
0x31a: {  	v28 =	vld [tilespmem:s29+$0x20];
	v27 =	vperm.xlane v21, v2;
	v18 =	vsub.f32 $1.500000000e+00, v18  }
0x31b: {  	v16 =	vsub.f32 v24, v16;
	v22 =	vadd.f32 v23, v22;
	v23 =	vmul.f32 v12, v12  }
0x31c: {  	v24 =	vld [tilespmem:s25+$0x30];
	v21 =	vadd.f32 v21, v27;
	v20 =	vmul.f32 v18, v20  }
0x31d: {  	v27 =	vld [tilespmem:s29+$0x30];
	v22 =	vadd.f32 v23, v22;
	v23 =	vmul.f32 v16, v16;
	v18 =	vsub.f32 v30, v25  }
0x31e: {  	v35 =	vperm.xlane v21, v3;
	v41 =	vmul.f32 v20, v19  }
0x31f: {  	v20 =	vadd.f32 v23, v22;
	v19 =	vsub.f32 v29, v28;
	v22 =	vmul.f32 v18, v18  }
0x320: {  	v21 =	vadd.f32 v21, v35  }
0x321: {  	v28 =	vadd.f32 $1.000000000e+00, v41;
	v25 =	vmul.f32 v19, v19;
	v20 =	vadd.f32 v22, v20  }
0x322: {  	s31 =	simm.s32 $0xF040;
	v23 =	vsub.f32 v24, v27;
	v29 =	vmax.f32 v21, $1.000000000e-30  }
0x323: {  	s30 =	simm.s32 $0x7840;
	v54 =	vld [tilespmem:s31+$0xFFFFFFC0];
	v21 =	vsub.s32 $0x7EF311C3, v28;
	v24 =	vshra.s32 v29, $0x1;
	v20 =	vadd.f32 v25, v20  }
0x324: {  	v40 =	vld [tilespmem:s30+$0xFFFFFFD0];
	v25 =	vmul.f32 v23, v23;
	v27 =	vmul.f32 v21, v28;
	v24 =	vsub.s32 $0x5F3759DF, v24  }
0x325: {  	v42 =	vld [tilespmem:s31+$0xFFFFFFE0];
	v38 =	vmul.f32 $5.000000000e-01, v29;
	v39 =	vmul.f32 v24, v24  }
0x326: {  	v20 =	vadd.f32 v25, v20;
	v25 =	vld [tilespmem:s31+$0xFFFFFFD0];
	v27 =	vsub.f32 $2.000000000e+00, v27  }
0x327: {  	v30 =	vld [tilespmem:s30+$0xFFFFFFC0];
	v39 =	vmul.f32 v39, v38  }
0x328: {  	v22 =	vld [tilespmem:s30+$0xFFFFFFE0];
	v27 =	vmul.f32 v21, v27;
	v21 =	vperm.xlane v20, v0  }
0x329: {  	v43 =	vld [tilespmem:s30+$0xFFFFFFF0];
	v39 =	vsub.f32 $1.500000000e+00, v39  }
0x32a: {  	v45 =	vld [tilespmem:s31+$0xFFFFFFF0];
	v44 =	vmul.f32 v27, v28;
	v46 =	vadd.f32 v20, v21  }
0x32b: {  	v47 =	vld [tilespmem:s30+$0x0];
	v20 =	vsub.f32 v40, v25;
	v39 =	vmul.f32 v24, v39  }
0x32c: {  	v55 =	vld [tilespmem:s31+$0x0];
	v21 =	vsub.f32 v30, v54;
	v24 =	vsub.f32 $2.000000000e+00, v44;
	v25 =	vperm.xlane v46, v1  }
0x32d: {  	v22 =	vsub.f32 v22, v42;
	v56 =	vmul.f32 v20, v20;
	v30 =	vmul.f32 v39, v39  }
0x32e: {  	v58 =	vld [tilespmem:s30+$0x10];
	v27 =	vmul.f32 v24, v27;
	v24 =	vmul.f32 v21, v21  }
0x32f: {  	v60 =	vld [tilespmem:s31+$0x10];
	v59 =	vmul.f32 v22, v22;
	v57 =	vadd.f32 v46, v25;
	v30 =	vmul.f32 v30, v38  }
0x330: {  	v62 =	vld [tilespmem:s31+$0x20];
	v25 =	vsub.f32 v43, v45;
	v28 =	vmul.f32 v27, v28;
	v35 =	vadd.f32 v56, v24  }
0x331: {  	v40 =	vld [tilespmem:s30+$0x20];
	v24 =	vsub.f32 v47, v55;
	v61 =	vperm.xlane v57, v2;
	v30 =	vsub.f32 $1.500000000e+00, v30  }
0x332: {  	s10 =	simm.s32 $0x2670;
	v52 =	vld [tilespmem:s30+$0x30];
	v63 =	vmul.f32 v25, v25;
	v28 =	vsub.f32 $2.000000000e+00, v28;
	v35 =	vadd.f32 v59, v35  }
0x333: {  	v48 =	vmov s10;
	v53 =	vld [tilespmem:s31+$0x30];
	v42 =	vadd.f32 v57, v61;
	v39 =	vmul.f32 v30, v39  }
0x334: {  	v54 =	vmul.f32 v24, v24;
	v30 =	vmul.f32 v28, v27;
	v28 =	vadd.f32 v63, v35  }
0x335: {  	v55 =	vperm.xlane v42, v3;
	v27 =	vsub.f32 v58, v60;
	v29 =	vmul.f32 v39, v29  }
0x336: {  	v56 =	vmul.f32 v30, v26;
	v57 =	vadd.f32 v54, v28;
	v26 =	vsub.f32 v40, v62  }
0x337: {  	s15 =	simm.s32 $0x78C0;
	v58 =	vmul.f32 v27, v27;
	v42 =	vadd.f32 v42, v55;
	v35 =	vadd.f32 $1.000000000e+00, v29  }
0x338: {  	s17 =	simm.s32 $0xF0C0;
	v38 =	vld [tilespmem:s15+$0x0];
	v28 =	vsub.f32 v52, v53;
	v59 =	vmul.f32 v30, v37;
	v46 =	vmul.f32 v26, v26  }
0x339: {  	v47 =	vld [tilespmem:s17+$0xFFFFFFC0];
	v43 =	vadd.f32 v58, v57;
	v37 =	vmax.f32 v42, $1.000000000e-30;
	v60 =	vsub.s32 $0x7EF311C3, v35  }
0x33a: {  	v39 =	vld [tilespmem:s17+$0x0];
	v50 =	vmul.f32 v30, v36;
	v61 =	vshra.s32 v37, $0x1;
	v49 =	vmul.f32 v60, v35  }
0x33b: {  	s10 =	simm.s32 $0x166C0;
	[tilespmem:v48+s19+$0x0] =	vst.idx.msk $0x1, v41;
	v40 =	vld [tilespmem:s15+$0xFFFFFFE0];
	v62 =	vmul.f32 v28, v28;
	v46 =	vadd.f32 v46, v43;
	v43 =	vsub.s32 $0x5F3759DF, v61  }
0x33c: {  	v36 =	vld [tilespmem:s15+$0xFFFFFFC0];
	[tilespmem:s10+$0x30] =	vst v56;
	v41 =	vmul.f32 $5.000000000e-01, v37;
	v63 =	vmul.f32 v43, v43;
	v51 =	vsub.f32 $2.000000000e+00, v49  }
0x33d: {  	v33 =	vmul.f32 v30, v33;
	v54 =	vmul.f32 v30, v34;
	v34 =	vld [tilespmem:s17+$0xFFFFFFD0];
	[tilespmem:s10+$0xFFFFFFC0] =	vst v59;
	v48 =	vadd.f32 v62, v46  }
0x33e: {  	[tilespmem:s10+$0xFFFFFFD0] =	vst v50;
	v49 =	vld [tilespmem:s15+$0xFFFFFFD0];
	v45 =	vmul.f32 v63, v41;
	v42 =	vmul.f32 v60, v51  }
0x33f: {  	s14 =	simm.s32 $0x2671;
	s13 =	simm.s32 $0x2672;
	v53 =	vld [tilespmem:s17+$0xFFFFFFE0];
	v44 =	vmul.f32 v30, v32;
	[tilespmem:s10+$0xFFFFFFE0] =	vst v33;
	v52 =	vperm.xlane v48, v0  }
0x340: {  	s9 =	simm.s32 $0x2673;
	s2 =	simm.s32 $0x2674;
	s23 =	simm.s32 $0x2675;
	[tilespmem:s10+$0xFFFFFFF0] =	vst v54;
	v51 =	vld [tilespmem:s15+$0xFFFFFFF0];
	v50 =	vsub.f32 $1.500000000e+00, v45;
	v45 =	vmul.f32 v30, v31;
	v46 =	vmul.f32 v42, v35  }
.LBB2_10:
0x341: {  	p0 =	sne.s32 s23, $0x26BF;
	v33 =	vld [tilespmem:s17+$0xFFFFFFF0];
	v48 =	vadd.f32 v48, v52;
	[tilespmem:s10+$0x0] =	vst v44;
	v11 =	vmul.f32 v30, v11;
	v44 =	vmovc v12;
	v12 =	vmov v25  }
0x342: {  	v31 =	vsub.f32 v38, v39;
	v32 =	vmovc v10;
	v30 =	vmul.f32 v43, v50;
	v25 =	vsub.f32 $2.000000000e+00, v46;
	[tilespmem:s10+$0x10] =	vst v45  }
0x343: {  	v36 =	vsub.f32 v36, v47;
	v34 =	vsub.f32 v49, v34;
	v38 =	vperm.xlane v48, v1;
	[tilespmem:s10+$0x20] =	vst v11  }
0x344: {  	v10 =	vmovc v18;
	v45 =	vsub.f32 v40, v53;
	v46 =	vmul.f32 v30, v30;
	v39 =	vmul.f32 v25, v42  }
0x345: {  	v18 =	vmovc v27;
	v40 =	vmul.f32 v36, v36;
	v42 =	vmul.f32 v34, v34;
	v43 =	vld [tilespmem:s15+$0x20];
	v38 =	vadd.f32 v48, v38  }
0x346: {  	v11 =	vmovc v8;
	v25 =	vsub.f32 v51, v33;
	v27 =	vld [tilespmem:s15+$0x10];
	v33 =	vmul.f32 v46, v41;
	v35 =	vmul.f32 v39, v35  }
0x347: {  	v8 =	vmovc v19;
	v41 =	vmul.f32 v45, v45;
	v40 =	vadd.f32 v42, v40;
	v42 =	vld [tilespmem:s17+$0x10];
	v46 =	vperm.xlane v38, v2  }
0x348: {  	v48 =	vmov s14;
	v19 =	vmovc v26;
	s14 =	smov.u32 s13;
	s13 =	smov.u32 s9;
	s9 =	smov.u32 s2;
	v47 =	vld [tilespmem:s17+$0x20];
	v33 =	vsub.f32 $1.500000000e+00, v33;
	v35 =	vsub.f32 $2.000000000e+00, v35  }
0x349: {  	s2 =	smov.u32 s23;
	v26 =	vadd.f32 v41, v40;
	v40 =	vmul.f32 v25, v25;
	v41 =	vld [tilespmem:s15+$0x30];
	v38 =	vadd.f32 v38, v46  }
0x34a: {  	v46 =	vld [tilespmem:s17+$0x30];
	v33 =	vmul.f32 v33, v30;
	v30 =	vmul.f32 v35, v39  }
0x34b: {  	v35 =	vmul.f32 v31, v31;
	v26 =	vadd.f32 v40, v26;
	v39 =	vperm.xlane v38, v3  }
0x34c: {  	v27 =	vsub.f32 v27, v42;
	v33 =	vmul.f32 v33, v37;
	v37 =	vmul.f32 v30, v17;
	v17 =	vmovc v23  }
0x34d: {  	s10 =	sadd.s32 $0x80, s10;
	v23 =	vmov v28;
	v40 =	vadd.f32 v35, v26;
	v26 =	vsub.f32 v43, v47;
	[tilespmem:v48+s19+$0x0] =	vst.idx.msk $0x1, v29  }
0x34e: {  	s15 =	sadd.s32 $0x80, s15;
	v43 =	vadd.f32 v38, v39;
	v42 =	vmul.f32 v27, v27;
	v35 =	vadd.f32 $1.000000000e+00, v33;
	[tilespmem:s10+$0x30] =	vst v37;
	v29 =	vmovc v33  }
0x34f: {  	s17 =	sadd.s32 $0x80, s17;
	v38 =	vld [tilespmem:s15+$0x0];
	v33 =	vmul.f32 v26, v26;
	v28 =	vsub.f32 v41, v46;
	v41 =	vmul.f32 v30, v7;
	v7 =	vmovc v15  }
0x350: {  	v37 =	vmax.f32 v43, $1.000000000e-30;
	v15 =	vmovc v21;
	v21 =	vmovc v36;
	v39 =	vld [tilespmem:s17+$0x0];
	v42 =	vadd.f32 v42, v40;
	v46 =	vsub.s32 $0x7EF311C3, v35  }
0x351: {  	v49 =	vmul.f32 v30, v4;
	v4 =	vmovc v13;
	v43 =	vshra.s32 v37, $0x1;
	v40 =	vld [tilespmem:s15+$0xFFFFFFE0];
	v48 =	vmul.f32 v46, v35;
	[tilespmem:s10+$0xFFFFFFC0] =	vst v41  }
0x352: {  	v13 =	vmovc v20;
	v20 =	vmovc v34;
	v43 =	vsub.s32 $0x5F3759DF, v43;
	v36 =	vld [tilespmem:s15+$0xFFFFFFC0];
	v33 =	vadd.f32 v33, v42;
	v42 =	vmul.f32 v28, v28  }
.Ltmp4:
0x353: {  	v41 =	vmul.f32 $5.000000000e-01, v37;
	v50 =	vmul.f32 v43, v43;
	v47 =	vld [tilespmem:s17+$0xFFFFFFC0];
	v51 =	vsub.f32 $2.000000000e+00, v48;
	[tilespmem:s10+$0xFFFFFFD0] =	vst v49;
	(pc) =	sbr.rel @p0 .LBB2_10-.Ltmp4, $4  }
0x354: {  	v54 =	vmul.f32 v30, v9;
	v49 =	vld [tilespmem:s15+$0xFFFFFFD0];
	v48 =	vadd.f32 v42, v33;
	v33 =	vmul.f32 v30, v5;
	v5 =	vmovc v14  }
0x355: {  	v9 =	vmovc v44;
	v50 =	vmul.f32 v50, v41;
	v14 =	vmovc v22;
	v22 =	vmov v45;
	v34 =	vld [tilespmem:s17+$0xFFFFFFD0];
	v42 =	vmul.f32 v46, v51  }
0x356: {  	v44 =	vmul.f32 v30, v6;
	v6 =	vmovc v16;
	v16 =	vmov v24;
	v53 =	vld [tilespmem:s17+$0xFFFFFFE0];
	v52 =	vperm.xlane v48, v0;
	[tilespmem:s10+$0xFFFFFFE0] =	vst v33  }
0x357: {  	s23 =	sadd.s32 $0x1, s23;
	v24 =	vmovc v31;
	v45 =	vmul.f32 v30, v32;
	v50 =	vsub.f32 $1.500000000e+00, v50;
	v51 =	vld [tilespmem:s15+$0xFFFFFFF0];
	v46 =	vmul.f32 v42, v35;
	[tilespmem:s10+$0xFFFFFFF0] =	vst v54  }
0x358: {  	_ = 	snop  }
0x359: {  	v54 =	vld [tilespmem:s17+$0xFFFFFFF0]  }
0x35a: {  	v33 =	vsub.f32 v36, v47;
	v32 =	vsub.f32 v49, v34;
	_ =	sdelay $0x1  }
0x35b: {  	v47 =	vld [tilespmem:s15+$0x10];
	v36 =	vmul.f32 v33, v33;
	v31 =	vsub.f32 v40, v53;
	v61 =	vmul.f32 v32, v32  }
0x35c: {  	v62 =	vld [tilespmem:s17+$0x10]  }
0x35d: {  	v57 =	vld [tilespmem:s17+$0x20];
	v34 =	vsub.f32 v51, v54;
	v63 =	vmul.f32 v31, v31;
	v40 =	vadd.f32 v61, v36  }
0x35e: {  	v53 =	vld [tilespmem:s15+$0x20]  }
0x35f: {  	v60 =	vld [tilespmem:s15+$0x30];
	v36 =	vsub.f32 v38, v39;
	v59 =	vmul.f32 v34, v34;
	v58 =	vadd.f32 v63, v40  }
0x360: {  	v61 =	vld [tilespmem:s17+$0x30]  }
0x361: {  	v38 =	vsub.f32 v47, v62;
	v62 =	vmul.f32 v36, v36;
	v39 =	vadd.f32 v59, v58  }
0x362: {  	v48 =	vadd.f32 v48, v52  }
0x363: {  	v49 =	vmul.f32 v38, v38;
	v47 =	vadd.f32 v62, v39;
	v39 =	vsub.f32 v53, v57  }
0x364: {  	v55 =	vperm.xlane v48, v1  }
0x365: {  	v40 =	vsub.f32 v60, v61;
	v63 =	vmul.f32 v39, v39;
	v47 =	vadd.f32 v49, v47  }
0x366: {  	v48 =	vadd.f32 v48, v55  }
0x367: {  	v51 =	vmul.f32 v40, v40;
	v47 =	vadd.f32 v63, v47  }
0x368: {  	v49 =	vperm.xlane v48, v2  }
0x369: {  	v47 =	vadd.f32 v51, v47  }
0x36a: {  	v48 =	vadd.f32 v48, v49  }
0x36b: {  	v51 =	vperm.xlane v47, v0  }
0x36c: {  	v49 =	vperm.xlane v48, v3  }
0x36d: {  	v47 =	vadd.f32 v47, v51  }
0x36e: {  	v48 =	vadd.f32 v48, v49  }
0x36f: {  	v51 =	vperm.xlane v47, v1  }
0x370: {  	v43 =	vmul.f32 v43, v50;
	v48 =	vmax.f32 v48, $1.000000000e-30  }
0x371: {  	v56 =	vshra.s32 v48, $0x1;
	v47 =	vadd.f32 v47, v51  }
0x372: {  	v58 =	vmul.f32 v43, v43;
	v59 =	vmul.f32 $5.000000000e-01, v48;
	v49 =	vsub.s32 $0x5F3759DF, v56  }
0x373: {  	v60 =	vmul.f32 v49, v49;
	v57 =	vperm.xlane v47, v2  }
0x374: {  	v41 =	vmul.f32 v58, v41  }
0x375: {  	v61 =	vmul.f32 v60, v59;
	v47 =	vadd.f32 v47, v57  }
0x376: {  	v41 =	vsub.f32 $1.500000000e+00, v41  }
0x377: {  	v50 =	vsub.f32 $1.500000000e+00, v61;
	v62 =	vperm.xlane v47, v3  }
0x378: {  	v41 =	vmul.f32 v41, v43  }
0x379: {  	v63 =	vmul.f32 v49, v50;
	v47 =	vadd.f32 v47, v62  }
0x37a: {  	v37 =	vmul.f32 v41, v37  }
0x37b: {  	v46 =	vsub.f32 $2.000000000e+00, v46;
	v49 =	vmul.f32 v63, v63;
	v47 =	vmax.f32 v47, $1.000000000e-30  }
0x37c: {  	v50 =	vadd.f32 $1.000000000e+00, v37;
	v56 =	vshra.s32 v47, $0x1  }
0x37d: {  	v42 =	vmul.f32 v46, v42;
	v49 =	vmul.f32 v49, v59;
	v41 =	vsub.s32 $0x5F3759DF, v56  }
0x37e: {  	v59 =	vsub.s32 $0x7EF311C3, v50;
	v57 =	vmul.f32 $5.000000000e-01, v47;
	v58 =	vmul.f32 v41, v41  }
0x37f: {  	v60 =	vmul.f32 v59, v50  }
0x380: {  	v35 =	vmul.f32 v42, v35;
	v53 =	vmul.f32 v58, v57  }
0x381: {  	v49 =	vsub.f32 $1.500000000e+00, v49;
	v46 =	vsub.f32 $2.000000000e+00, v60  }
0x382: {  	v35 =	vsub.f32 $2.000000000e+00, v35;
	v53 =	vsub.f32 $1.500000000e+00, v53  }
0x383: {  	v43 =	vmul.f32 v49, v63;
	v46 =	vmul.f32 v59, v46  }
0x384: {  	v35 =	vmul.f32 v35, v42;
	v61 =	vmov s14;
	v41 =	vmul.f32 v41, v53  }
0x385: {  	v43 =	vmul.f32 v43, v48;
	v63 =	vmul.f32 v46, v50  }
0x386: {  	v11 =	vmul.f32 v30, v11;
	v62 =	vmul.f32 v41, v41  }
0x387: {  	[tilespmem:s10+$0x0] =	vst v44;
	v17 =	vmul.f32 v35, v17;
	v56 =	vadd.f32 $1.000000000e+00, v43;
	v42 =	vsub.f32 $2.000000000e+00, v63  }
0x388: {  	[tilespmem:s10+$0x20] =	vst v11;
	v7 =	vmul.f32 v35, v7;
	v30 =	vmul.f32 v62, v57  }
0x389: {  	s30 =	sadd.s32 $0x80, s10;
	v4 =	vmul.f32 v35, v4;
	[tilespmem:v61+s19+$0x0] =	vst.idx.msk $0x1, v29;
	v29 =	vmul.f32 v42, v46;
	v57 =	vsub.s32 $0x7EF311C3, v56  }
0x38a: {  	v5 =	vmul.f32 v35, v5;
	[tilespmem:s30+$0x30] =	vst v17;
	v11 =	vmul.f32 v57, v56;
	v30 =	vsub.f32 $1.500000000e+00, v30  }
0x38b: {  	[tilespmem:s30+$0xFFFFFFC0] =	vst v7;
	v7 =	vmul.f32 v35, v9;
	v9 =	vmul.f32 v29, v50  }
0x38c: {  	[tilespmem:s30+$0xFFFFFFD0] =	vst v4;
	v11 =	vsub.f32 $2.000000000e+00, v11;
	v17 =	vmul.f32 v30, v41  }
0x38d: {  	[tilespmem:s30+$0xFFFFFFE0] =	vst v5;
	v5 =	vmul.f32 v35, v6;
	v6 =	vsub.f32 $2.000000000e+00, v9  }
0x38e: {  	[tilespmem:s30+$0xFFFFFFF0] =	vst v7;
	v9 =	vmov s13;
	v4 =	vmul.f32 v57, v11;
	v11 =	vmul.f32 v17, v47  }
0x38f: {  	v7 =	vmul.f32 v35, v10;
	[tilespmem:s30+$0x0] =	vst v5;
	v5 =	vmul.f32 v35, v8  }
0x390: {  	[tilespmem:s10+$0x10] =	vst v45;
	v6 =	vmul.f32 v6, v29;
	v10 =	vmul.f32 v4, v56;
	v17 =	vadd.f32 $1.000000000e+00, v11  }
0x391: {  	[tilespmem:s30+$0x10] =	vst v7  }
0x392: {  	[tilespmem:s30+$0x20] =	vst v5;
	v5 =	vmul.f32 v6, v23;
	v7 =	vsub.f32 $2.000000000e+00, v10;
	v8 =	vsub.s32 $0x7EF311C3, v17  }
0x393: {  	s10 =	sadd.s32 $0x80, s30;
	[tilespmem:v9+s19+$0x0] =	vst.idx.msk $0x1, v37;
	v9 =	vmul.f32 v6, v15;
	v10 =	vmul.f32 v8, v17  }
0x394: {  	[tilespmem:s10+$0x30] =	vst v5;
	v5 =	vmul.f32 v6, v13;
	v4 =	vmul.f32 v7, v4  }
0x395: {  	[tilespmem:s10+$0xFFFFFFC0] =	vst v9;
	v9 =	vmul.f32 v6, v14;
	v7 =	vsub.f32 $2.000000000e+00, v10  }
0x396: {  	[tilespmem:s10+$0xFFFFFFD0] =	vst v5;
	v5 =	vmul.f32 v6, v12;
	v10 =	vmul.f32 v4, v56  }
0x397: {  	[tilespmem:s10+$0xFFFFFFE0] =	vst v9;
	v7 =	vmul.f32 v8, v7  }
0x398: {  	[tilespmem:s10+$0xFFFFFFF0] =	vst v5;
	v5 =	vmul.f32 v6, v18;
	v9 =	vsub.f32 $2.000000000e+00, v10;
	v10 =	vmov s9  }
0x399: {  	v8 =	vmul.f32 v6, v16;
	v12 =	vmul.f32 v7, v17  }
0x39a: {  	[tilespmem:s10+$0x10] =	vst v5;
	v6 =	vmul.f32 v6, v19;
	v4 =	vmul.f32 v9, v4  }
0x39b: {  	[tilespmem:s10+$0x0] =	vst v8;
	v5 =	vsub.f32 $2.000000000e+00, v12  }
0x39c: {  	[tilespmem:s10+$0x20] =	vst v6;
	v6 =	vmul.f32 v4, v28  }
0x39d: {  	s31 =	sadd.s32 $0x80, s10;
	v8 =	vmul.f32 v4, v21;
	[tilespmem:v10+s19+$0x0] =	vst.idx.msk $0x1, v43;
	v5 =	vmul.f32 v5, v7  }
0x39e: {  	v9 =	vmov s2;
	[tilespmem:s31+$0x30] =	vst v6;
	v6 =	vmul.f32 v4, v20  }
0x39f: {  	[tilespmem:s31+$0xFFFFFFC0] =	vst v8;
	v7 =	vmul.f32 v4, v22;
	v8 =	vmul.f32 v5, v17  }
0x3a0: {  	[tilespmem:s31+$0xFFFFFFD0] =	vst v6;
	v6 =	vmul.f32 v4, v25  }
0x3a1: {  	[tilespmem:s31+$0xFFFFFFE0] =	vst v7;
	v8 =	vsub.f32 $2.000000000e+00, v8  }
0x3a2: {  	v7 =	vmul.f32 v4, v24;
	[tilespmem:s31+$0xFFFFFFF0] =	vst v6;
	v6 =	vmul.f32 v4, v27  }
0x3a3: {  	[tilespmem:v9+s19+$0x0] =	vst.idx.msk $0x1, v11;
	v4 =	vmul.f32 v4, v26;
	v5 =	vmul.f32 v8, v5  }
0x3a4: {  	[tilespmem:s31+$0x0] =	vst v7  }
0x3a5: {  	[tilespmem:s31+$0x20] =	vst v4;
	v4 =	vmul.f32 v5, v40  }
0x3a6: {  	s10 =	sadd.s32 $0x80, s31;
	[tilespmem:s31+$0x10] =	vst v6;
	v6 =	vmul.f32 v5, v33  }
0x3a7: {  	[tilespmem:s10+$0x30] =	vst v4;
	v4 =	vmul.f32 v5, v32  }
0x3a8: {  	[tilespmem:s10+$0xFFFFFFC0] =	vst v6;
	v6 =	vmul.f32 v5, v31  }
0x3a9: {  	[tilespmem:s10+$0xFFFFFFD0] =	vst v4;
	v4 =	vmul.f32 v5, v34  }
0x3aa: {  	[tilespmem:s10+$0xFFFFFFE0] =	vst v6;
	v6 =	vmul.f32 v5, v36  }
0x3ab: {  	[tilespmem:s10+$0xFFFFFFF0] =	vst v4;
	v4 =	vmul.f32 v5, v38  }
0x3ac: {  	[tilespmem:s10+$0x0] =	vst v6;
	v5 =	vmul.f32 v5, v39  }
0x3ad: {  	[tilespmem:s10+$0x10] =	vst v4  }
0x3ae: {  	[tilespmem:s10+$0x20] =	vst v5  }
0x3af: {  	s2 =	rddreg [dreg:$0x8]  }
0x3b0: {  	[hbm4b:s2+s4] =	stream.linear.scatter [tilespmem:s21], [sflag:$0x9], $0x2800, $0x38;
	[tilespmem:$0x1DE80] =	vst v63  }
0x3b1: {  	_ =	swait.ge [sflag:s26], $0x1400  }
0x3b2: {  	[sflag:s26] =	ssyncset.done $0x0  }
0x3b3: {  	[sflag:s26] =	ssyncadd.s32 $0xFFFFEC00  }
0x3b4: {  	_ =	swait.ge [sflag:s11], $0x1400  }
0x3b5: {  	[sflag:s11] =	ssyncset.done $0x0  }
0x3b6: {  	[sflag:s11] =	ssyncadd.s32 $0xFFFFEC00  }
0x3b7: {  	_ =	swait.ge [sflag:s26], $0x1400  }
0x3b8: {  	[sflag:s26] =	ssyncset.done $0x0  }
0x3b9: {  	[sflag:s26] =	ssyncadd.s32 $0xFFFFEC00  }
0x3ba: {  	_ =	swait.ge [sflag:s11], $0x1400  }
0x3bb: {  	[sflag:s11] =	ssyncset.done $0x0  }
0x3bc: {  	s24 =	simm.s32 $0xA;
	[sflag:s11] =	ssyncadd.s32 $0xFFFFEC00  }
0x3bd: {  	_ =	swait.ge [sflag:s24], $0x2800  }
0x3be: {  	[sflag:s24] =	ssyncset.done $0x0  }
0x3bf: {  	s13 =	simm.s32 $0x9EC0;
	[sflag:s24] =	ssyncadd.s32 $0xFFFFD800  }
0x3c0: {  	s14 =	simm.s32 $0x116C0;
	v4 =	vld [tilespmem:s13+$0xFFFFFFC0]  }
0x3c1: {  	v5 =	vld [tilespmem:s14+$0xFFFFFFC0]  }
0x3c2: {  	v6 =	vld [tilespmem:s13+$0xFFFFFFD0]  }
0x3c3: {  	v7 =	vld [tilespmem:s14+$0xFFFFFFD0]  }
0x3c4: {  	v8 =	vld [tilespmem:s13+$0xFFFFFFE0]  }
0x3c5: {  	v9 =	vld [tilespmem:s14+$0xFFFFFFE0]  }
0x3c6: {  	v10 =	vld [tilespmem:s13+$0xFFFFFFF0]  }
0x3c7: {  	v11 =	vld [tilespmem:s14+$0xFFFFFFF0]  }
0x3c8: {  	v12 =	vld [tilespmem:s13+$0x0];
	v37 =	vsub.f32 v4, v5;
	v36 =	vsub.f32 v6, v7  }
0x3c9: {  	v4 =	vld [tilespmem:s14+$0x0]  }
0x3ca: {  	v33 =	vsub.f32 v8, v9;
	v7 =	vld [tilespmem:s13+$0x10];
	v5 =	vmul.f32 v37, v37;
	v6 =	vmul.f32 v36, v36  }
0x3cb: {  	v8 =	vld [tilespmem:s14+$0x10]  }
0x3cc: {  	v9 =	vld [tilespmem:s13+$0x20];
	v34 =	vsub.f32 v10, v11;
	v5 =	vadd.f32 v6, v5;
	v6 =	vmul.f32 v33, v33  }
0x3cd: {  	v10 =	vld [tilespmem:s14+$0x20]  }
0x3ce: {  	v32 =	vsub.f32 v12, v4;
	v12 =	vld [tilespmem:s14+$0x30];
	v4 =	vadd.f32 v6, v5;
	v5 =	vmul.f32 v34, v34  }
0x3cf: {  	v6 =	vld [tilespmem:s13+$0x30]  }
0x3d0: {  	v31 =	vsub.f32 v7, v8;
	v4 =	vadd.f32 v5, v4;
	v5 =	vmul.f32 v32, v32;
	_ =	sdelay $0x1  }
0x3d1: {  	v11 =	vsub.f32 v9, v10;
	v4 =	vadd.f32 v5, v4;
	v5 =	vmul.f32 v31, v31;
	_ =	sdelay $0x1  }
0x3d2: {  	v7 =	vmul.f32 v11, v11;
	v26 =	vsub.f32 v6, v12;
	v4 =	vadd.f32 v5, v4  }
0x3d3: {  	s17 =	simm.s32 $0x11740  }
0x3d4: {  	v13 =	vld [tilespmem:s17+$0xFFFFFFE0];
	v5 =	vmul.f32 v26, v26;
	v4 =	vadd.f32 v7, v4  }
0x3d5: {  	v8 =	vld [tilespmem:s17+$0xFFFFFFC0]  }
0x3d6: {  	s15 =	simm.s32 $0x9F40;
	v9 =	vld [tilespmem:s17+$0xFFFFFFD0];
	v4 =	vadd.f32 v5, v4  }
0x3d7: {  	v7 =	vld [tilespmem:s15+$0xFFFFFFC0]  }
0x3d8: {  	v5 =	vld [tilespmem:s15+$0xFFFFFFD0];
	v10 =	vperm.xlane v4, v0  }
0x3d9: {  	v14 =	vld [tilespmem:s15+$0xFFFFFFF0]  }
0x3da: {  	v12 =	vld [tilespmem:s15+$0xFFFFFFE0];
	v10 =	vadd.f32 v4, v10  }
0x3db: {  	v15 =	vld [tilespmem:s17+$0xFFFFFFF0]  }
0x3dc: {  	v17 =	vld [tilespmem:s17+$0x0];
	v16 =	vperm.xlane v10, v1  }
0x3dd: {  	v18 =	vld [tilespmem:s17+$0x10];
	v7 =	vsub.f32 v7, v8;
	v4 =	vsub.f32 v5, v9  }
0x3de: {  	v6 =	vld [tilespmem:s15+$0x0];
	v10 =	vadd.f32 v10, v16  }
0x3df: {  	v8 =	vld [tilespmem:s15+$0x20];
	v5 =	vsub.f32 v12, v13;
	v12 =	vmul.f32 v7, v7;
	v13 =	vmul.f32 v4, v4  }
0x3e0: {  	v16 =	vld [tilespmem:s15+$0x10];
	v19 =	vperm.xlane v10, v2  }
0x3e1: {  	v9 =	vsub.f32 v14, v15;
	v14 =	vld [tilespmem:s17+$0x20];
	v12 =	vadd.f32 v13, v12;
	v13 =	vmul.f32 v5, v5  }
0x3e2: {  	v15 =	vld [tilespmem:s15+$0x30];
	v19 =	vadd.f32 v10, v19  }
0x3e3: {  	v6 =	vsub.f32 v6, v17;
	v10 =	vadd.f32 v13, v12;
	v12 =	vmul.f32 v9, v9;
	v13 =	vld [tilespmem:s17+$0x30]  }
0x3e4: {  	v17 =	vperm.xlane v19, v3  }
0x3e5: {  	v20 =	vmul.f32 v6, v6;
	v12 =	vadd.f32 v12, v10;
	v10 =	vsub.f32 v16, v18  }
0x3e6: {  	v16 =	vadd.f32 v19, v17  }
0x3e7: {  	v8 =	vsub.f32 v8, v14;
	v12 =	vadd.f32 v20, v12;
	v14 =	vmul.f32 v10, v10  }
0x3e8: {  	s23 =	simm.s32 $0x9FC0;
	v17 =	vsub.f32 v15, v13;
	v19 =	vmax.f32 v16, $1.000000000e-30  }
0x3e9: {  	v21 =	vld [tilespmem:s23+$0xFFFFFFD0];
	v13 =	vmul.f32 v8, v8;
	v12 =	vadd.f32 v14, v12;
	v14 =	vshra.s32 v19, $0x1  }
0x3ea: {  	v22 =	vld [tilespmem:s23+$0xFFFFFFE0];
	v16 =	vmul.f32 v17, v17;
	v14 =	vsub.s32 $0x5F3759DF, v14  }
0x3eb: {  	s25 =	simm.s32 $0x117C0;
	v15 =	vld [tilespmem:s23+$0xFFFFFFC0];
	v18 =	vmul.f32 $5.000000000e-01, v19;
	v12 =	vadd.f32 v13, v12;
	v20 =	vmul.f32 v14, v14  }
0x3ec: {  	v13 =	vld [tilespmem:s25+$0xFFFFFFC0]  }
0x3ed: {  	v12 =	vadd.f32 v16, v12;
	v16 =	vld [tilespmem:s25+$0xFFFFFFD0];
	v20 =	vmul.f32 v20, v18  }
0x3ee: {  	v23 =	vld [tilespmem:s25+$0xFFFFFFE0]  }
0x3ef: {  	v25 =	vld [tilespmem:s23+$0xFFFFFFF0];
	v24 =	vperm.xlane v12, v0;
	v20 =	vsub.f32 $1.500000000e+00, v20  }
0x3f0: {  	v27 =	vld [tilespmem:s25+$0xFFFFFFF0]  }
0x3f1: {  	v12 =	vadd.f32 v12, v24;
	v20 =	vmul.f32 v14, v20  }
0x3f2: {  	v15 =	vsub.f32 v15, v13;
	v24 =	vld [tilespmem:s23+$0x0];
	v13 =	vsub.f32 v21, v16  }
0x3f3: {  	v16 =	vld [tilespmem:s25+$0x0];
	v21 =	vperm.xlane v12, v1;
	v28 =	vmul.f32 v20, v20  }
0x3f4: {  	v30 =	vld [tilespmem:s23+$0x10];
	v14 =	vsub.f32 v22, v23;
	v22 =	vmul.f32 v15, v15;
	v23 =	vmul.f32 v13, v13  }
0x3f5: {  	v21 =	vadd.f32 v12, v21;
	v12 =	vsub.f32 v25, v27;
	v25 =	vld [tilespmem:s25+$0x10];
	v18 =	vmul.f32 v28, v18  }
0x3f6: {  	v29 =	vld [tilespmem:s23+$0x20];
	v22 =	vadd.f32 v23, v22;
	v23 =	vmul.f32 v14, v14  }
0x3f7: {  	v28 =	vld [tilespmem:s25+$0x20];
	v27 =	vperm.xlane v21, v2;
	v18 =	vsub.f32 $1.500000000e+00, v18  }
0x3f8: {  	v16 =	vsub.f32 v24, v16;
	v22 =	vadd.f32 v23, v22;
	v23 =	vmul.f32 v12, v12  }
0x3f9: {  	v24 =	vld [tilespmem:s23+$0x30];
	v21 =	vadd.f32 v21, v27;
	v20 =	vmul.f32 v18, v20  }
0x3fa: {  	v27 =	vld [tilespmem:s25+$0x30];
	v22 =	vadd.f32 v23, v22;
	v23 =	vmul.f32 v16, v16;
	v18 =	vsub.f32 v30, v25  }
0x3fb: {  	v58 =	vperm.xlane v21, v3;
	v41 =	vmul.f32 v20, v19  }
0x3fc: {  	v20 =	vadd.f32 v23, v22;
	v19 =	vsub.f32 v29, v28;
	v22 =	vmul.f32 v18, v18  }
0x3fd: {  	v21 =	vadd.f32 v21, v58  }
0x3fe: {  	v28 =	vadd.f32 $1.000000000e+00, v41;
	v25 =	vmul.f32 v19, v19;
	v20 =	vadd.f32 v22, v20  }
0x3ff: {  	s30 =	simm.s32 $0x11840;
	v23 =	vsub.f32 v24, v27;
	v29 =	vmax.f32 v21, $1.000000000e-30  }
0x400: {  	s29 =	simm.s32 $0xA040;
	v59 =	vld [tilespmem:s30+$0xFFFFFFC0];
	v21 =	vsub.s32 $0x7EF311C3, v28;
	v24 =	vshra.s32 v29, $0x1;
	v20 =	vadd.f32 v25, v20  }
0x401: {  	v62 =	vld [tilespmem:s29+$0xFFFFFFD0];
	v25 =	vmul.f32 v23, v23;
	v27 =	vmul.f32 v21, v28;
	v24 =	vsub.s32 $0x5F3759DF, v24  }
0x402: {  	v63 =	vld [tilespmem:s30+$0xFFFFFFE0];
	v60 =	vmul.f32 $5.000000000e-01, v29;
	v61 =	vmul.f32 v24, v24  }
0x403: {  	v20 =	vadd.f32 v25, v20;
	v25 =	vld [tilespmem:s30+$0xFFFFFFD0];
	v27 =	vsub.f32 $2.000000000e+00, v27  }
0x404: {  	v30 =	vld [tilespmem:s29+$0xFFFFFFC0];
	v39 =	vmul.f32 v61, v60  }
0x405: {  	v22 =	vld [tilespmem:s29+$0xFFFFFFE0];
	v27 =	vmul.f32 v21, v27;
	v21 =	vperm.xlane v20, v0  }
0x406: {  	v48 =	vld [tilespmem:s29+$0xFFFFFFF0];
	v39 =	vsub.f32 $1.500000000e+00, v39  }
0x407: {  	v50 =	vld [tilespmem:s30+$0xFFFFFFF0];
	v49 =	vmul.f32 v27, v28;
	v51 =	vadd.f32 v20, v21  }
0x408: {  	v52 =	vld [tilespmem:s29+$0x0];
	v20 =	vsub.f32 v62, v25;
	v39 =	vmul.f32 v24, v39  }
0x409: {  	v53 =	vld [tilespmem:s30+$0x0];
	v21 =	vsub.f32 v30, v59;
	v24 =	vsub.f32 $2.000000000e+00, v49;
	v25 =	vperm.xlane v51, v1  }
0x40a: {  	v22 =	vsub.f32 v22, v63;
	v54 =	vmul.f32 v20, v20;
	v30 =	vmul.f32 v39, v39  }
0x40b: {  	v40 =	vld [tilespmem:s29+$0x20];
	v27 =	vmul.f32 v24, v27;
	v24 =	vmul.f32 v21, v21  }
0x40c: {  	v56 =	vld [tilespmem:s29+$0x10];
	v57 =	vmul.f32 v22, v22;
	v55 =	vadd.f32 v51, v25;
	v30 =	vmul.f32 v30, v60  }
0x40d: {  	v58 =	vld [tilespmem:s30+$0x10];
	v25 =	vsub.f32 v48, v50;
	v28 =	vmul.f32 v27, v28;
	v35 =	vadd.f32 v54, v24  }
0x40e: {  	v60 =	vld [tilespmem:s30+$0x20];
	v24 =	vsub.f32 v52, v53;
	v59 =	vperm.xlane v55, v2;
	v30 =	vsub.f32 $1.500000000e+00, v30  }
0x40f: {  	s31 =	simm.s32 $0x26C0;
	v62 =	vld [tilespmem:s29+$0x30];
	v61 =	vmul.f32 v25, v25;
	v28 =	vsub.f32 $2.000000000e+00, v28;
	v35 =	vadd.f32 v57, v35  }
0x410: {  	v63 =	vmov s31;
	v50 =	vld [tilespmem:s30+$0x30];
	v42 =	vadd.f32 v55, v59;
	v39 =	vmul.f32 v30, v39  }
0x411: {  	v51 =	vmul.f32 v24, v24;
	v30 =	vmul.f32 v28, v27;
	v28 =	vadd.f32 v61, v35  }
0x412: {  	v52 =	vperm.xlane v42, v3;
	v27 =	vsub.f32 v56, v58;
	v29 =	vmul.f32 v39, v29  }
0x413: {  	v53 =	vmul.f32 v30, v26;
	v54 =	vadd.f32 v51, v28;
	v26 =	vsub.f32 v40, v60  }
0x414: {  	s15 =	simm.s32 $0xA0C0;
	v55 =	vmul.f32 v27, v27;
	v42 =	vadd.f32 v42, v52;
	v35 =	vadd.f32 $1.000000000e+00, v29  }
0x415: {  	v38 =	vld [tilespmem:s15+$0x0];
	s17 =	simm.s32 $0x118C0;
	v28 =	vsub.f32 v62, v50;
	v56 =	vmul.f32 v30, v37;
	v46 =	vmul.f32 v26, v26  }
0x416: {  	v47 =	vld [tilespmem:s17+$0xFFFFFFC0];
	v43 =	vadd.f32 v55, v54;
	v37 =	vmax.f32 v42, $1.000000000e-30;
	v42 =	vsub.s32 $0x7EF311C3, v35  }
0x417: {  	v49 =	vld [tilespmem:s15+$0xFFFFFFD0];
	v59 =	vmul.f32 v30, v36;
	v57 =	vshra.s32 v37, $0x1;
	v58 =	vmul.f32 v42, v35  }
0x418: {  	s10 =	simm.s32 $0x18EC0;
	[tilespmem:v63+s19+$0x0] =	vst.idx.msk $0x1, v41;
	v39 =	vld [tilespmem:s17+$0x0];
	v60 =	vmul.f32 v28, v28;
	v46 =	vadd.f32 v46, v43;
	v43 =	vsub.s32 $0x5F3759DF, v57  }
0x419: {  	v40 =	vld [tilespmem:s15+$0xFFFFFFE0];
	[tilespmem:s10+$0x30] =	vst v53;
	v41 =	vmul.f32 $5.000000000e-01, v37;
	v61 =	vmul.f32 v43, v43;
	v62 =	vsub.f32 $2.000000000e+00, v58  }
0x41a: {  	v36 =	vld [tilespmem:s15+$0xFFFFFFC0];
	v33 =	vmul.f32 v30, v33;
	v63 =	vmul.f32 v30, v34;
	[tilespmem:s10+$0xFFFFFFC0] =	vst v56;
	v48 =	vadd.f32 v60, v46  }
0x41b: {  	v34 =	vld [tilespmem:s17+$0xFFFFFFD0];
	[tilespmem:s10+$0xFFFFFFD0] =	vst v59;
	v45 =	vmul.f32 v61, v41;
	v42 =	vmul.f32 v42, v62  }
0x41c: {  	s9 =	simm.s32 $0x26C3;
	s2 =	simm.s32 $0x26C4;
	v44 =	vmul.f32 v30, v32;
	v53 =	vld [tilespmem:s17+$0xFFFFFFE0];
	[tilespmem:s10+$0xFFFFFFE0] =	vst v33;
	v52 =	vperm.xlane v48, v0  }
0x41d: {  	s14 =	simm.s32 $0x26C1;
	s13 =	simm.s32 $0x26C2;
	s23 =	simm.s32 $0x26C5;
	v51 =	vld [tilespmem:s15+$0xFFFFFFF0];
	[tilespmem:s10+$0xFFFFFFF0] =	vst v63;
	v50 =	vsub.f32 $1.500000000e+00, v45;
	v45 =	vmul.f32 v30, v31;
	v46 =	vmul.f32 v42, v35  }
.LBB2_12:
0x41e: {  	p0 =	sne.s32 s23, $0x270F;
	v33 =	vld [tilespmem:s17+$0xFFFFFFF0];
	v48 =	vadd.f32 v48, v52;
	[tilespmem:s10+$0x0] =	vst v44;
	v11 =	vmul.f32 v30, v11;
	v44 =	vmovc v12;
	v12 =	vmov v25  }
0x41f: {  	v31 =	vsub.f32 v38, v39;
	v32 =	vmovc v10;
	v30 =	vmul.f32 v43, v50;
	v25 =	vsub.f32 $2.000000000e+00, v46;
	[tilespmem:s10+$0x10] =	vst v45  }
0x420: {  	v36 =	vsub.f32 v36, v47;
	v34 =	vsub.f32 v49, v34;
	v38 =	vperm.xlane v48, v1;
	[tilespmem:s10+$0x20] =	vst v11  }
0x421: {  	v10 =	vmovc v18;
	v45 =	vsub.f32 v40, v53;
	v46 =	vmul.f32 v30, v30;
	v39 =	vmul.f32 v25, v42  }
0x422: {  	v18 =	vmovc v27;
	v40 =	vmul.f32 v36, v36;
	v42 =	vmul.f32 v34, v34;
	v43 =	vld [tilespmem:s15+$0x20];
	v38 =	vadd.f32 v48, v38  }
0x423: {  	v11 =	vmovc v8;
	v25 =	vsub.f32 v51, v33;
	v27 =	vld [tilespmem:s15+$0x10];
	v33 =	vmul.f32 v46, v41;
	v35 =	vmul.f32 v39, v35  }
0x424: {  	v8 =	vmovc v19;
	v41 =	vmul.f32 v45, v45;
	v40 =	vadd.f32 v42, v40;
	v42 =	vld [tilespmem:s17+$0x10];
	v46 =	vperm.xlane v38, v2  }
0x425: {  	v48 =	vmov s14;
	v19 =	vmovc v26;
	s14 =	smov.u32 s13;
	s13 =	smov.u32 s9;
	s9 =	smov.u32 s2;
	v47 =	vld [tilespmem:s17+$0x20];
	v33 =	vsub.f32 $1.500000000e+00, v33;
	v35 =	vsub.f32 $2.000000000e+00, v35  }
0x426: {  	s2 =	smov.u32 s23;
	v26 =	vadd.f32 v41, v40;
	v40 =	vmul.f32 v25, v25;
	v41 =	vld [tilespmem:s15+$0x30];
	v38 =	vadd.f32 v38, v46  }
0x427: {  	v46 =	vld [tilespmem:s17+$0x30];
	v33 =	vmul.f32 v33, v30;
	v30 =	vmul.f32 v35, v39  }
0x428: {  	v35 =	vmul.f32 v31, v31;
	v26 =	vadd.f32 v40, v26;
	v39 =	vperm.xlane v38, v3  }
0x429: {  	v27 =	vsub.f32 v27, v42;
	v33 =	vmul.f32 v33, v37;
	v37 =	vmul.f32 v30, v17;
	v17 =	vmovc v23  }
0x42a: {  	s10 =	sadd.s32 $0x80, s10;
	v23 =	vmov v28;
	v40 =	vadd.f32 v35, v26;
	v26 =	vsub.f32 v43, v47;
	[tilespmem:v48+s19+$0x0] =	vst.idx.msk $0x1, v29  }
0x42b: {  	s15 =	sadd.s32 $0x80, s15;
	v43 =	vadd.f32 v38, v39;
	v42 =	vmul.f32 v27, v27;
	v35 =	vadd.f32 $1.000000000e+00, v33;
	[tilespmem:s10+$0x30] =	vst v37;
	v29 =	vmovc v33  }
0x42c: {  	s17 =	sadd.s32 $0x80, s17;
	v38 =	vld [tilespmem:s15+$0x0];
	v33 =	vmul.f32 v26, v26;
	v28 =	vsub.f32 v41, v46;
	v41 =	vmul.f32 v30, v7;
	v7 =	vmovc v15  }
0x42d: {  	v37 =	vmax.f32 v43, $1.000000000e-30;
	v15 =	vmovc v21;
	v21 =	vmovc v36;
	v39 =	vld [tilespmem:s17+$0x0];
	v42 =	vadd.f32 v42, v40;
	v46 =	vsub.s32 $0x7EF311C3, v35  }
0x42e: {  	v49 =	vmul.f32 v30, v4;
	v4 =	vmovc v13;
	v43 =	vshra.s32 v37, $0x1;
	v40 =	vld [tilespmem:s15+$0xFFFFFFE0];
	v48 =	vmul.f32 v46, v35;
	[tilespmem:s10+$0xFFFFFFC0] =	vst v41  }
0x42f: {  	v13 =	vmovc v20;
	v20 =	vmovc v34;
	v43 =	vsub.s32 $0x5F3759DF, v43;
	v36 =	vld [tilespmem:s15+$0xFFFFFFC0];
	v33 =	vadd.f32 v33, v42;
	v42 =	vmul.f32 v28, v28  }
.Ltmp5:
0x430: {  	v41 =	vmul.f32 $5.000000000e-01, v37;
	v50 =	vmul.f32 v43, v43;
	v47 =	vld [tilespmem:s17+$0xFFFFFFC0];
	v51 =	vsub.f32 $2.000000000e+00, v48;
	[tilespmem:s10+$0xFFFFFFD0] =	vst v49;
	(pc) =	sbr.rel @p0 .LBB2_12-.Ltmp5, $4  }
0x431: {  	v54 =	vmul.f32 v30, v9;
	v49 =	vld [tilespmem:s15+$0xFFFFFFD0];
	v48 =	vadd.f32 v42, v33;
	v33 =	vmul.f32 v30, v5;
	v5 =	vmovc v14  }
0x432: {  	v9 =	vmovc v44;
	v50 =	vmul.f32 v50, v41;
	v14 =	vmovc v22;
	v22 =	vmov v45;
	v34 =	vld [tilespmem:s17+$0xFFFFFFD0];
	v42 =	vmul.f32 v46, v51  }
0x433: {  	v44 =	vmul.f32 v30, v6;
	v6 =	vmovc v16;
	v16 =	vmov v24;
	v53 =	vld [tilespmem:s17+$0xFFFFFFE0];
	v52 =	vperm.xlane v48, v0;
	[tilespmem:s10+$0xFFFFFFE0] =	vst v33  }
0x434: {  	s23 =	sadd.s32 $0x1, s23;
	v24 =	vmovc v31;
	v45 =	vmul.f32 v30, v32;
	v50 =	vsub.f32 $1.500000000e+00, v50;
	v51 =	vld [tilespmem:s15+$0xFFFFFFF0];
	v46 =	vmul.f32 v42, v35;
	[tilespmem:s10+$0xFFFFFFF0] =	vst v54  }
0x435: {  	_ = 	snop  }
0x436: {  	v54 =	vld [tilespmem:s17+$0xFFFFFFF0]  }
0x437: {  	v33 =	vsub.f32 v36, v47;
	v32 =	vsub.f32 v49, v34;
	_ =	sdelay $0x1  }
0x438: {  	v47 =	vld [tilespmem:s15+$0x10];
	v36 =	vmul.f32 v33, v33;
	v31 =	vsub.f32 v40, v53;
	v61 =	vmul.f32 v32, v32  }
0x439: {  	v62 =	vld [tilespmem:s17+$0x10]  }
0x43a: {  	v57 =	vld [tilespmem:s17+$0x20];
	v34 =	vsub.f32 v51, v54;
	v63 =	vmul.f32 v31, v31;
	v40 =	vadd.f32 v61, v36  }
0x43b: {  	v53 =	vld [tilespmem:s15+$0x20]  }
0x43c: {  	v60 =	vld [tilespmem:s15+$0x30];
	v36 =	vsub.f32 v38, v39;
	v59 =	vmul.f32 v34, v34;
	v58 =	vadd.f32 v63, v40  }
0x43d: {  	v61 =	vld [tilespmem:s17+$0x30]  }
0x43e: {  	v38 =	vsub.f32 v47, v62;
	v62 =	vmul.f32 v36, v36;
	v39 =	vadd.f32 v59, v58;
	_ =	sdelay $0x1  }
0x43f: {  	v49 =	vmul.f32 v38, v38;
	v47 =	vadd.f32 v62, v39;
	v39 =	vsub.f32 v53, v57  }
0x440: {  	v48 =	vadd.f32 v48, v52  }
0x441: {  	v40 =	vsub.f32 v60, v61;
	v63 =	vmul.f32 v39, v39;
	v47 =	vadd.f32 v49, v47  }
0x442: {  	v55 =	vperm.xlane v48, v1  }
0x443: {  	v51 =	vmul.f32 v40, v40;
	v47 =	vadd.f32 v63, v47  }
0x444: {  	v48 =	vadd.f32 v48, v55  }
0x445: {  	v47 =	vadd.f32 v51, v47  }
0x446: {  	v49 =	vperm.xlane v48, v2  }
0x447: {  	v51 =	vperm.xlane v47, v0  }
0x448: {  	v48 =	vadd.f32 v48, v49  }
0x449: {  	v47 =	vadd.f32 v47, v51  }
0x44a: {  	v49 =	vperm.xlane v48, v3  }
0x44b: {  	v51 =	vperm.xlane v47, v1  }
0x44c: {  	v48 =	vadd.f32 v48, v49  }
0x44d: {  	v47 =	vadd.f32 v47, v51  }
0x44e: {  	v43 =	vmul.f32 v43, v50;
	v48 =	vmax.f32 v48, $1.000000000e-30  }
0x44f: {  	v56 =	vshra.s32 v48, $0x1;
	v57 =	vperm.xlane v47, v2  }
0x450: {  	v58 =	vmul.f32 v43, v43;
	v49 =	vsub.s32 $0x5F3759DF, v56  }
0x451: {  	v59 =	vmul.f32 $5.000000000e-01, v48;
	v60 =	vmul.f32 v49, v49;
	v47 =	vadd.f32 v47, v57  }
0x452: {  	v41 =	vmul.f32 v58, v41  }
0x453: {  	v61 =	vmul.f32 v60, v59;
	v62 =	vperm.xlane v47, v3  }
0x454: {  	v41 =	vsub.f32 $1.500000000e+00, v41  }
0x455: {  	v50 =	vsub.f32 $1.500000000e+00, v61;
	v47 =	vadd.f32 v47, v62  }
0x456: {  	v41 =	vmul.f32 v41, v43  }
0x457: {  	v63 =	vmul.f32 v49, v50;
	v47 =	vmax.f32 v47, $1.000000000e-30  }
0x458: {  	v37 =	vmul.f32 v41, v37;
	v56 =	vshra.s32 v47, $0x1  }
0x459: {  	v49 =	vmul.f32 v63, v63;
	v41 =	vsub.s32 $0x5F3759DF, v56  }
0x45a: {  	v50 =	vadd.f32 $1.000000000e+00, v37;
	v57 =	vmul.f32 $5.000000000e-01, v47;
	v58 =	vmul.f32 v41, v41  }
0x45b: {  	v46 =	vsub.f32 $2.000000000e+00, v46;
	v49 =	vmul.f32 v49, v59  }
0x45c: {  	v59 =	vsub.s32 $0x7EF311C3, v50;
	v53 =	vmul.f32 v58, v57  }
0x45d: {  	v42 =	vmul.f32 v46, v42;
	v60 =	vmul.f32 v59, v50;
	v49 =	vsub.f32 $1.500000000e+00, v49  }
0x45e: {  	v53 =	vsub.f32 $1.500000000e+00, v53  }
0x45f: {  	v35 =	vmul.f32 v42, v35;
	v46 =	vsub.f32 $2.000000000e+00, v60;
	v43 =	vmul.f32 v49, v63  }
0x460: {  	v41 =	vmul.f32 v41, v53  }
0x461: {  	v35 =	vsub.f32 $2.000000000e+00, v35;
	v46 =	vmul.f32 v59, v46;
	v43 =	vmul.f32 v43, v48  }
0x462: {  	v61 =	vmov s14;
	v62 =	vmul.f32 v41, v41  }
0x463: {  	v35 =	vmul.f32 v35, v42;
	v63 =	vmul.f32 v46, v50;
	v52 =	vadd.f32 $1.000000000e+00, v43  }
0x464: {  	[tilespmem:s10+$0x0] =	vst v44;
	v11 =	vmul.f32 v30, v11;
	v54 =	vmul.f32 v62, v57  }
0x465: {  	[tilespmem:s10+$0x10] =	vst v45;
	v17 =	vmul.f32 v35, v17;
	v42 =	vsub.f32 $2.000000000e+00, v63;
	v55 =	vsub.s32 $0x7EF311C3, v52  }
0x466: {  	[tilespmem:s10+$0x20] =	vst v11;
	v7 =	vmul.f32 v35, v7;
	v56 =	vmul.f32 v55, v52;
	v30 =	vsub.f32 $1.500000000e+00, v54  }
0x467: {  	v5 =	vmul.f32 v35, v5;
	s14 =	sadd.s32 $0x80, s10;
	[tilespmem:v61+s19+$0x0] =	vst.idx.msk $0x1, v29;
	v57 =	vmul.f32 v42, v46  }
0x468: {  	v4 =	vmul.f32 v35, v4;
	[tilespmem:s14+$0x30] =	vst v17;
	v11 =	vsub.f32 $2.000000000e+00, v56;
	v58 =	vmul.f32 v30, v41  }
0x469: {  	[tilespmem:s14+$0xFFFFFFE0] =	vst v5;
	v5 =	vmul.f32 v35, v6;
	v60 =	vmul.f32 v57, v50  }
0x46a: {  	[tilespmem:s14+$0xFFFFFFD0] =	vst v4;
	v4 =	vmul.f32 v55, v11;
	v11 =	vmul.f32 v58, v47  }
0x46b: {  	[tilespmem:s14+$0x0] =	vst v5;
	v5 =	vmul.f32 v35, v8;
	v62 =	vmov s13;
	v61 =	vsub.f32 $2.000000000e+00, v60  }
0x46c: {  	[tilespmem:s14+$0xFFFFFFC0] =	vst v7;
	v59 =	vmul.f32 v35, v9;
	v30 =	vmul.f32 v4, v52;
	v17 =	vadd.f32 $1.000000000e+00, v11  }
0x46d: {  	[tilespmem:s14+$0x20] =	vst v5;
	v63 =	vmul.f32 v35, v10;
	v50 =	vmov s9;
	v6 =	vmul.f32 v61, v57  }
0x46e: {  	[tilespmem:s14+$0xFFFFFFF0] =	vst v59;
	v35 =	vsub.f32 $2.000000000e+00, v30;
	v41 =	vsub.s32 $0x7EF311C3, v17  }
0x46f: {  	v59 =	vmov s2;
	[tilespmem:s14+$0x10] =	vst v63;
	v5 =	vmul.f32 v6, v23;
	v42 =	vmul.f32 v41, v17  }
0x470: {  	s10 =	sadd.s32 $0x80, s14;
	[tilespmem:v62+s19+$0x0] =	vst.idx.msk $0x1, v37;
	v4 =	vmul.f32 v35, v4  }
0x471: {  	[tilespmem:s10+$0x30] =	vst v5;
	v5 =	vmul.f32 v6, v13;
	v45 =	vsub.f32 $2.000000000e+00, v42  }
0x472: {  	[tilespmem:v50+s19+$0x0] =	vst.idx.msk $0x1, v43;
	v47 =	vmul.f32 v4, v52  }
0x473: {  	[tilespmem:s10+$0xFFFFFFD0] =	vst v5;
	v5 =	vmul.f32 v6, v12;
	v7 =	vmul.f32 v41, v45  }
0x474: {  	v44 =	vmul.f32 v6, v15;
	[tilespmem:v59+s19+$0x0] =	vst.idx.msk $0x1, v11  }
0x475: {  	v49 =	vsub.f32 $2.000000000e+00, v47;
	[tilespmem:s10+$0xFFFFFFF0] =	vst v5;
	v5 =	vmul.f32 v6, v18;
	v51 =	vmul.f32 v7, v17  }
0x476: {  	v46 =	vmul.f32 v6, v14;
	[tilespmem:s10+$0xFFFFFFC0] =	vst v44  }
0x477: {  	v48 =	vmul.f32 v6, v16;
	v4 =	vmul.f32 v49, v4;
	[tilespmem:s10+$0x10] =	vst v5;
	v5 =	vsub.f32 $2.000000000e+00, v51  }
0x478: {  	[tilespmem:s10+$0xFFFFFFE0] =	vst v46;
	v6 =	vmul.f32 v6, v19  }
0x479: {  	[tilespmem:s10+$0x0] =	vst v48;
	v52 =	vmul.f32 v4, v28;
	v5 =	vmul.f32 v5, v7  }
0x47a: {  	s15 =	sadd.s32 $0x80, s10;
	[tilespmem:s10+$0x20] =	vst v6;
	v53 =	vmul.f32 v4, v21  }
0x47b: {  	v54 =	vmul.f32 v4, v20;
	[tilespmem:s15+$0x30] =	vst v52;
	v56 =	vmul.f32 v5, v17  }
0x47c: {  	v55 =	vmul.f32 v4, v22;
	[tilespmem:s15+$0xFFFFFFC0] =	vst v53  }
0x47d: {  	v57 =	vmul.f32 v4, v25;
	[tilespmem:s15+$0xFFFFFFD0] =	vst v54;
	v8 =	vsub.f32 $2.000000000e+00, v56  }
0x47e: {  	v58 =	vmul.f32 v4, v24;
	v60 =	vmul.f32 v4, v27;
	[tilespmem:s15+$0xFFFFFFE0] =	vst v55  }
0x47f: {  	v4 =	vmul.f32 v4, v26;
	[tilespmem:s15+$0xFFFFFFF0] =	vst v57;
	v5 =	vmul.f32 v8, v5  }
0x480: {  	[tilespmem:s15+$0x0] =	vst v58  }
0x481: {  	[tilespmem:s15+$0x20] =	vst v4;
	v4 =	vmul.f32 v5, v40  }
0x482: {  	s17 =	sadd.s32 $0x80, s15;
	[tilespmem:s15+$0x10] =	vst v60;
	v61 =	vmul.f32 v5, v33  }
0x483: {  	[tilespmem:s17+$0x30] =	vst v4;
	v4 =	vmul.f32 v5, v32  }
0x484: {  	v62 =	vmul.f32 v5, v31;
	[tilespmem:s17+$0xFFFFFFC0] =	vst v61  }
0x485: {  	[tilespmem:s17+$0xFFFFFFD0] =	vst v4;
	v4 =	vmul.f32 v5, v34  }
0x486: {  	v63 =	vmul.f32 v5, v36;
	[tilespmem:s17+$0xFFFFFFE0] =	vst v62  }
0x487: {  	[tilespmem:s17+$0xFFFFFFF0] =	vst v4;
	v4 =	vmul.f32 v5, v38  }
0x488: {  	[tilespmem:s17+$0x0] =	vst v63;
	v5 =	vmul.f32 v5, v39  }
0x489: {  	[tilespmem:s17+$0x10] =	vst v4  }
0x48a: {  	[tilespmem:s17+$0x20] =	vst v5  }
0x48b: {  	s23 =	simm.s32 $0xB;
	s2 =	rddreg [dreg:$0x9]  }
0x48c: {  	[hbm4b:s2+s4] =	stream.linear.scatter [tilespmem:s6], [sflag:$0xA], $0x2800, $0x38;
	[tilespmem:$0x1DE80] =	vst v63  }
0x48d: {  	_ =	swait.ge [sflag:s23], $0x2800  }
0x48e: {  	[sflag:s23] =	ssyncset.done $0x0  }
0x48f: {  	[sflag:s23] =	ssyncadd.s32 $0xFFFFD800  }
0x490: {  	_ =	swait.ge [sflag:s18], $0x2800  }
0x491: {  	[sflag:s18] =	ssyncset.done $0x0  }
0x492: {  	[sflag:s18] =	ssyncadd.s32 $0xFFFFD800  }
0x493: {  	_ =	swait.ge [sflag:s24], $0x2800  }
0x494: {  	[sflag:s24] =	ssyncset.done $0x0  }
0x495: {  	s29 =	simm.s32 $0xC;
	s25 =	rddreg [dreg:$0xa];
	[sflag:s24] =	ssyncadd.s32 $0xFFFFD800  }
0x496: {  	[hbm4b:s25+s4] =	stream.linear.scatter [tilespmem:s19], [sflag:$0xC], $0x2710, $0x38;
	[tilespmem:$0x1DE80] =	vst v63  }
0x497: {  	_ =	swait.ge [sflag:s29], $0x2710  }
0x498: {  	s30 =	rddreg [dreg:$0xc]  }
0x499: {  	s31 =	rddreg [dreg:$0xb];
	s10 =	sadd.s32 $0x1, s30  }
0x49a: {  	p0 =	sne.s32 s10, s31  }
.Ltmp6:
0x49b: {  	_ = 	snop;
	(pc) =	sbr.rel @p0 .LBB2_1-.Ltmp6, $3  }
0x49c: {  	_ =	sdelay $0x1  }
0x49d: {  	[sflag:s29] =	ssyncset.done $0x0  }
0x49e: {  	[sflag:s29] =	ssyncadd.s32 $0xFFFFD8F0  }
0x49f: {  	_ =	sfence.sel $0x180000  }
0x4a0: {  	[bflag:$0x0] =	sbarrier.arrive $0xFFFF  }
0x4a1: {  	_ =	strace $0x90000047  }
0x4a2: {  	s0 =	stileid.u32;
	[bflag:$0x2] =	sbarrier.arrive $0xFFFF  }
0x4a3: {  	p0 =	sne.s32 s0, $0x0;
	s0 =	rddreg [dreg:$0x5]  }
0x4a4: {  	s0 =	sadd.s32 @!p0 $0x100000, s0  }
0x4a5: {  	[sflag:s0] =	ssyncadd.tile.s32 @!p0 $0x1;
	_ =	shalt  }
.Lfunc_end2:
_tile_overlayer_lowered:
.L_overlay_start_2:
0x4a6: {  	(tag) =	ssettag $0x2  }
0x4a7: {  	s0 =	rddreg [dreg:$0x0];
	s2 =	stileid.u32  }
0x4a8: {  	s1 =	rddreg [dreg:$0x1];
	p0 =	sne.s32 s2, $0x0  }
0x4a9: {  	s3 =	rddreg [dreg:$0x2];
	[bflag:$0x3] =	sbarrier.arrive $0xFFFF;
	s2 =	simm.s32 @!p0 $0x1C0D  }
0x4aa: {  	[timem:s3], [sflag:s2] =	dma.local @!p0 [hbm:s0], s1  }
0x4ab: {  	s0 =	simm.s32 @!p0 $0xD  }
0x4ac: {  	_ =	swait.ge @!p0 [sflag:s0], s1  }
0x4ad: {  	s1 =	ssub.s32 @!p0 $0x0, s1;
	[sflag:s0] =	ssyncset.done @!p0 $0x0  }
0x4ae: {  	[sflag:s0] =	ssyncadd.s32 @!p0 s1  }
0x4af: {  	[bflag:$0x3] =	sbarrier.arrive $0xFFFF  }
0x4b0: {  	_ =	shalt  }

</sc_bundles>
